<compile_context>
chip_gen: v7x
topology: tpu7x:2x2x1
jax: 0.10.2.dev20260603
libtpu: 0.0.44.dev20260713+nightly
codegen_flags: <defaults>
</compile_context>

<pallas_src>
import functools

import jax
import jax.numpy as jnp
from jax import lax
from jax.experimental import pallas as pl
from jax.experimental.pallas import tpu as pltpu
from jax.experimental.pallas import tpu_sc as plsc

B = 16384
NUM_LABELS = 500
NUM_MODALITIES = 4
D = 768

_INFO = plsc.get_sparse_core_info()
NC = _INFO.num_cores
NS = _INFO.num_subcores
L = _INFO.num_lanes
NW = NC * NS
BPW = B // NW
CHUNK = 32
NCHUNK = BPW // CHUNK
NBUF = 4
LAG = 2


LPAD = 512


def _combine_body(mod_ref, label_ref, out_ref):
    for m in range(NUM_MODALITIES):
        out_ref[pl.ds(m * LPAD, NUM_LABELS), :] = (
            label_ref[...] + mod_ref[pl.ds(m, 1), :])


def _build_combined(modality_embed, label_embed):
    return pl.pallas_call(
        _combine_body,
        out_shape=jax.ShapeDtypeStruct(
            (NUM_MODALITIES * LPAD, D), jnp.float32),
    )(modality_embed, label_embed)


_MESH = plsc.VectorSubcoreMesh(core_axis_name="c", subcore_axis_name="s")


@functools.partial(
    pl.kernel,
    mesh=_MESH,
    out_type=jax.ShapeDtypeStruct((B, D), jnp.float32),
    scratch_types=[
        pltpu.VMEM((BPW,), jnp.int32),
        pltpu.VMEM((BPW,), jnp.int32),
        pltpu.VMEM((BPW,), jnp.int32),
        pltpu.VMEM((NBUF, CHUNK, D), jnp.float32),
    ] + [pltpu.SemaphoreType.DMA] * (2 * NBUF),
)
def _sc_gather(comb_hbm, lc_hbm, mc_hbm, out_hbm,
               lc_v, mc_v, idx_v, rows_v, *sems):
    gsems, wsems = sems[:NBUF], sems[NBUF:]
    wid = lax.axis_index("s") * NC + lax.axis_index("c")
    base = wid * BPW
    pltpu.sync_copy(lc_hbm.at[pl.ds(base, BPW)], lc_v)
    pltpu.sync_copy(mc_hbm.at[pl.ds(base, BPW)], mc_v)
    for j in range(BPW // L):
        sl = pl.ds(j * L, L)
        idx_v[sl] = mc_v[sl] * LPAD + lc_v[sl]

    gh = [None] * NBUF
    wh = [None] * NBUF
    for t in range(NCHUNK + LAG):
        if t < NCHUNK:
            b = t % NBUF
            if wh[b] is not None:
                wh[b].wait()
                wh[b] = None
            gh[b] = pltpu.async_copy(
                comb_hbm.at[idx_v.at[pl.ds(t * CHUNK, CHUNK)]],
                rows_v.at[b], gsems[b])
        d = t - LAG
        if d >= 0:
            b = d % NBUF
            gh[b].wait()
            wh[b] = pltpu.async_copy(
                rows_v.at[b],
                out_hbm.at[pl.ds(base + d * CHUNK, CHUNK)], wsems[b])
    for b in range(NBUF):
        if wh[b] is not None:
            wh[b].wait()


def kernel(label_code, modality_code, label_embed, modality_embed):
    lc = label_code.astype(jnp.int32)
    mc = modality_code.astype(jnp.int32)
    combined = _build_combined(modality_embed, label_embed)
    return _sc_gather(combined, lc, mc)

# --- scband reference (transcript-rebuilt; emitter-appended) ---
"""Pipeline reference for scband-random-embed-17446157157029 (READ-ONLY COPY).

The authoritative reference and input builder live on the scoring server;
editing this copy changes nothing except your own understanding.
"""

import jax, jax.numpy as jnp
import numpy as np

B = 16384
NUM_LABELS = 500
NUM_MODALITIES = 4
D = 768

def setup_inputs(seed: int = 0) -> dict:
    key = jax.random.key(seed)
    k1, k2, k3, k4 = jax.random.split(key, 4)
    label_code = jax.random.randint(k1, (B,), 0, NUM_LABELS, dtype=jnp.int64 if jax.config.jax_enable_x64 else jnp.int32)
    modality_code = jax.random.randint(k2, (B,), 0, NUM_MODALITIES, dtype=jnp.int64 if jax.config.jax_enable_x64 else jnp.int32)
    label_embed = jax.random.normal(k3, (NUM_LABELS, D), dtype=jnp.float32)
    modality_embed = jax.random.normal(k4, (NUM_MODALITIES, D), dtype=jnp.float32)
    return {"label_code": label_code, "modality_code": modality_code, "label_embed": label_embed, "modality_embed": modality_embed}

def reference(label_code, modality_code, label_embed, modality_embed):
    # query_embed = label_embed(label_code); modality_feature = modality_embed(modality_code)
    query_embed = jnp.take(label_embed, label_code, axis=0)
    modality_feature = jnp.take(modality_embed, modality_code, axis=0)
    return modality_feature + query_embed

if __name__ == "__main__":
    import jax
    _d = setup_inputs()
    print(jax.jit(kernel)(*tuple(_d.values())))

</pallas_src>

<mosaic_0001>
#map = affine_map<(d0, d1) -> (0, 0)>
#map1 = affine_map<(d0, d1) -> (0)>
module attributes {stable_mosaic.version = 14 : i64} {
  func.func @_sc_gather(%arg0: i32, %arg1: i32, %arg2: memref<2048x768xf32, #tpu.memory_space<hbm>>, %arg3: memref<16384xi32, #tpu.memory_space<hbm>>, %arg4: memref<16384xi32, #tpu.memory_space<hbm>>, %arg5: memref<16384x768xf32, #tpu.memory_space<hbm>>, %arg6: memref<512xi32, #tpu.memory_space<vmem>>, %arg7: memref<512xi32, #tpu.memory_space<vmem>>, %arg8: memref<512xi32, #tpu.memory_space<vmem>>, %arg9: memref<4x32x768xf32, #tpu.memory_space<vmem>>, %arg10: memref<!tpu.dma_semaphore, #tpu.memory_space<semaphore_mem>>, %arg11: memref<!tpu.dma_semaphore, #tpu.memory_space<semaphore_mem>>, %arg12: memref<!tpu.dma_semaphore, #tpu.memory_space<semaphore_mem>>, %arg13: memref<!tpu.dma_semaphore, #tpu.memory_space<semaphore_mem>>, %arg14: memref<!tpu.dma_semaphore, #tpu.memory_space<semaphore_mem>>, %arg15: memref<!tpu.dma_semaphore, #tpu.memory_space<semaphore_mem>>, %arg16: memref<!tpu.dma_semaphore, #tpu.memory_space<semaphore_mem>>, %arg17: memref<!tpu.dma_semaphore, #tpu.memory_space<semaphore_mem>>) attributes {dimension_semantics = [#tpu.dimension_semantics<core_parallel>, #tpu.dimension_semantics<subcore_parallel>], iteration_bounds = array<i64: 2, 16>, scalar_prefetch = 0 : i64, scratch_operands = 12 : i64, tpu.core_type = #tpu.core_type<sc_vector_subcore>, window_params = [{transform_indices = #map}, {transform_indices = #map1}, {transform_indices = #map1}, {transform_indices = #map}]} {
    %mul3A = arith.constant 2 : i32
    %mul3A_0 = arith.muli %arg1, %mul3A : i32
    %add3A = arith.addi %mul3A_0, %arg0 : i32
    %mul3A_1 = arith.constant 512 : i32
    %mul3A_2 = arith.muli %add3A, %mul3A_1 : i32
    "tpu.region"() ({
      %run_scoped3A = tpu.sem_alloc : memref<!tpu.dma_semaphore, #tpu.memory_space<semaphore_mem>>
      %dma_start3A_1215 = tpu.memref_slice %arg3[%mul3A_2] : memref<16384xi32, #tpu.memory_space<hbm>> -> memref<512xi32, #tpu.memory_space<hbm>>
      %dma_start3A_1216 = tpu.memref_slice %arg3[%mul3A_2] : memref<16384xi32, #tpu.memory_space<hbm>> -> memref<512xi32, #tpu.memory_space<hbm>>
      tpu.enqueue_dma source(%dma_start3A_1216 : memref<512xi32, #tpu.memory_space<hbm>>) target(%arg6 : memref<512xi32, #tpu.memory_space<vmem>>) target_semaphore(%run_scoped3A : memref<!tpu.dma_semaphore, #tpu.memory_space<semaphore_mem>>)
      %dma_wait3A_1217 = tpu.memref_slice %arg3[%mul3A_2] : memref<16384xi32, #tpu.memory_space<hbm>> -> memref<512xi32, #tpu.memory_space<hbm>>
      %dma_wait3A_1218 = tpu.memref_slice %arg3[%mul3A_2] : memref<16384xi32, #tpu.memory_space<hbm>> -> memref<512xi32, #tpu.memory_space<hbm>>
      tpu.wait_dma2 semaphore(%run_scoped3A : memref<!tpu.dma_semaphore, #tpu.memory_space<semaphore_mem>>) src(%dma_wait3A_1218 : memref<512xi32, #tpu.memory_space<hbm>>) dst(%arg6 : memref<512xi32, #tpu.memory_space<vmem>>)
      tpu.yield
    }) : () -> ()
    "tpu.region"() ({
      %run_scoped3A = tpu.sem_alloc : memref<!tpu.dma_semaphore, #tpu.memory_space<semaphore_mem>>
      %dma_start3A_1215 = tpu.memref_slice %arg4[%mul3A_2] : memref<16384xi32, #tpu.memory_space<hbm>> -> memref<512xi32, #tpu.memory_space<hbm>>
      %dma_start3A_1216 = tpu.memref_slice %arg4[%mul3A_2] : memref<16384xi32, #tpu.memory_space<hbm>> -> memref<512xi32, #tpu.memory_space<hbm>>
      tpu.enqueue_dma source(%dma_start3A_1216 : memref<512xi32, #tpu.memory_space<hbm>>) target(%arg7 : memref<512xi32, #tpu.memory_space<vmem>>) target_semaphore(%run_scoped3A : memref<!tpu.dma_semaphore, #tpu.memory_space<semaphore_mem>>)
      %dma_wait3A_1217 = tpu.memref_slice %arg4[%mul3A_2] : memref<16384xi32, #tpu.memory_space<hbm>> -> memref<512xi32, #tpu.memory_space<hbm>>
      %dma_wait3A_1218 = tpu.memref_slice %arg4[%mul3A_2] : memref<16384xi32, #tpu.memory_space<hbm>> -> memref<512xi32, #tpu.memory_space<hbm>>
      tpu.wait_dma2 semaphore(%run_scoped3A : memref<!tpu.dma_semaphore, #tpu.memory_space<semaphore_mem>>) src(%dma_wait3A_1218 : memref<512xi32, #tpu.memory_space<hbm>>) dst(%arg7 : memref<512xi32, #tpu.memory_space<vmem>>)
      tpu.yield
    }) : () -> ()
    %get3A = arith.constant 0 : index
    %get3A_3 = tpu.vector_load %arg7[%get3A] {strides = array<i32>} : memref<512xi32, #tpu.memory_space<vmem>>, vector<16xi32>,
    %get3A_4 = vector.shape_cast %get3A_3 : vector<16xi32> to vector<16xi32>
    %mul3A_5 = arith.constant 512 : i32
    %mul3A_6 = vector.broadcast %mul3A_5 : i32 to vector<16xi32>
    %mul3A_7 = arith.muli %get3A_4, %mul3A_6 : vector<16xi32>
    %get3A_8 = arith.constant 0 : index
    %get3A_9 = tpu.vector_load %arg6[%get3A_8] {strides = array<i32>} : memref<512xi32, #tpu.memory_space<vmem>>, vector<16xi32>,
    %get3A_10 = vector.shape_cast %get3A_9 : vector<16xi32> to vector<16xi32>
    %add3A_11 = arith.addi %mul3A_7, %get3A_10 : vector<16xi32>
    %swap3A = arith.constant 0 : index
    %swap3A_12 = tpu.vector_load %arg8[%swap3A] {strides = array<i32>} : memref<512xi32, #tpu.memory_space<vmem>>, vector<16xi32>,
    %swap3A_13 = vector.shape_cast %swap3A_12 : vector<16xi32> to vector<16xi32>
    %swap3A_14 = vector.shape_cast %add3A_11 : vector<16xi32> to vector<16xi32>
    tpu.vector_store %arg8[%swap3A], %swap3A_14 {strides = array<i32>} : memref<512xi32, #tpu.memory_space<vmem>>, vector<16xi32>,
    %get3A_15 = arith.constant 16 : index
    %get3A_16 = tpu.vector_load %arg7[%get3A_15] {strides = array<i32>} : memref<512xi32, #tpu.memory_space<vmem>>, vector<16xi32>,
    %get3A_17 = vector.shape_cast %get3A_16 : vector<16xi32> to vector<16xi32>
    %mul3A_18 = arith.constant 512 : i32
    %mul3A_19 = vector.broadcast %mul3A_18 : i32 to vector<16xi32>
    %mul3A_20 = arith.muli %get3A_17, %mul3A_19 : vector<16xi32>
    %get3A_21 = arith.constant 16 : index
    %get3A_22 = tpu.vector_load %arg6[%get3A_21] {strides = array<i32>} : memref<512xi32, #tpu.memory_space<vmem>>, vector<16xi32>,
    %get3A_23 = vector.shape_cast %get3A_22 : vector<16xi32> to vector<16xi32>
    %add3A_24 = arith.addi %mul3A_20, %get3A_23 : vector<16xi32>
    %swap3A_25 = arith.constant 16 : index
    %swap3A_26 = tpu.vector_load %arg8[%swap3A_25] {strides = array<i32>} : memref<512xi32, #tpu.memory_space<vmem>>, vector<16xi32>,
    %swap3A_27 = vector.shape_cast %swap3A_26 : vector<16xi32> to vector<16xi32>
    %swap3A_28 = vector.shape_cast %add3A_24 : vector<16xi32> to vector<16xi32>
    tpu.vector_store %arg8[%swap3A_25], %swap3A_28 {strides = array<i32>} : memref<512xi32, #tpu.memory_space<vmem>>, vector<16xi32>,
    %get3A_29 = arith.constant 32 : index
    %get3A_30 = tpu.vector_load %arg7[%get3A_29] {strides = array<i32>} : memref<512xi32, #tpu.memory_space<vmem>>, vector<16xi32>,
    %get3A_31 = vector.shape_cast %get3A_30 : vector<16xi32> to vector<16xi32>
    %mul3A_32 = arith.constant 512 : i32
    %mul3A_33 = vector.broadcast %mul3A_32 : i32 to vector<16xi32>
    %mul3A_34 = arith.muli %get3A_31, %mul3A_33 : vector<16xi32>
    %get3A_35 = arith.constant 32 : index
    %get3A_36 = tpu.vector_load %arg6[%get3A_35] {strides = array<i32>} : memref<512xi32, #tpu.memory_space<vmem>>, vector<16xi32>,
    %get3A_37 = vector.shape_cast %get3A_36 : vector<16xi32> to vector<16xi32>
    %add3A_38 = arith.addi %mul3A_34, %get3A_37 : vector<16xi32>
    %swap3A_39 = arith.constant 32 : index
    %swap3A_40 = tpu.vector_load %arg8[%swap3A_39] {strides = array<i32>} : memref<512xi32, #tpu.memory_space<vmem>>, vector<16xi32>,
    %swap3A_41 = vector.shape_cast %swap3A_40 : vector<16xi32> to vector<16xi32>
    %swap3A_42 = vector.shape_cast %add3A_38 : vector<16xi32> to vector<16xi32>
    tpu.vector_store %arg8[%swap3A_39], %swap3A_42 {strides = array<i32>} : memref<512xi32, #tpu.memory_space<vmem>>, vector<16xi32>,
    %get3A_43 = arith.constant 48 : index
    %get3A_44 = tpu.vector_load %arg7[%get3A_43] {strides = array<i32>} : memref<512xi32, #tpu.memory_space<vmem>>, vector<16xi32>,
    %get3A_45 = vector.shape_cast %get3A_44 : vector<16xi32> to vector<16xi32>
    %mul3A_46 = arith.constant 512 : i32
    %mul3A_47 = vector.broadcast %mul3A_46 : i32 to vector<16xi32>
    %mul3A_48 = arith.muli %get3A_45, %mul3A_47 : vector<16xi32>
    %get3A_49 = arith.constant 48 : index
    %get3A_50 = tpu.vector_load %arg6[%get3A_49] {strides = array<i32>} : memref<512xi32, #tpu.memory_space<vmem>>, vector<16xi32>,
    %get3A_51 = vector.shape_cast %get3A_50 : vector<16xi32> to vector<16xi32>
    %add3A_52 = arith.addi %mul3A_48, %get3A_51 : vector<16xi32>
    %swap3A_53 = arith.constant 48 : index
    %swap3A_54 = tpu.vector_load %arg8[%swap3A_53] {strides = array<i32>} : memref<512xi32, #tpu.memory_space<vmem>>, vector<16xi32>,
    %swap3A_55 = vector.shape_cast %swap3A_54 : vector<16xi32> to vector<16xi32>
    %swap3A_56 = vector.shape_cast %add3A_52 : vector<16xi32> to vector<16xi32>
    tpu.vector_store %arg8[%swap3A_53], %swap3A_56 {strides = array<i32>} : memref<512xi32, #tpu.memory_space<vmem>>, vector<16xi32>,
    %get3A_57 = arith.constant 64 : index
    %get3A_58 = tpu.vector_load %arg7[%get3A_57] {strides = array<i32>} : memref<512xi32, #tpu.memory_space<vmem>>, vector<16xi32>,
    %get3A_59 = vector.shape_cast %get3A_58 : vector<16xi32> to vector<16xi32>
    %mul3A_60 = arith.constant 512 : i32
    %mul3A_61 = vector.broadcast %mul3A_60 : i32 to vector<16xi32>
    %mul3A_62 = arith.muli %get3A_59, %mul3A_61 : vector<16xi32>
    %get3A_63 = arith.constant 64 : index
    %get3A_64 = tpu.vector_load %arg6[%get3A_63] {strides = array<i32>} : memref<512xi32, #tpu.memory_space<vmem>>, vector<16xi32>,
    %get3A_65 = vector.shape_cast %get3A_64 : vector<16xi32> to vector<16xi32>
    %add3A_66 = arith.addi %mul3A_62, %get3A_65 : vector<16xi32>
    %swap3A_67 = arith.constant 64 : index
    %swap3A_68 = tpu.vector_load %arg8[%swap3A_67] {strides = array<i32>} : memref<512xi32, #tpu.memory_space<vmem>>, vector<16xi32>,
    %swap3A_69 = vector.shape_cast %swap3A_68 : vector<16xi32> to vector<16xi32>
    %swap3A_70 = vector.shape_cast %add3A_66 : vector<16xi32> to vector<16xi32>
    tpu.vector_store %arg8[%swap3A_67], %swap3A_70 {strides = array<i32>} : memref<512xi32, #tpu.memory_space<vmem>>, vector<16xi32>,
    %get3A_71 = arith.constant 80 : index
    %get3A_72 = tpu.vector_load %arg7[%get3A_71] {strides = array<i32>} : memref<512xi32, #tpu.memory_space<vmem>>, vector<16xi32>,
    %get3A_73 = vector.shape_cast %get3A_72 : vector<16xi32> to vector<16xi32>
    %mul3A_74 = arith.constant 512 : i32
    %mul3A_75 = vector.broadcast %mul3A_74 : i32 to vector<16xi32>
    %mul3A_76 = arith.muli %get3A_73, %mul3A_75 : vector<16xi32>
    %get3A_77 = arith.constant 80 : index
    %get3A_78 = tpu.vector_load %arg6[%get3A_77] {strides = array<i32>} : memref<512xi32, #tpu.memory_space<vmem>>, vector<16xi32>,
    %get3A_79 = vector.shape_cast %get3A_78 : vector<16xi32> to vector<16xi32>
    %add3A_80 = arith.addi %mul3A_76, %get3A_79 : vector<16xi32>
    %swap3A_81 = arith.constant 80 : index
    %swap3A_82 = tpu.vector_load %arg8[%swap3A_81] {strides = array<i32>} : memref<512xi32, #tpu.memory_space<vmem>>, vector<16xi32>,
    %swap3A_83 = vector.shape_cast %swap3A_82 : vector<16xi32> to vector<16xi32>
    %swap3A_84 = vector.shape_cast %add3A_80 : vector<16xi32> to vector<16xi32>
    tpu.vector_store %arg8[%swap3A_81], %swap3A_84 {strides = array<i32>} : memref<512xi32, #tpu.memory_space<vmem>>, vector<16xi32>,
    %get3A_85 = arith.constant 96 : index
    %get3A_86 = tpu.vector_load %arg7[%get3A_85] {strides = array<i32>} : memref<512xi32, #tpu.memory_space<vmem>>, vector<16xi32>,
    %get3A_87 = vector.shape_cast %get3A_86 : vector<16xi32> to vector<16xi32>
    %mul3A_88 = arith.constant 512 : i32
    %mul3A_89 = vector.broadcast %mul3A_88 : i32 to vector<16xi32>
    %mul3A_90 = arith.muli %get3A_87, %mul3A_89 : vector<16xi32>
    %get3A_91 = arith.constant 96 : index
    %get3A_92 = tpu.vector_load %arg6[%get3A_91] {strides = array<i32>} : memref<512xi32, #tpu.memory_space<vmem>>, vector<16xi32>,
    %get3A_93 = vector.shape_cast %get3A_92 : vector<16xi32> to vector<16xi32>
    %add3A_94 = arith.addi %mul3A_90, %get3A_93 : vector<16xi32>
    %swap3A_95 = arith.constant 96 : index
    %swap3A_96 = tpu.vector_load %arg8[%swap3A_95] {strides = array<i32>} : memref<512xi32, #tpu.memory_space<vmem>>, vector<16xi32>,
    %swap3A_97 = vector.shape_cast %swap3A_96 : vector<16xi32> to vector<16xi32>
    %swap3A_98 = vector.shape_cast %add3A_94 : vector<16xi32> to vector<16xi32>
    tpu.vector_store %arg8[%swap3A_95], %swap3A_98 {strides = array<i32>} : memref<512xi32, #tpu.memory_space<vmem>>, vector<16xi32>,
    %get3A_99 = arith.constant 112 : index
    %get3A_100 = tpu.vector_load %arg7[%get3A_99] {strides = array<i32>} : memref<512xi32, #tpu.memory_space<vmem>>, vector<16xi32>,
    %get3A_101 = vector.shape_cast %get3A_100 : vector<16xi32> to vector<16xi32>
    %mul3A_102 = arith.constant 512 : i32
    %mul3A_103 = vector.broadcast %mul3A_102 : i32 to vector<16xi32>
    %mul3A_104 = arith.muli %get3A_101, %mul3A_103 : vector<16xi32>
    %get3A_105 = arith.constant 112 : index
    %get3A_106 = tpu.vector_load %arg6[%get3A_105] {strides = array<i32>} : memref<512xi32, #tpu.memory_space<vmem>>, vector<16xi32>,
    %get3A_107 = vector.shape_cast %get3A_106 : vector<16xi32> to vector<16xi32>
    %add3A_108 = arith.addi %mul3A_104, %get3A_107 : vector<16xi32>
    %swap3A_109 = arith.constant 112 : index
    %swap3A_110 = tpu.vector_load %arg8[%swap3A_109] {strides = array<i32>} : memref<512xi32, #tpu.memory_space<vmem>>, vector<16xi32>,
    %swap3A_111 = vector.shape_cast %swap3A_110 : vector<16xi32> to vector<16xi32>
    %swap3A_112 = vector.shape_cast %add3A_108 : vector<16xi32> to vector<16xi32>
    tpu.vector_store %arg8[%swap3A_109], %swap3A_112 {strides = array<i32>} : memref<512xi32, #tpu.memory_space<vmem>>, vector<16xi32>,
    %get3A_113 = arith.constant 128 : index
    %get3A_114 = tpu.vector_load %arg7[%get3A_113] {strides = array<i32>} : memref<512xi32, #tpu.memory_space<vmem>>, vector<16xi32>,
    %get3A_115 = vector.shape_cast %get3A_114 : vector<16xi32> to vector<16xi32>
    %mul3A_116 = arith.constant 512 : i32
    %mul3A_117 = vector.broadcast %mul3A_116 : i32 to vector<16xi32>
    %mul3A_118 = arith.muli %get3A_115, %mul3A_117 : vector<16xi32>
    %get3A_119 = arith.constant 128 : index
    %get3A_120 = tpu.vector_load %arg6[%get3A_119] {strides = array<i32>} : memref<512xi32, #tpu.memory_space<vmem>>, vector<16xi32>,
    %get3A_121 = vector.shape_cast %get3A_120 : vector<16xi32> to vector<16xi32>
    %add3A_122 = arith.addi %mul3A_118, %get3A_121 : vector<16xi32>
    %swap3A_123 = arith.constant 128 : index
    %swap3A_124 = tpu.vector_load %arg8[%swap3A_123] {strides = array<i32>} : memref<512xi32, #tpu.memory_space<vmem>>, vector<16xi32>,
    %swap3A_125 = vector.shape_cast %swap3A_124 : vector<16xi32> to vector<16xi32>
    %swap3A_126 = vector.shape_cast %add3A_122 : vector<16xi32> to vector<16xi32>
    tpu.vector_store %arg8[%swap3A_123], %swap3A_126 {strides = array<i32>} : memref<512xi32, #tpu.memory_space<vmem>>, vector<16xi32>,
    %get3A_127 = arith.constant 144 : index
    %get3A_128 = tpu.vector_load %arg7[%get3A_127] {strides = array<i32>} : memref<512xi32, #tpu.memory_space<vmem>>, vector<16xi32>,
    %get3A_129 = vector.shape_cast %get3A_128 : vector<16xi32> to vector<16xi32>
    %mul3A_130 = arith.constant 512 : i32
    %mul3A_131 = vector.broadcast %mul3A_130 : i32 to vector<16xi32>
    %mul3A_132 = arith.muli %get3A_129, %mul3A_131 : vector<16xi32>
    %get3A_133 = arith.constant 144 : index
    %get3A_134 = tpu.vector_load %arg6[%get3A_133] {strides = array<i32>} : memref<512xi32, #tpu.memory_space<vmem>>, vector<16xi32>,
    %get3A_135 = vector.shape_cast %get3A_134 : vector<16xi32> to vector<16xi32>
    %add3A_136 = arith.addi %mul3A_132, %get3A_135 : vector<16xi32>
    %swap3A_137 = arith.constant 144 : index
    %swap3A_138 = tpu.vector_load %arg8[%swap3A_137] {strides = array<i32>} : memref<512xi32, #tpu.memory_space<vmem>>, vector<16xi32>,
    %swap3A_139 = vector.shape_cast %swap3A_138 : vector<16xi32> to vector<16xi32>
    %swap3A_140 = vector.shape_cast %add3A_136 : vector<16xi32> to vector<16xi32>
    tpu.vector_store %arg8[%swap3A_137], %swap3A_140 {strides = array<i32>} : memref<512xi32, #tpu.memory_space<vmem>>, vector<16xi32>,
    %get3A_141 = arith.constant 160 : index
    %get3A_142 = tpu.vector_load %arg7[%get3A_141] {strides = array<i32>} : memref<512xi32, #tpu.memory_space<vmem>>, vector<16xi32>,
    %get3A_143 = vector.shape_cast %get3A_142 : vector<16xi32> to vector<16xi32>
    %mul3A_144 = arith.constant 512 : i32
    %mul3A_145 = vector.broadcast %mul3A_144 : i32 to vector<16xi32>
    %mul3A_146 = arith.muli %get3A_143, %mul3A_145 : vector<16xi32>
    %get3A_147 = arith.constant 160 : index
    %get3A_148 = tpu.vector_load %arg6[%get3A_147] {strides = array<i32>} : memref<512xi32, #tpu.memory_space<vmem>>, vector<16xi32>,
    %get3A_149 = vector.shape_cast %get3A_148 : vector<16xi32> to vector<16xi32>
    %add3A_150 = arith.addi %mul3A_146, %get3A_149 : vector<16xi32>
    %swap3A_151 = arith.constant 160 : index
    %swap3A_152 = tpu.vector_load %arg8[%swap3A_151] {strides = array<i32>} : memref<512xi32, #tpu.memory_space<vmem>>, vector<16xi32>,
    %swap3A_153 = vector.shape_cast %swap3A_152 : vector<16xi32> to vector<16xi32>
    %swap3A_154 = vector.shape_cast %add3A_150 : vector<16xi32> to vector<16xi32>
    tpu.vector_store %arg8[%swap3A_151], %swap3A_154 {strides = array<i32>} : memref<512xi32, #tpu.memory_space<vmem>>, vector<16xi32>,
    %get3A_155 = arith.constant 176 : index
    %get3A_156 = tpu.vector_load %arg7[%get3A_155] {strides = array<i32>} : memref<512xi32, #tpu.memory_space<vmem>>, vector<16xi32>,
    %get3A_157 = vector.shape_cast %get3A_156 : vector<16xi32> to vector<16xi32>
    %mul3A_158 = arith.constant 512 : i32
    %mul3A_159 = vector.broadcast %mul3A_158 : i32 to vector<16xi32>
    %mul3A_160 = arith.muli %get3A_157, %mul3A_159 : vector<16xi32>
    %get3A_161 = arith.constant 176 : index
    %get3A_162 = tpu.vector_load %arg6[%get3A_161] {strides = array<i32>} : memref<512xi32, #tpu.memory_space<vmem>>, vector<16xi32>,
    %get3A_163 = vector.shape_cast %get3A_162 : vector<16xi32> to vector<16xi32>
    %add3A_164 = arith.addi %mul3A_160, %get3A_163 : vector<16xi32>
    %swap3A_165 = arith.constant 176 : index
    %swap3A_166 = tpu.vector_load %arg8[%swap3A_165] {strides = array<i32>} : memref<512xi32, #tpu.memory_space<vmem>>, vector<16xi32>,
    %swap3A_167 = vector.shape_cast %swap3A_166 : vector<16xi32> to vector<16xi32>
    %swap3A_168 = vector.shape_cast %add3A_164 : vector<16xi32> to vector<16xi32>
    tpu.vector_store %arg8[%swap3A_165], %swap3A_168 {strides = array<i32>} : memref<512xi32, #tpu.memory_space<vmem>>, vector<16xi32>,
    %get3A_169 = arith.constant 192 : index
    %get3A_170 = tpu.vector_load %arg7[%get3A_169] {strides = array<i32>} : memref<512xi32, #tpu.memory_space<vmem>>, vector<16xi32>,
    %get3A_171 = vector.shape_cast %get3A_170 : vector<16xi32> to vector<16xi32>
    %mul3A_172 = arith.constant 512 : i32
    %mul3A_173 = vector.broadcast %mul3A_172 : i32 to vector<16xi32>
    %mul3A_174 = arith.muli %get3A_171, %mul3A_173 : vector<16xi32>
    %get3A_175 = arith.constant 192 : index
    %get3A_176 = tpu.vector_load %arg6[%get3A_175] {strides = array<i32>} : memref<512xi32, #tpu.memory_space<vmem>>, vector<16xi32>,
    %get3A_177 = vector.shape_cast %get3A_176 : vector<16xi32> to vector<16xi32>
    %add3A_178 = arith.addi %mul3A_174, %get3A_177 : vector<16xi32>
    %swap3A_179 = arith.constant 192 : index
    %swap3A_180 = tpu.vector_load %arg8[%swap3A_179] {strides = array<i32>} : memref<512xi32, #tpu.memory_space<vmem>>, vector<16xi32>,
    %swap3A_181 = vector.shape_cast %swap3A_180 : vector<16xi32> to vector<16xi32>
    %swap3A_182 = vector.shape_cast %add3A_178 : vector<16xi32> to vector<16xi32>
    tpu.vector_store %arg8[%swap3A_179], %swap3A_182 {strides = array<i32>} : memref<512xi32, #tpu.memory_space<vmem>>, vector<16xi32>,
    %get3A_183 = arith.constant 208 : index
    %get3A_184 = tpu.vector_load %arg7[%get3A_183] {strides = array<i32>} : memref<512xi32, #tpu.memory_space<vmem>>, vector<16xi32>,
    %get3A_185 = vector.shape_cast %get3A_184 : vector<16xi32> to vector<16xi32>
    %mul3A_186 = arith.constant 512 : i32
    %mul3A_187 = vector.broadcast %mul3A_186 : i32 to vector<16xi32>
    %mul3A_188 = arith.muli %get3A_185, %mul3A_187 : vector<16xi32>
    %get3A_189 = arith.constant 208 : index
    %get3A_190 = tpu.vector_load %arg6[%get3A_189] {strides = array<i32>} : memref<512xi32, #tpu.memory_space<vmem>>, vector<16xi32>,
    %get3A_191 = vector.shape_cast %get3A_190 : vector<16xi32> to vector<16xi32>
    %add3A_192 = arith.addi %mul3A_188, %get3A_191 : vector<16xi32>
    %swap3A_193 = arith.constant 208 : index
    %swap3A_194 = tpu.vector_load %arg8[%swap3A_193] {strides = array<i32>} : memref<512xi32, #tpu.memory_space<vmem>>, vector<16xi32>,
    %swap3A_195 = vector.shape_cast %swap3A_194 : vector<16xi32> to vector<16xi32>
    %swap3A_196 = vector.shape_cast %add3A_192 : vector<16xi32> to vector<16xi32>
    tpu.vector_store %arg8[%swap3A_193], %swap3A_196 {strides = array<i32>} : memref<512xi32, #tpu.memory_space<vmem>>, vector<16xi32>,
    %get3A_197 = arith.constant 224 : index
    %get3A_198 = tpu.vector_load %arg7[%get3A_197] {strides = array<i32>} : memref<512xi32, #tpu.memory_space<vmem>>, vector<16xi32>,
    %get3A_199 = vector.shape_cast %get3A_198 : vector<16xi32> to vector<16xi32>
    %mul3A_200 = arith.constant 512 : i32
    %mul3A_201 = vector.broadcast %mul3A_200 : i32 to vector<16xi32>
    %mul3A_202 = arith.muli %get3A_199, %mul3A_201 : vector<16xi32>
    %get3A_203 = arith.constant 224 : index
    %get3A_204 = tpu.vector_load %arg6[%get3A_203] {strides = array<i32>} : memref<512xi32, #tpu.memory_space<vmem>>, vector<16xi32>,
    %get3A_205 = vector.shape_cast %get3A_204 : vector<16xi32> to vector<16xi32>
    %add3A_206 = arith.addi %mul3A_202, %get3A_205 : vector<16xi32>
    %swap3A_207 = arith.constant 224 : index
    %swap3A_208 = tpu.vector_load %arg8[%swap3A_207] {strides = array<i32>} : memref<512xi32, #tpu.memory_space<vmem>>, vector<16xi32>,
    %swap3A_209 = vector.shape_cast %swap3A_208 : vector<16xi32> to vector<16xi32>
    %swap3A_210 = vector.shape_cast %add3A_206 : vector<16xi32> to vector<16xi32>
    tpu.vector_store %arg8[%swap3A_207], %swap3A_210 {strides = array<i32>} : memref<512xi32, #tpu.memory_space<vmem>>, vector<16xi32>,
    %get3A_211 = arith.constant 240 : index
    %get3A_212 = tpu.vector_load %arg7[%get3A_211] {strides = array<i32>} : memref<512xi32, #tpu.memory_space<vmem>>, vector<16xi32>,
    %get3A_213 = vector.shape_cast %get3A_212 : vector<16xi32> to vector<16xi32>
    %mul3A_214 = arith.constant 512 : i32
    %mul3A_215 = vector.broadcast %mul3A_214 : i32 to vector<16xi32>
    %mul3A_216 = arith.muli %get3A_213, %mul3A_215 : vector<16xi32>
    %get3A_217 = arith.constant 240 : index
    %get3A_218 = tpu.vector_load %arg6[%get3A_217] {strides = array<i32>} : memref<512xi32, #tpu.memory_space<vmem>>, vector<16xi32>,
    %get3A_219 = vector.shape_cast %get3A_218 : vector<16xi32> to vector<16xi32>
    %add3A_220 = arith.addi %mul3A_216, %get3A_219 : vector<16xi32>
    %swap3A_221 = arith.constant 240 : index
    %swap3A_222 = tpu.vector_load %arg8[%swap3A_221] {strides = array<i32>} : memref<512xi32, #tpu.memory_space<vmem>>, vector<16xi32>,
    %swap3A_223 = vector.shape_cast %swap3A_222 : vector<16xi32> to vector<16xi32>
    %swap3A_224 = vector.shape_cast %add3A_220 : vector<16xi32> to vector<16xi32>
    tpu.vector_store %arg8[%swap3A_221], %swap3A_224 {strides = array<i32>} : memref<512xi32, #tpu.memory_space<vmem>>, vector<16xi32>,
    %get3A_225 = arith.constant 256 : index
    %get3A_226 = tpu.vector_load %arg7[%get3A_225] {strides = array<i32>} : memref<512xi32, #tpu.memory_space<vmem>>, vector<16xi32>,
    %get3A_227 = vector.shape_cast %get3A_226 : vector<16xi32> to vector<16xi32>
    %mul3A_228 = arith.constant 512 : i32
    %mul3A_229 = vector.broadcast %mul3A_228 : i32 to vector<16xi32>
    %mul3A_230 = arith.muli %get3A_227, %mul3A_229 : vector<16xi32>
    %get3A_231 = arith.constant 256 : index
    %get3A_232 = tpu.vector_load %arg6[%get3A_231] {strides = array<i32>} : memref<512xi32, #tpu.memory_space<vmem>>, vector<16xi32>,
    %get3A_233 = vector.shape_cast %get3A_232 : vector<16xi32> to vector<16xi32>
    %add3A_234 = arith.addi %mul3A_230, %get3A_233 : vector<16xi32>
    %swap3A_235 = arith.constant 256 : index
    %swap3A_236 = tpu.vector_load %arg8[%swap3A_235] {strides = array<i32>} : memref<512xi32, #tpu.memory_space<vmem>>, vector<16xi32>,
    %swap3A_237 = vector.shape_cast %swap3A_236 : vector<16xi32> to vector<16xi32>
    %swap3A_238 = vector.shape_cast %add3A_234 : vector<16xi32> to vector<16xi32>
    tpu.vector_store %arg8[%swap3A_235], %swap3A_238 {strides = array<i32>} : memref<512xi32, #tpu.memory_space<vmem>>, vector<16xi32>,
    %get3A_239 = arith.constant 272 : index
    %get3A_240 = tpu.vector_load %arg7[%get3A_239] {strides = array<i32>} : memref<512xi32, #tpu.memory_space<vmem>>, vector<16xi32>,
    %get3A_241 = vector.shape_cast %get3A_240 : vector<16xi32> to vector<16xi32>
    %mul3A_242 = arith.constant 512 : i32
    %mul3A_243 = vector.broadcast %mul3A_242 : i32 to vector<16xi32>
    %mul3A_244 = arith.muli %get3A_241, %mul3A_243 : vector<16xi32>
    %get3A_245 = arith.constant 272 : index
    %get3A_246 = tpu.vector_load %arg6[%get3A_245] {strides = array<i32>} : memref<512xi32, #tpu.memory_space<vmem>>, vector<16xi32>,
    %get3A_247 = vector.shape_cast %get3A_246 : vector<16xi32> to vector<16xi32>
    %add3A_248 = arith.addi %mul3A_244, %get3A_247 : vector<16xi32>
    %swap3A_249 = arith.constant 272 : index
    %swap3A_250 = tpu.vector_load %arg8[%swap3A_249] {strides = array<i32>} : memref<512xi32, #tpu.memory_space<vmem>>, vector<16xi32>,
    %swap3A_251 = vector.shape_cast %swap3A_250 : vector<16xi32> to vector<16xi32>
    %swap3A_252 = vector.shape_cast %add3A_248 : vector<16xi32> to vector<16xi32>
    tpu.vector_store %arg8[%swap3A_249], %swap3A_252 {strides = array<i32>} : memref<512xi32, #tpu.memory_space<vmem>>, vector<16xi32>,
    %get3A_253 = arith.constant 288 : index
    %get3A_254 = tpu.vector_load %arg7[%get3A_253] {strides = array<i32>} : memref<512xi32, #tpu.memory_space<vmem>>, vector<16xi32>,
    %get3A_255 = vector.shape_cast %get3A_254 : vector<16xi32> to vector<16xi32>
    %mul3A_256 = arith.constant 512 : i32
    %mul3A_257 = vector.broadcast %mul3A_256 : i32 to vector<16xi32>
    %mul3A_258 = arith.muli %get3A_255, %mul3A_257 : vector<16xi32>
    %get3A_259 = arith.constant 288 : index
    %get3A_260 = tpu.vector_load %arg6[%get3A_259] {strides = array<i32>} : memref<512xi32, #tpu.memory_space<vmem>>, vector<16xi32>,
    %get3A_261 = vector.shape_cast %get3A_260 : vector<16xi32> to vector<16xi32>
    %add3A_262 = arith.addi %mul3A_258, %get3A_261 : vector<16xi32>
    %swap3A_263 = arith.constant 288 : index
    %swap3A_264 = tpu.vector_load %arg8[%swap3A_263] {strides = array<i32>} : memref<512xi32, #tpu.memory_space<vmem>>, vector<16xi32>,
    %swap3A_265 = vector.shape_cast %swap3A_264 : vector<16xi32> to vector<16xi32>
    %swap3A_266 = vector.shape_cast %add3A_262 : vector<16xi32> to vector<16xi32>
    tpu.vector_store %arg8[%swap3A_263], %swap3A_266 {strides = array<i32>} : memref<512xi32, #tpu.memory_space<vmem>>, vector<16xi32>,
    %get3A_267 = arith.constant 304 : index
    %get3A_268 = tpu.vector_load %arg7[%get3A_267] {strides = array<i32>} : memref<512xi32, #tpu.memory_space<vmem>>, vector<16xi32>,
    %get3A_269 = vector.shape_cast %get3A_268 : vector<16xi32> to vector<16xi32>
    %mul3A_270 = arith.constant 512 : i32
    %mul3A_271 = vector.broadcast %mul3A_270 : i32 to vector<16xi32>
    %mul3A_272 = arith.muli %get3A_269, %mul3A_271 : vector<16xi32>
    %get3A_273 = arith.constant 304 : index
    %get3A_274 = tpu.vector_load %arg6[%get3A_273] {strides = array<i32>} : memref<512xi32, #tpu.memory_space<vmem>>, vector<16xi32>,
    %get3A_275 = vector.shape_cast %get3A_274 : vector<16xi32> to vector<16xi32>
    %add3A_276 = arith.addi %mul3A_272, %get3A_275 : vector<16xi32>
    %swap3A_277 = arith.constant 304 : index
    %swap3A_278 = tpu.vector_load %arg8[%swap3A_277] {strides = array<i32>} : memref<512xi32, #tpu.memory_space<vmem>>, vector<16xi32>,
    %swap3A_279 = vector.shape_cast %swap3A_278 : vector<16xi32> to vector<16xi32>
    %swap3A_280 = vector.shape_cast %add3A_276 : vector<16xi32> to vector<16xi32>
    tpu.vector_store %arg8[%swap3A_277], %swap3A_280 {strides = array<i32>} : memref<512xi32, #tpu.memory_space<vmem>>, vector<16xi32>,
    %get3A_281 = arith.constant 320 : index
    %get3A_282 = tpu.vector_load %arg7[%get3A_281] {strides = array<i32>} : memref<512xi32, #tpu.memory_space<vmem>>, vector<16xi32>,
    %get3A_283 = vector.shape_cast %get3A_282 : vector<16xi32> to vector<16xi32>
    %mul3A_284 = arith.constant 512 : i32
    %mul3A_285 = vector.broadcast %mul3A_284 : i32 to vector<16xi32>
    %mul3A_286 = arith.muli %get3A_283, %mul3A_285 : vector<16xi32>
    %get3A_287 = arith.constant 320 : index
    %get3A_288 = tpu.vector_load %arg6[%get3A_287] {strides = array<i32>} : memref<512xi32, #tpu.memory_space<vmem>>, vector<16xi32>,
    %get3A_289 = vector.shape_cast %get3A_288 : vector<16xi32> to vector<16xi32>
    %add3A_290 = arith.addi %mul3A_286, %get3A_289 : vector<16xi32>
    %swap3A_291 = arith.constant 320 : index
    %swap3A_292 = tpu.vector_load %arg8[%swap3A_291] {strides = array<i32>} : memref<512xi32, #tpu.memory_space<vmem>>, vector<16xi32>,
    %swap3A_293 = vector.shape_cast %swap3A_292 : vector<16xi32> to vector<16xi32>
    %swap3A_294 = vector.shape_cast %add3A_290 : vector<16xi32> to vector<16xi32>
    tpu.vector_store %arg8[%swap3A_291], %swap3A_294 {strides = array<i32>} : memref<512xi32, #tpu.memory_space<vmem>>, vector<16xi32>,
    %get3A_295 = arith.constant 336 : index
    %get3A_296 = tpu.vector_load %arg7[%get3A_295] {strides = array<i32>} : memref<512xi32, #tpu.memory_space<vmem>>, vector<16xi32>,
    %get3A_297 = vector.shape_cast %get3A_296 : vector<16xi32> to vector<16xi32>
    %mul3A_298 = arith.constant 512 : i32
    %mul3A_299 = vector.broadcast %mul3A_298 : i32 to vector<16xi32>
    %mul3A_300 = arith.muli %get3A_297, %mul3A_299 : vector<16xi32>
    %get3A_301 = arith.constant 336 : index
    %get3A_302 = tpu.vector_load %arg6[%get3A_301] {strides = array<i32>} : memref<512xi32, #tpu.memory_space<vmem>>, vector<16xi32>,
    %get3A_303 = vector.shape_cast %get3A_302 : vector<16xi32> to vector<16xi32>
    %add3A_304 = arith.addi %mul3A_300, %get3A_303 : vector<16xi32>
    %swap3A_305 = arith.constant 336 : index
    %swap3A_306 = tpu.vector_load %arg8[%swap3A_305] {strides = array<i32>} : memref<512xi32, #tpu.memory_space<vmem>>, vector<16xi32>,
    %swap3A_307 = vector.shape_cast %swap3A_306 : vector<16xi32> to vector<16xi32>
    %swap3A_308 = vector.shape_cast %add3A_304 : vector<16xi32> to vector<16xi32>
    tpu.vector_store %arg8[%swap3A_305], %swap3A_308 {strides = array<i32>} : memref<512xi32, #tpu.memory_space<vmem>>, vector<16xi32>,
    %get3A_309 = arith.constant 352 : index
    %get3A_310 = tpu.vector_load %arg7[%get3A_309] {strides = array<i32>} : memref<512xi32, #tpu.memory_space<vmem>>, vector<16xi32>,
    %get3A_311 = vector.shape_cast %get3A_310 : vector<16xi32> to vector<16xi32>
    %mul3A_312 = arith.constant 512 : i32
    %mul3A_313 = vector.broadcast %mul3A_312 : i32 to vector<16xi32>
    %mul3A_314 = arith.muli %get3A_311, %mul3A_313 : vector<16xi32>
    %get3A_315 = arith.constant 352 : index
    %get3A_316 = tpu.vector_load %arg6[%get3A_315] {strides = array<i32>} : memref<512xi32, #tpu.memory_space<vmem>>, vector<16xi32>,
    %get3A_317 = vector.shape_cast %get3A_316 : vector<16xi32> to vector<16xi32>
    %add3A_318 = arith.addi %mul3A_314, %get3A_317 : vector<16xi32>
    %swap3A_319 = arith.constant 352 : index
    %swap3A_320 = tpu.vector_load %arg8[%swap3A_319] {strides = array<i32>} : memref<512xi32, #tpu.memory_space<vmem>>, vector<16xi32>,
    %swap3A_321 = vector.shape_cast %swap3A_320 : vector<16xi32> to vector<16xi32>
    %swap3A_322 = vector.shape_cast %add3A_318 : vector<16xi32> to vector<16xi32>
    tpu.vector_store %arg8[%swap3A_319], %swap3A_322 {strides = array<i32>} : memref<512xi32, #tpu.memory_space<vmem>>, vector<16xi32>,
    %get3A_323 = arith.constant 368 : index
    %get3A_324 = tpu.vector_load %arg7[%get3A_323] {strides = array<i32>} : memref<512xi32, #tpu.memory_space<vmem>>, vector<16xi32>,
    %get3A_325 = vector.shape_cast %get3A_324 : vector<16xi32> to vector<16xi32>
    %mul3A_326 = arith.constant 512 : i32
    %mul3A_327 = vector.broadcast %mul3A_326 : i32 to vector<16xi32>
    %mul3A_328 = arith.muli %get3A_325, %mul3A_327 : vector<16xi32>
    %get3A_329 = arith.constant 368 : index
    %get3A_330 = tpu.vector_load %arg6[%get3A_329] {strides = array<i32>} : memref<512xi32, #tpu.memory_space<vmem>>, vector<16xi32>,
    %get3A_331 = vector.shape_cast %get3A_330 : vector<16xi32> to vector<16xi32>
    %add3A_332 = arith.addi %mul3A_328, %get3A_331 : vector<16xi32>
    %swap3A_333 = arith.constant 368 : index
    %swap3A_334 = tpu.vector_load %arg8[%swap3A_333] {strides = array<i32>} : memref<512xi32, #tpu.memory_space<vmem>>, vector<16xi32>,
    %swap3A_335 = vector.shape_cast %swap3A_334 : vector<16xi32> to vector<16xi32>
    %swap3A_336 = vector.shape_cast %add3A_332 : vector<16xi32> to vector<16xi32>
    tpu.vector_store %arg8[%swap3A_333], %swap3A_336 {strides = array<i32>} : memref<512xi32, #tpu.memory_space<vmem>>, vector<16xi32>,
    %get3A_337 = arith.constant 384 : index
    %get3A_338 = tpu.vector_load %arg7[%get3A_337] {strides = array<i32>} : memref<512xi32, #tpu.memory_space<vmem>>, vector<16xi32>,
    %get3A_339 = vector.shape_cast %get3A_338 : vector<16xi32> to vector<16xi32>
    %mul3A_340 = arith.constant 512 : i32
    %mul3A_341 = vector.broadcast %mul3A_340 : i32 to vector<16xi32>
    %mul3A_342 = arith.muli %get3A_339, %mul3A_341 : vector<16xi32>
    %get3A_343 = arith.constant 384 : index
    %get3A_344 = tpu.vector_load %arg6[%get3A_343] {strides = array<i32>} : memref<512xi32, #tpu.memory_space<vmem>>, vector<16xi32>,
    %get3A_345 = vector.shape_cast %get3A_344 : vector<16xi32> to vector<16xi32>
    %add3A_346 = arith.addi %mul3A_342, %get3A_345 : vector<16xi32>
    %swap3A_347 = arith.constant 384 : index
    %swap3A_348 = tpu.vector_load %arg8[%swap3A_347] {strides = array<i32>} : memref<512xi32, #tpu.memory_space<vmem>>, vector<16xi32>,
    %swap3A_349 = vector.shape_cast %swap3A_348 : vector<16xi32> to vector<16xi32>
    %swap3A_350 = vector.shape_cast %add3A_346 : vector<16xi32> to vector<16xi32>
    tpu.vector_store %arg8[%swap3A_347], %swap3A_350 {strides = array<i32>} : memref<512xi32, #tpu.memory_space<vmem>>, vector<16xi32>,
    %get3A_351 = arith.constant 400 : index
    %get3A_352 = tpu.vector_load %arg7[%get3A_351] {strides = array<i32>} : memref<512xi32, #tpu.memory_space<vmem>>, vector<16xi32>,
    %get3A_353 = vector.shape_cast %get3A_352 : vector<16xi32> to vector<16xi32>
    %mul3A_354 = arith.constant 512 : i32
    %mul3A_355 = vector.broadcast %mul3A_354 : i32 to vector<16xi32>
    %mul3A_356 = arith.muli %get3A_353, %mul3A_355 : vector<16xi32>
    %get3A_357 = arith.constant 400 : index
    %get3A_358 = tpu.vector_load %arg6[%get3A_357] {strides = array<i32>} : memref<512xi32, #tpu.memory_space<vmem>>, vector<16xi32>,
    %get3A_359 = vector.shape_cast %get3A_358 : vector<16xi32> to vector<16xi32>
    %add3A_360 = arith.addi %mul3A_356, %get3A_359 : vector<16xi32>
    %swap3A_361 = arith.constant 400 : index
    %swap3A_362 = tpu.vector_load %arg8[%swap3A_361] {strides = array<i32>} : memref<512xi32, #tpu.memory_space<vmem>>, vector<16xi32>,
    %swap3A_363 = vector.shape_cast %swap3A_362 : vector<16xi32> to vector<16xi32>
    %swap3A_364 = vector.shape_cast %add3A_360 : vector<16xi32> to vector<16xi32>
    tpu.vector_store %arg8[%swap3A_361], %swap3A_364 {strides = array<i32>} : memref<512xi32, #tpu.memory_space<vmem>>, vector<16xi32>,
    %get3A_365 = arith.constant 416 : index
    %get3A_366 = tpu.vector_load %arg7[%get3A_365] {strides = array<i32>} : memref<512xi32, #tpu.memory_space<vmem>>, vector<16xi32>,
    %get3A_367 = vector.shape_cast %get3A_366 : vector<16xi32> to vector<16xi32>
    %mul3A_368 = arith.constant 512 : i32
    %mul3A_369 = vector.broadcast %mul3A_368 : i32 to vector<16xi32>
    %mul3A_370 = arith.muli %get3A_367, %mul3A_369 : vector<16xi32>
    %get3A_371 = arith.constant 416 : index
    %get3A_372 = tpu.vector_load %arg6[%get3A_371] {strides = array<i32>} : memref<512xi32, #tpu.memory_space<vmem>>, vector<16xi32>,
    %get3A_373 = vector.shape_cast %get3A_372 : vector<16xi32> to vector<16xi32>
    %add3A_374 = arith.addi %mul3A_370, %get3A_373 : vector<16xi32>
    %swap3A_375 = arith.constant 416 : index
    %swap3A_376 = tpu.vector_load %arg8[%swap3A_375] {strides = array<i32>} : memref<512xi32, #tpu.memory_space<vmem>>, vector<16xi32>,
    %swap3A_377 = vector.shape_cast %swap3A_376 : vector<16xi32> to vector<16xi32>
    %swap3A_378 = vector.shape_cast %add3A_374 : vector<16xi32> to vector<16xi32>
    tpu.vector_store %arg8[%swap3A_375], %swap3A_378 {strides = array<i32>} : memref<512xi32, #tpu.memory_space<vmem>>, vector<16xi32>,
    %get3A_379 = arith.constant 432 : index
    %get3A_380 = tpu.vector_load %arg7[%get3A_379] {strides = array<i32>} : memref<512xi32, #tpu.memory_space<vmem>>, vector<16xi32>,
    %get3A_381 = vector.shape_cast %get3A_380 : vector<16xi32> to vector<16xi32>
    %mul3A_382 = arith.constant 512 : i32
    %mul3A_383 = vector.broadcast %mul3A_382 : i32 to vector<16xi32>
    %mul3A_384 = arith.muli %get3A_381, %mul3A_383 : vector<16xi32>
    %get3A_385 = arith.constant 432 : index
    %get3A_386 = tpu.vector_load %arg6[%get3A_385] {strides = array<i32>} : memref<512xi32, #tpu.memory_space<vmem>>, vector<16xi32>,
    %get3A_387 = vector.shape_cast %get3A_386 : vector<16xi32> to vector<16xi32>
    %add3A_388 = arith.addi %mul3A_384, %get3A_387 : vector<16xi32>
    %swap3A_389 = arith.constant 432 : index
    %swap3A_390 = tpu.vector_load %arg8[%swap3A_389] {strides = array<i32>} : memref<512xi32, #tpu.memory_space<vmem>>, vector<16xi32>,
    %swap3A_391 = vector.shape_cast %swap3A_390 : vector<16xi32> to vector<16xi32>
    %swap3A_392 = vector.shape_cast %add3A_388 : vector<16xi32> to vector<16xi32>
    tpu.vector_store %arg8[%swap3A_389], %swap3A_392 {strides = array<i32>} : memref<512xi32, #tpu.memory_space<vmem>>, vector<16xi32>,
    %get3A_393 = arith.constant 448 : index
    %get3A_394 = tpu.vector_load %arg7[%get3A_393] {strides = array<i32>} : memref<512xi32, #tpu.memory_space<vmem>>, vector<16xi32>,
    %get3A_395 = vector.shape_cast %get3A_394 : vector<16xi32> to vector<16xi32>
    %mul3A_396 = arith.constant 512 : i32
    %mul3A_397 = vector.broadcast %mul3A_396 : i32 to vector<16xi32>
    %mul3A_398 = arith.muli %get3A_395, %mul3A_397 : vector<16xi32>
    %get3A_399 = arith.constant 448 : index
    %get3A_400 = tpu.vector_load %arg6[%get3A_399] {strides = array<i32>} : memref<512xi32, #tpu.memory_space<vmem>>, vector<16xi32>,
    %get3A_401 = vector.shape_cast %get3A_400 : vector<16xi32> to vector<16xi32>
    %add3A_402 = arith.addi %mul3A_398, %get3A_401 : vector<16xi32>
    %swap3A_403 = arith.constant 448 : index
    %swap3A_404 = tpu.vector_load %arg8[%swap3A_403] {strides = array<i32>} : memref<512xi32, #tpu.memory_space<vmem>>, vector<16xi32>,
    %swap3A_405 = vector.shape_cast %swap3A_404 : vector<16xi32> to vector<16xi32>
    %swap3A_406 = vector.shape_cast %add3A_402 : vector<16xi32> to vector<16xi32>
    tpu.vector_store %arg8[%swap3A_403], %swap3A_406 {strides = array<i32>} : memref<512xi32, #tpu.memory_space<vmem>>, vector<16xi32>,
    %get3A_407 = arith.constant 464 : index
    %get3A_408 = tpu.vector_load %arg7[%get3A_407] {strides = array<i32>} : memref<512xi32, #tpu.memory_space<vmem>>, vector<16xi32>,
    %get3A_409 = vector.shape_cast %get3A_408 : vector<16xi32> to vector<16xi32>
    %mul3A_410 = arith.constant 512 : i32
    %mul3A_411 = vector.broadcast %mul3A_410 : i32 to vector<16xi32>
    %mul3A_412 = arith.muli %get3A_409, %mul3A_411 : vector<16xi32>
    %get3A_413 = arith.constant 464 : index
    %get3A_414 = tpu.vector_load %arg6[%get3A_413] {strides = array<i32>} : memref<512xi32, #tpu.memory_space<vmem>>, vector<16xi32>,
    %get3A_415 = vector.shape_cast %get3A_414 : vector<16xi32> to vector<16xi32>
    %add3A_416 = arith.addi %mul3A_412, %get3A_415 : vector<16xi32>
    %swap3A_417 = arith.constant 464 : index
    %swap3A_418 = tpu.vector_load %arg8[%swap3A_417] {strides = array<i32>} : memref<512xi32, #tpu.memory_space<vmem>>, vector<16xi32>,
    %swap3A_419 = vector.shape_cast %swap3A_418 : vector<16xi32> to vector<16xi32>
    %swap3A_420 = vector.shape_cast %add3A_416 : vector<16xi32> to vector<16xi32>
    tpu.vector_store %arg8[%swap3A_417], %swap3A_420 {strides = array<i32>} : memref<512xi32, #tpu.memory_space<vmem>>, vector<16xi32>,
    %get3A_421 = arith.constant 480 : index
    %get3A_422 = tpu.vector_load %arg7[%get3A_421] {strides = array<i32>} : memref<512xi32, #tpu.memory_space<vmem>>, vector<16xi32>,
    %get3A_423 = vector.shape_cast %get3A_422 : vector<16xi32> to vector<16xi32>
    %mul3A_424 = arith.constant 512 : i32
    %mul3A_425 = vector.broadcast %mul3A_424 : i32 to vector<16xi32>
    %mul3A_426 = arith.muli %get3A_423, %mul3A_425 : vector<16xi32>
    %get3A_427 = arith.constant 480 : index
    %get3A_428 = tpu.vector_load %arg6[%get3A_427] {strides = array<i32>} : memref<512xi32, #tpu.memory_space<vmem>>, vector<16xi32>,
    %get3A_429 = vector.shape_cast %get3A_428 : vector<16xi32> to vector<16xi32>
    %add3A_430 = arith.addi %mul3A_426, %get3A_429 : vector<16xi32>
    %swap3A_431 = arith.constant 480 : index
    %swap3A_432 = tpu.vector_load %arg8[%swap3A_431] {strides = array<i32>} : memref<512xi32, #tpu.memory_space<vmem>>, vector<16xi32>,
    %swap3A_433 = vector.shape_cast %swap3A_432 : vector<16xi32> to vector<16xi32>
    %swap3A_434 = vector.shape_cast %add3A_430 : vector<16xi32> to vector<16xi32>
    tpu.vector_store %arg8[%swap3A_431], %swap3A_434 {strides = array<i32>} : memref<512xi32, #tpu.memory_space<vmem>>, vector<16xi32>,
    %get3A_435 = arith.constant 496 : index
    %get3A_436 = tpu.vector_load %arg7[%get3A_435] {strides = array<i32>} : memref<512xi32, #tpu.memory_space<vmem>>, vector<16xi32>,
    %get3A_437 = vector.shape_cast %get3A_436 : vector<16xi32> to vector<16xi32>
    %mul3A_438 = arith.constant 512 : i32
    %mul3A_439 = vector.broadcast %mul3A_438 : i32 to vector<16xi32>
    %mul3A_440 = arith.muli %get3A_437, %mul3A_439 : vector<16xi32>
    %get3A_441 = arith.constant 496 : index
    %get3A_442 = tpu.vector_load %arg6[%get3A_441] {strides = array<i32>} : memref<512xi32, #tpu.memory_space<vmem>>, vector<16xi32>,
    %get3A_443 = vector.shape_cast %get3A_442 : vector<16xi32> to vector<16xi32>
    %add3A_444 = arith.addi %mul3A_440, %get3A_443 : vector<16xi32>
    %swap3A_445 = arith.constant 496 : index
    %swap3A_446 = tpu.vector_load %arg8[%swap3A_445] {strides = array<i32>} : memref<512xi32, #tpu.memory_space<vmem>>, vector<16xi32>,
    %swap3A_447 = vector.shape_cast %swap3A_446 : vector<16xi32> to vector<16xi32>
    %swap3A_448 = vector.shape_cast %add3A_444 : vector<16xi32> to vector<16xi32>
    tpu.vector_store %arg8[%swap3A_445], %swap3A_448 {strides = array<i32>} : memref<512xi32, #tpu.memory_space<vmem>>, vector<16xi32>,
    %dma_start3A = arith.constant 0 : i32
    %dma_start3A_449 = arith.constant 0 : i32
    %dma_start3A_450 = arith.constant 0 : i32
    %dma_start3A_451 = tpu.memref_slice %arg9[%dma_start3A, %dma_start3A_449, %dma_start3A_450] : memref<4x32x768xf32, #tpu.memory_space<vmem>> -> memref<1x32x768xf32, #tpu.memory_space<vmem>>
    %dma_start3A_452 = tpu.memref_squeeze %dma_start3A_451 : memref<1x32x768xf32, #tpu.memory_space<vmem>> -> memref<32x768xf32, #tpu.memory_space<vmem>>
    %dma_start3A_453 = arith.constant 0 : i32
    %dma_start3A_454 = tpu.memref_slice %arg8[%dma_start3A_453] : memref<512xi32, #tpu.memory_space<vmem>> -> memref<32xi32, #tpu.memory_space<vmem>>
    %dma_start3A_455 = arith.constant 0 : i32
    %dma_start3A_456 = arith.constant 0 : i32
    %dma_start3A_457 = tpu.memref_slice %arg2[%dma_start3A_455, %dma_start3A_456] : memref<2048x768xf32, #tpu.memory_space<hbm>> -> memref<2048x768xf32, #tpu.memory_space<hbm>>
    tpu.enqueue_indirect_dma source(%dma_start3A_457 : memref<2048x768xf32, #tpu.memory_space<hbm>>) target(%dma_start3A_452 : memref<32x768xf32, #tpu.memory_space<vmem>>) offsets(%dma_start3A_454 : memref<32xi32, #tpu.memory_space<vmem>>) semaphore(%arg10 : memref<!tpu.dma_semaphore, #tpu.memory_space<semaphore_mem>>)
    %dma_start3A_458 = arith.constant 1 : i32
    %dma_start3A_459 = arith.constant 0 : i32
    %dma_start3A_460 = arith.constant 0 : i32
    %dma_start3A_461 = tpu.memref_slice %arg9[%dma_start3A_458, %dma_start3A_459, %dma_start3A_460] : memref<4x32x768xf32, #tpu.memory_space<vmem>> -> memref<1x32x768xf32, #tpu.memory_space<vmem>>
    %dma_start3A_462 = tpu.memref_squeeze %dma_start3A_461 : memref<1x32x768xf32, #tpu.memory_space<vmem>> -> memref<32x768xf32, #tpu.memory_space<vmem>>
    %dma_start3A_463 = arith.constant 32 : i32
    %dma_start3A_464 = tpu.memref_slice %arg8[%dma_start3A_463] : memref<512xi32, #tpu.memory_space<vmem>> -> memref<32xi32, #tpu.memory_space<vmem>>
    %dma_start3A_465 = arith.constant 0 : i32
    %dma_start3A_466 = arith.constant 0 : i32
    %dma_start3A_467 = tpu.memref_slice %arg2[%dma_start3A_465, %dma_start3A_466] : memref<2048x768xf32, #tpu.memory_space<hbm>> -> memref<2048x768xf32, #tpu.memory_space<hbm>>
    tpu.enqueue_indirect_dma source(%dma_start3A_467 : memref<2048x768xf32, #tpu.memory_space<hbm>>) target(%dma_start3A_462 : memref<32x768xf32, #tpu.memory_space<vmem>>) offsets(%dma_start3A_464 : memref<32xi32, #tpu.memory_space<vmem>>) semaphore(%arg11 : memref<!tpu.dma_semaphore, #tpu.memory_space<semaphore_mem>>)
    %dma_start3A_468 = arith.constant 2 : i32
    %dma_start3A_469 = arith.constant 0 : i32
    %dma_start3A_470 = arith.constant 0 : i32
    %dma_start3A_471 = tpu.memref_slice %arg9[%dma_start3A_468, %dma_start3A_469, %dma_start3A_470] : memref<4x32x768xf32, #tpu.memory_space<vmem>> -> memref<1x32x768xf32, #tpu.memory_space<vmem>>
    %dma_start3A_472 = tpu.memref_squeeze %dma_start3A_471 : memref<1x32x768xf32, #tpu.memory_space<vmem>> -> memref<32x768xf32, #tpu.memory_space<vmem>>
    %dma_start3A_473 = arith.constant 64 : i32
    %dma_start3A_474 = tpu.memref_slice %arg8[%dma_start3A_473] : memref<512xi32, #tpu.memory_space<vmem>> -> memref<32xi32, #tpu.memory_space<vmem>>
    %dma_start3A_475 = arith.constant 0 : i32
    %dma_start3A_476 = arith.constant 0 : i32
    %dma_start3A_477 = tpu.memref_slice %arg2[%dma_start3A_475, %dma_start3A_476] : memref<2048x768xf32, #tpu.memory_space<hbm>> -> memref<2048x768xf32, #tpu.memory_space<hbm>>
    tpu.enqueue_indirect_dma source(%dma_start3A_477 : memref<2048x768xf32, #tpu.memory_space<hbm>>) target(%dma_start3A_472 : memref<32x768xf32, #tpu.memory_space<vmem>>) offsets(%dma_start3A_474 : memref<32xi32, #tpu.memory_space<vmem>>) semaphore(%arg12 : memref<!tpu.dma_semaphore, #tpu.memory_space<semaphore_mem>>)
    %dma_wait3A = arith.constant 0 : i32
    %dma_wait3A_478 = arith.constant 0 : i32
    %dma_wait3A_479 = arith.constant 0 : i32
    %dma_wait3A_480 = tpu.memref_slice %arg9[%dma_wait3A, %dma_wait3A_478, %dma_wait3A_479] : memref<4x32x768xf32, #tpu.memory_space<vmem>> -> memref<1x32x768xf32, #tpu.memory_space<vmem>>
    %dma_wait3A_481 = tpu.memref_squeeze %dma_wait3A_480 : memref<1x32x768xf32, #tpu.memory_space<vmem>> -> memref<32x768xf32, #tpu.memory_space<vmem>>
    %dma_wait3A_482 = arith.constant 0 : i32
    %dma_wait3A_483 = tpu.memref_slice %arg8[%dma_wait3A_482] : memref<512xi32, #tpu.memory_space<vmem>> -> memref<32xi32, #tpu.memory_space<vmem>>
    %dma_wait3A_484 = arith.constant 0 : i32
    %dma_wait3A_485 = arith.constant 0 : i32
    %dma_wait3A_486 = tpu.memref_slice %arg2[%dma_wait3A_484, %dma_wait3A_485] : memref<2048x768xf32, #tpu.memory_space<hbm>> -> memref<2048x768xf32, #tpu.memory_space<hbm>>
    tpu.wait_indirect_dma semaphore(%arg10 : memref<!tpu.dma_semaphore, #tpu.memory_space<semaphore_mem>>) src(%dma_wait3A_486 : memref<2048x768xf32, #tpu.memory_space<hbm>>) dst(%dma_wait3A_481 : memref<32x768xf32, #tpu.memory_space<vmem>>)
    %add3A_487 = arith.constant 0 : i32
    %add3A_488 = arith.addi %mul3A_2, %add3A_487 : i32
    %dma_start3A_489 = arith.constant 0 : i32
    %dma_start3A_490 = arith.constant 0 : i32
    %dma_start3A_491 = arith.constant 0 : i32
    %dma_start3A_492 = tpu.memref_slice %arg9[%dma_start3A_489, %dma_start3A_490, %dma_start3A_491] : memref<4x32x768xf32, #tpu.memory_space<vmem>> -> memref<1x32x768xf32, #tpu.memory_space<vmem>>
    %dma_start3A_493 = tpu.memref_squeeze %dma_start3A_492 : memref<1x32x768xf32, #tpu.memory_space<vmem>> -> memref<32x768xf32, #tpu.memory_space<vmem>>
    %dma_start3A_494 = arith.constant 0 : i32
    %dma_start3A_495 = tpu.memref_slice %arg5[%add3A_488, %dma_start3A_494] : memref<16384x768xf32, #tpu.memory_space<hbm>> -> memref<32x768xf32, #tpu.memory_space<hbm>>
    %dma_start3A_496 = arith.constant 0 : i32
    %dma_start3A_497 = tpu.memref_slice %arg5[%add3A_488, %dma_start3A_496] : memref<16384x768xf32, #tpu.memory_space<hbm>> -> memref<32x768xf32, #tpu.memory_space<hbm>>
    %dma_start3A_498 = arith.constant 0 : i32
    %dma_start3A_499 = arith.constant 0 : i32
    %dma_start3A_500 = tpu.memref_slice %arg9[%dma_start3A_489, %dma_start3A_498, %dma_start3A_499] : memref<4x32x768xf32, #tpu.memory_space<vmem>> -> memref<1x32x768xf32, #tpu.memory_space<vmem>>
    %dma_start3A_501 = tpu.memref_squeeze %dma_start3A_500 : memref<1x32x768xf32, #tpu.memory_space<vmem>> -> memref<32x768xf32, #tpu.memory_space<vmem>>
    tpu.enqueue_dma source(%dma_start3A_501 : memref<32x768xf32, #tpu.memory_space<vmem>>) target(%dma_start3A_497 : memref<32x768xf32, #tpu.memory_space<hbm>>) target_semaphore(%arg14 : memref<!tpu.dma_semaphore, #tpu.memory_space<semaphore_mem>>)
    %dma_start3A_502 = arith.constant 3 : i32
    %dma_start3A_503 = arith.constant 0 : i32
    %dma_start3A_504 = arith.constant 0 : i32
    %dma_start3A_505 = tpu.memref_slice %arg9[%dma_start3A_502, %dma_start3A_503, %dma_start3A_504] : memref<4x32x768xf32, #tpu.memory_space<vmem>> -> memref<1x32x768xf32, #tpu.memory_space<vmem>>
    %dma_start3A_506 = tpu.memref_squeeze %dma_start3A_505 : memref<1x32x768xf32, #tpu.memory_space<vmem>> -> memref<32x768xf32, #tpu.memory_space<vmem>>
    %dma_start3A_507 = arith.constant 96 : i32
    %dma_start3A_508 = tpu.memref_slice %arg8[%dma_start3A_507] : memref<512xi32, #tpu.memory_space<vmem>> -> memref<32xi32, #tpu.memory_space<vmem>>
    %dma_start3A_509 = arith.constant 0 : i32
    %dma_start3A_510 = arith.constant 0 : i32
    %dma_start3A_511 = tpu.memref_slice %arg2[%dma_start3A_509, %dma_start3A_510] : memref<2048x768xf32, #tpu.memory_space<hbm>> -> memref<2048x768xf32, #tpu.memory_space<hbm>>
    tpu.enqueue_indirect_dma source(%dma_start3A_511 : memref<2048x768xf32, #tpu.memory_space<hbm>>) target(%dma_start3A_506 : memref<32x768xf32, #tpu.memory_space<vmem>>) offsets(%dma_start3A_508 : memref<32xi32, #tpu.memory_space<vmem>>) semaphore(%arg13 : memref<!tpu.dma_semaphore, #tpu.memory_space<semaphore_mem>>)
    %dma_wait3A_512 = arith.constant 1 : i32
    %dma_wait3A_513 = arith.constant 0 : i32
    %dma_wait3A_514 = arith.constant 0 : i32
    %dma_wait3A_515 = tpu.memref_slice %arg9[%dma_wait3A_512, %dma_wait3A_513, %dma_wait3A_514] : memref<4x32x768xf32, #tpu.memory_space<vmem>> -> memref<1x32x768xf32, #tpu.memory_space<vmem>>
    %dma_wait3A_516 = tpu.memref_squeeze %dma_wait3A_515 : memref<1x32x768xf32, #tpu.memory_space<vmem>> -> memref<32x768xf32, #tpu.memory_space<vmem>>
    %dma_wait3A_517 = arith.constant 32 : i32
    %dma_wait3A_518 = tpu.memref_slice %arg8[%dma_wait3A_517] : memref<512xi32, #tpu.memory_space<vmem>> -> memref<32xi32, #tpu.memory_space<vmem>>
    %dma_wait3A_519 = arith.constant 0 : i32
    %dma_wait3A_520 = arith.constant 0 : i32
    %dma_wait3A_521 = tpu.memref_slice %arg2[%dma_wait3A_519, %dma_wait3A_520] : memref<2048x768xf32, #tpu.memory_space<hbm>> -> memref<2048x768xf32, #tpu.memory_space<hbm>>
    tpu.wait_indirect_dma semaphore(%arg11 : memref<!tpu.dma_semaphore, #tpu.memory_space<semaphore_mem>>) src(%dma_wait3A_521 : memref<2048x768xf32, #tpu.memory_space<hbm>>) dst(%dma_wait3A_516 : memref<32x768xf32, #tpu.memory_space<vmem>>)
    %add3A_522 = arith.constant 32 : i32
    %add3A_523 = arith.addi %mul3A_2, %add3A_522 : i32
    %dma_start3A_524 = arith.constant 1 : i32
    %dma_start3A_525 = arith.constant 0 : i32
    %dma_start3A_526 = arith.constant 0 : i32
    %dma_start3A_527 = tpu.memref_slice %arg9[%dma_start3A_524, %dma_start3A_525, %dma_start3A_526] : memref<4x32x768xf32, #tpu.memory_space<vmem>> -> memref<1x32x768xf32, #tpu.memory_space<vmem>>
    %dma_start3A_528 = tpu.memref_squeeze %dma_start3A_527 : memref<1x32x768xf32, #tpu.memory_space<vmem>> -> memref<32x768xf32, #tpu.memory_space<vmem>>
    %dma_start3A_529 = arith.constant 0 : i32
    %dma_start3A_530 = tpu.memref_slice %arg5[%add3A_523, %dma_start3A_529] : memref<16384x768xf32, #tpu.memory_space<hbm>> -> memref<32x768xf32, #tpu.memory_space<hbm>>
    %dma_start3A_531 = arith.constant 0 : i32
    %dma_start3A_532 = tpu.memref_slice %arg5[%add3A_523, %dma_start3A_531] : memref<16384x768xf32, #tpu.memory_space<hbm>> -> memref<32x768xf32, #tpu.memory_space<hbm>>
    %dma_start3A_533 = arith.constant 0 : i32
    %dma_start3A_534 = arith.constant 0 : i32
    %dma_start3A_535 = tpu.memref_slice %arg9[%dma_start3A_524, %dma_start3A_533, %dma_start3A_534] : memref<4x32x768xf32, #tpu.memory_space<vmem>> -> memref<1x32x768xf32, #tpu.memory_space<vmem>>
    %dma_start3A_536 = tpu.memref_squeeze %dma_start3A_535 : memref<1x32x768xf32, #tpu.memory_space<vmem>> -> memref<32x768xf32, #tpu.memory_space<vmem>>
    tpu.enqueue_dma source(%dma_start3A_536 : memref<32x768xf32, #tpu.memory_space<vmem>>) target(%dma_start3A_532 : memref<32x768xf32, #tpu.memory_space<hbm>>) target_semaphore(%arg15 : memref<!tpu.dma_semaphore, #tpu.memory_space<semaphore_mem>>)
    %dma_wait3A_537 = arith.constant 0 : i32
    %dma_wait3A_538 = arith.constant 0 : i32
    %dma_wait3A_539 = arith.constant 0 : i32
    %dma_wait3A_540 = tpu.memref_slice %arg9[%dma_wait3A_537, %dma_wait3A_538, %dma_wait3A_539] : memref<4x32x768xf32, #tpu.memory_space<vmem>> -> memref<1x32x768xf32, #tpu.memory_space<vmem>>
    %dma_wait3A_541 = tpu.memref_squeeze %dma_wait3A_540 : memref<1x32x768xf32, #tpu.memory_space<vmem>> -> memref<32x768xf32, #tpu.memory_space<vmem>>
    %dma_wait3A_542 = arith.constant 0 : i32
    %dma_wait3A_543 = tpu.memref_slice %arg5[%add3A_488, %dma_wait3A_542] : memref<16384x768xf32, #tpu.memory_space<hbm>> -> memref<32x768xf32, #tpu.memory_space<hbm>>
    %dma_wait3A_544 = arith.constant 0 : i32
    %dma_wait3A_545 = tpu.memref_slice %arg5[%add3A_488, %dma_wait3A_544] : memref<16384x768xf32, #tpu.memory_space<hbm>> -> memref<32x768xf32, #tpu.memory_space<hbm>>
    %dma_wait3A_546 = arith.constant 0 : i32
    %dma_wait3A_547 = arith.constant 0 : i32
    %dma_wait3A_548 = tpu.memref_slice %arg9[%dma_wait3A_537, %dma_wait3A_546, %dma_wait3A_547] : memref<4x32x768xf32, #tpu.memory_space<vmem>> -> memref<1x32x768xf32, #tpu.memory_space<vmem>>
    %dma_wait3A_549 = tpu.memref_squeeze %dma_wait3A_548 : memref<1x32x768xf32, #tpu.memory_space<vmem>> -> memref<32x768xf32, #tpu.memory_space<vmem>>
    tpu.wait_dma2 semaphore(%arg14 : memref<!tpu.dma_semaphore, #tpu.memory_space<semaphore_mem>>) src(%dma_wait3A_549 : memref<32x768xf32, #tpu.memory_space<vmem>>) dst(%dma_wait3A_545 : memref<32x768xf32, #tpu.memory_space<hbm>>)
    %dma_start3A_550 = arith.constant 0 : i32
    %dma_start3A_551 = arith.constant 0 : i32
    %dma_start3A_552 = arith.constant 0 : i32
    %dma_start3A_553 = tpu.memref_slice %arg9[%dma_start3A_550, %dma_start3A_551, %dma_start3A_552] : memref<4x32x768xf32, #tpu.memory_space<vmem>> -> memref<1x32x768xf32, #tpu.memory_space<vmem>>
    %dma_start3A_554 = tpu.memref_squeeze %dma_start3A_553 : memref<1x32x768xf32, #tpu.memory_space<vmem>> -> memref<32x768xf32, #tpu.memory_space<vmem>>
    %dma_start3A_555 = arith.constant 128 : i32
    %dma_start3A_556 = tpu.memref_slice %arg8[%dma_start3A_555] : memref<512xi32, #tpu.memory_space<vmem>> -> memref<32xi32, #tpu.memory_space<vmem>>
    %dma_start3A_557 = arith.constant 0 : i32
    %dma_start3A_558 = arith.constant 0 : i32
    %dma_start3A_559 = tpu.memref_slice %arg2[%dma_start3A_557, %dma_start3A_558] : memref<2048x768xf32, #tpu.memory_space<hbm>> -> memref<2048x768xf32, #tpu.memory_space<hbm>>
    tpu.enqueue_indirect_dma source(%dma_start3A_559 : memref<2048x768xf32, #tpu.memory_space<hbm>>) target(%dma_start3A_554 : memref<32x768xf32, #tpu.memory_space<vmem>>) offsets(%dma_start3A_556 : memref<32xi32, #tpu.memory_space<vmem>>) semaphore(%arg10 : memref<!tpu.dma_semaphore, #tpu.memory_space<semaphore_mem>>)
    %dma_wait3A_560 = arith.constant 2 : i32
    %dma_wait3A_561 = arith.constant 0 : i32
    %dma_wait3A_562 = arith.constant 0 : i32
    %dma_wait3A_563 = tpu.memref_slice %arg9[%dma_wait3A_560, %dma_wait3A_561, %dma_wait3A_562] : memref<4x32x768xf32, #tpu.memory_space<vmem>> -> memref<1x32x768xf32, #tpu.memory_space<vmem>>
    %dma_wait3A_564 = tpu.memref_squeeze %dma_wait3A_563 : memref<1x32x768xf32, #tpu.memory_space<vmem>> -> memref<32x768xf32, #tpu.memory_space<vmem>>
    %dma_wait3A_565 = arith.constant 64 : i32
    %dma_wait3A_566 = tpu.memref_slice %arg8[%dma_wait3A_565] : memref<512xi32, #tpu.memory_space<vmem>> -> memref<32xi32, #tpu.memory_space<vmem>>
    %dma_wait3A_567 = arith.constant 0 : i32
    %dma_wait3A_568 = arith.constant 0 : i32
    %dma_wait3A_569 = tpu.memref_slice %arg2[%dma_wait3A_567, %dma_wait3A_568] : memref<2048x768xf32, #tpu.memory_space<hbm>> -> memref<2048x768xf32, #tpu.memory_space<hbm>>
    tpu.wait_indirect_dma semaphore(%arg12 : memref<!tpu.dma_semaphore, #tpu.memory_space<semaphore_mem>>) src(%dma_wait3A_569 : memref<2048x768xf32, #tpu.memory_space<hbm>>) dst(%dma_wait3A_564 : memref<32x768xf32, #tpu.memory_space<vmem>>)
    %add3A_570 = arith.constant 64 : i32
    %add3A_571 = arith.addi %mul3A_2, %add3A_570 : i32
    %dma_start3A_572 = arith.constant 2 : i32
    %dma_start3A_573 = arith.constant 0 : i32
    %dma_start3A_574 = arith.constant 0 : i32
    %dma_start3A_575 = tpu.memref_slice %arg9[%dma_start3A_572, %dma_start3A_573, %dma_start3A_574] : memref<4x32x768xf32, #tpu.memory_space<vmem>> -> memref<1x32x768xf32, #tpu.memory_space<vmem>>
    %dma_start3A_576 = tpu.memref_squeeze %dma_start3A_575 : memref<1x32x768xf32, #tpu.memory_space<vmem>> -> memref<32x768xf32, #tpu.memory_space<vmem>>
    %dma_start3A_577 = arith.constant 0 : i32
    %dma_start3A_578 = tpu.memref_slice %arg5[%add3A_571, %dma_start3A_577] : memref<16384x768xf32, #tpu.memory_space<hbm>> -> memref<32x768xf32, #tpu.memory_space<hbm>>
    %dma_start3A_579 = arith.constant 0 : i32
    %dma_start3A_580 = tpu.memref_slice %arg5[%add3A_571, %dma_start3A_579] : memref<16384x768xf32, #tpu.memory_space<hbm>> -> memref<32x768xf32, #tpu.memory_space<hbm>>
    %dma_start3A_581 = arith.constant 0 : i32
    %dma_start3A_582 = arith.constant 0 : i32
    %dma_start3A_583 = tpu.memref_slice %arg9[%dma_start3A_572, %dma_start3A_581, %dma_start3A_582] : memref<4x32x768xf32, #tpu.memory_space<vmem>> -> memref<1x32x768xf32, #tpu.memory_space<vmem>>
    %dma_start3A_584 = tpu.memref_squeeze %dma_start3A_583 : memref<1x32x768xf32, #tpu.memory_space<vmem>> -> memref<32x768xf32, #tpu.memory_space<vmem>>
    tpu.enqueue_dma source(%dma_start3A_584 : memref<32x768xf32, #tpu.memory_space<vmem>>) target(%dma_start3A_580 : memref<32x768xf32, #tpu.memory_space<hbm>>) target_semaphore(%arg16 : memref<!tpu.dma_semaphore, #tpu.memory_space<semaphore_mem>>)
    %dma_wait3A_585 = arith.constant 1 : i32
    %dma_wait3A_586 = arith.constant 0 : i32
    %dma_wait3A_587 = arith.constant 0 : i32
    %dma_wait3A_588 = tpu.memref_slice %arg9[%dma_wait3A_585, %dma_wait3A_586, %dma_wait3A_587] : memref<4x32x768xf32, #tpu.memory_space<vmem>> -> memref<1x32x768xf32, #tpu.memory_space<vmem>>
    %dma_wait3A_589 = tpu.memref_squeeze %dma_wait3A_588 : memref<1x32x768xf32, #tpu.memory_space<vmem>> -> memref<32x768xf32, #tpu.memory_space<vmem>>
    %dma_wait3A_590 = arith.constant 0 : i32
    %dma_wait3A_591 = tpu.memref_slice %arg5[%add3A_523, %dma_wait3A_590] : memref<16384x768xf32, #tpu.memory_space<hbm>> -> memref<32x768xf32, #tpu.memory_space<hbm>>
    %dma_wait3A_592 = arith.constant 0 : i32
    %dma_wait3A_593 = tpu.memref_slice %arg5[%add3A_523, %dma_wait3A_592] : memref<16384x768xf32, #tpu.memory_space<hbm>> -> memref<32x768xf32, #tpu.memory_space<hbm>>
    %dma_wait3A_594 = arith.constant 0 : i32
    %dma_wait3A_595 = arith.constant 0 : i32
    %dma_wait3A_596 = tpu.memref_slice %arg9[%dma_wait3A_585, %dma_wait3A_594, %dma_wait3A_595] : memref<4x32x768xf32, #tpu.memory_space<vmem>> -> memref<1x32x768xf32, #tpu.memory_space<vmem>>
    %dma_wait3A_597 = tpu.memref_squeeze %dma_wait3A_596 : memref<1x32x768xf32, #tpu.memory_space<vmem>> -> memref<32x768xf32, #tpu.memory_space<vmem>>
    tpu.wait_dma2 semaphore(%arg15 : memref<!tpu.dma_semaphore, #tpu.memory_space<semaphore_mem>>) src(%dma_wait3A_597 : memref<32x768xf32, #tpu.memory_space<vmem>>) dst(%dma_wait3A_593 : memref<32x768xf32, #tpu.memory_space<hbm>>)
    %dma_start3A_598 = arith.constant 1 : i32
    %dma_start3A_599 = arith.constant 0 : i32
    %dma_start3A_600 = arith.constant 0 : i32
    %dma_start3A_601 = tpu.memref_slice %arg9[%dma_start3A_598, %dma_start3A_599, %dma_start3A_600] : memref<4x32x768xf32, #tpu.memory_space<vmem>> -> memref<1x32x768xf32, #tpu.memory_space<vmem>>
    %dma_start3A_602 = tpu.memref_squeeze %dma_start3A_601 : memref<1x32x768xf32, #tpu.memory_space<vmem>> -> memref<32x768xf32, #tpu.memory_space<vmem>>
    %dma_start3A_603 = arith.constant 160 : i32
    %dma_start3A_604 = tpu.memref_slice %arg8[%dma_start3A_603] : memref<512xi32, #tpu.memory_space<vmem>> -> memref<32xi32, #tpu.memory_space<vmem>>
    %dma_start3A_605 = arith.constant 0 : i32
    %dma_start3A_606 = arith.constant 0 : i32
    %dma_start3A_607 = tpu.memref_slice %arg2[%dma_start3A_605, %dma_start3A_606] : memref<2048x768xf32, #tpu.memory_space<hbm>> -> memref<2048x768xf32, #tpu.memory_space<hbm>>
    tpu.enqueue_indirect_dma source(%dma_start3A_607 : memref<2048x768xf32, #tpu.memory_space<hbm>>) target(%dma_start3A_602 : memref<32x768xf32, #tpu.memory_space<vmem>>) offsets(%dma_start3A_604 : memref<32xi32, #tpu.memory_space<vmem>>) semaphore(%arg11 : memref<!tpu.dma_semaphore, #tpu.memory_space<semaphore_mem>>)
    %dma_wait3A_608 = arith.constant 3 : i32
    %dma_wait3A_609 = arith.constant 0 : i32
    %dma_wait3A_610 = arith.constant 0 : i32
    %dma_wait3A_611 = tpu.memref_slice %arg9[%dma_wait3A_608, %dma_wait3A_609, %dma_wait3A_610] : memref<4x32x768xf32, #tpu.memory_space<vmem>> -> memref<1x32x768xf32, #tpu.memory_space<vmem>>
    %dma_wait3A_612 = tpu.memref_squeeze %dma_wait3A_611 : memref<1x32x768xf32, #tpu.memory_space<vmem>> -> memref<32x768xf32, #tpu.memory_space<vmem>>
    %dma_wait3A_613 = arith.constant 96 : i32
    %dma_wait3A_614 = tpu.memref_slice %arg8[%dma_wait3A_613] : memref<512xi32, #tpu.memory_space<vmem>> -> memref<32xi32, #tpu.memory_space<vmem>>
    %dma_wait3A_615 = arith.constant 0 : i32
    %dma_wait3A_616 = arith.constant 0 : i32
    %dma_wait3A_617 = tpu.memref_slice %arg2[%dma_wait3A_615, %dma_wait3A_616] : memref<2048x768xf32, #tpu.memory_space<hbm>> -> memref<2048x768xf32, #tpu.memory_space<hbm>>
    tpu.wait_indirect_dma semaphore(%arg13 : memref<!tpu.dma_semaphore, #tpu.memory_space<semaphore_mem>>) src(%dma_wait3A_617 : memref<2048x768xf32, #tpu.memory_space<hbm>>) dst(%dma_wait3A_612 : memref<32x768xf32, #tpu.memory_space<vmem>>)
    %add3A_618 = arith.constant 96 : i32
    %add3A_619 = arith.addi %mul3A_2, %add3A_618 : i32
    %dma_start3A_620 = arith.constant 3 : i32
    %dma_start3A_621 = arith.constant 0 : i32
    %dma_start3A_622 = arith.constant 0 : i32
    %dma_start3A_623 = tpu.memref_slice %arg9[%dma_start3A_620, %dma_start3A_621, %dma_start3A_622] : memref<4x32x768xf32, #tpu.memory_space<vmem>> -> memref<1x32x768xf32, #tpu.memory_space<vmem>>
    %dma_start3A_624 = tpu.memref_squeeze %dma_start3A_623 : memref<1x32x768xf32, #tpu.memory_space<vmem>> -> memref<32x768xf32, #tpu.memory_space<vmem>>
    %dma_start3A_625 = arith.constant 0 : i32
    %dma_start3A_626 = tpu.memref_slice %arg5[%add3A_619, %dma_start3A_625] : memref<16384x768xf32, #tpu.memory_space<hbm>> -> memref<32x768xf32, #tpu.memory_space<hbm>>
    %dma_start3A_627 = arith.constant 0 : i32
    %dma_start3A_628 = tpu.memref_slice %arg5[%add3A_619, %dma_start3A_627] : memref<16384x768xf32, #tpu.memory_space<hbm>> -> memref<32x768xf32, #tpu.memory_space<hbm>>
    %dma_start3A_629 = arith.constant 0 : i32
    %dma_start3A_630 = arith.constant 0 : i32
    %dma_start3A_631 = tpu.memref_slice %arg9[%dma_start3A_620, %dma_start3A_629, %dma_start3A_630] : memref<4x32x768xf32, #tpu.memory_space<vmem>> -> memref<1x32x768xf32, #tpu.memory_space<vmem>>
    %dma_start3A_632 = tpu.memref_squeeze %dma_start3A_631 : memref<1x32x768xf32, #tpu.memory_space<vmem>> -> memref<32x768xf32, #tpu.memory_space<vmem>>
    tpu.enqueue_dma source(%dma_start3A_632 : memref<32x768xf32, #tpu.memory_space<vmem>>) target(%dma_start3A_628 : memref<32x768xf32, #tpu.memory_space<hbm>>) target_semaphore(%arg17 : memref<!tpu.dma_semaphore, #tpu.memory_space<semaphore_mem>>)
    %dma_wait3A_633 = arith.constant 2 : i32
    %dma_wait3A_634 = arith.constant 0 : i32
    %dma_wait3A_635 = arith.constant 0 : i32
    %dma_wait3A_636 = tpu.memref_slice %arg9[%dma_wait3A_633, %dma_wait3A_634, %dma_wait3A_635] : memref<4x32x768xf32, #tpu.memory_space<vmem>> -> memref<1x32x768xf32, #tpu.memory_space<vmem>>
    %dma_wait3A_637 = tpu.memref_squeeze %dma_wait3A_636 : memref<1x32x768xf32, #tpu.memory_space<vmem>> -> memref<32x768xf32, #tpu.memory_space<vmem>>
    %dma_wait3A_638 = arith.constant 0 : i32
    %dma_wait3A_639 = tpu.memref_slice %arg5[%add3A_571, %dma_wait3A_638] : memref<16384x768xf32, #tpu.memory_space<hbm>> -> memref<32x768xf32, #tpu.memory_space<hbm>>
    %dma_wait3A_640 = arith.constant 0 : i32
    %dma_wait3A_641 = tpu.memref_slice %arg5[%add3A_571, %dma_wait3A_640] : memref<16384x768xf32, #tpu.memory_space<hbm>> -> memref<32x768xf32, #tpu.memory_space<hbm>>
    %dma_wait3A_642 = arith.constant 0 : i32
    %dma_wait3A_643 = arith.constant 0 : i32
    %dma_wait3A_644 = tpu.memref_slice %arg9[%dma_wait3A_633, %dma_wait3A_642, %dma_wait3A_643] : memref<4x32x768xf32, #tpu.memory_space<vmem>> -> memref<1x32x768xf32, #tpu.memory_space<vmem>>
    %dma_wait3A_645 = tpu.memref_squeeze %dma_wait3A_644 : memref<1x32x768xf32, #tpu.memory_space<vmem>> -> memref<32x768xf32, #tpu.memory_space<vmem>>
    tpu.wait_dma2 semaphore(%arg16 : memref<!tpu.dma_semaphore, #tpu.memory_space<semaphore_mem>>) src(%dma_wait3A_645 : memref<32x768xf32, #tpu.memory_space<vmem>>) dst(%dma_wait3A_641 : memref<32x768xf32, #tpu.memory_space<hbm>>)
    %dma_start3A_646 = arith.constant 2 : i32
    %dma_start3A_647 = arith.constant 0 : i32
    %dma_start3A_648 = arith.constant 0 : i32
    %dma_start3A_649 = tpu.memref_slice %arg9[%dma_start3A_646, %dma_start3A_647, %dma_start3A_648] : memref<4x32x768xf32, #tpu.memory_space<vmem>> -> memref<1x32x768xf32, #tpu.memory_space<vmem>>
    %dma_start3A_650 = tpu.memref_squeeze %dma_start3A_649 : memref<1x32x768xf32, #tpu.memory_space<vmem>> -> memref<32x768xf32, #tpu.memory_space<vmem>>
    %dma_start3A_651 = arith.constant 192 : i32
    %dma_start3A_652 = tpu.memref_slice %arg8[%dma_start3A_651] : memref<512xi32, #tpu.memory_space<vmem>> -> memref<32xi32, #tpu.memory_space<vmem>>
    %dma_start3A_653 = arith.constant 0 : i32
    %dma_start3A_654 = arith.constant 0 : i32
    %dma_start3A_655 = tpu.memref_slice %arg2[%dma_start3A_653, %dma_start3A_654] : memref<2048x768xf32, #tpu.memory_space<hbm>> -> memref<2048x768xf32, #tpu.memory_space<hbm>>
    tpu.enqueue_indirect_dma source(%dma_start3A_655 : memref<2048x768xf32, #tpu.memory_space<hbm>>) target(%dma_start3A_650 : memref<32x768xf32, #tpu.memory_space<vmem>>) offsets(%dma_start3A_652 : memref<32xi32, #tpu.memory_space<vmem>>) semaphore(%arg12 : memref<!tpu.dma_semaphore, #tpu.memory_space<semaphore_mem>>)
    %dma_wait3A_656 = arith.constant 0 : i32
    %dma_wait3A_657 = arith.constant 0 : i32
    %dma_wait3A_658 = arith.constant 0 : i32
    %dma_wait3A_659 = tpu.memref_slice %arg9[%dma_wait3A_656, %dma_wait3A_657, %dma_wait3A_658] : memref<4x32x768xf32, #tpu.memory_space<vmem>> -> memref<1x32x768xf32, #tpu.memory_space<vmem>>
    %dma_wait3A_660 = tpu.memref_squeeze %dma_wait3A_659 : memref<1x32x768xf32, #tpu.memory_space<vmem>> -> memref<32x768xf32, #tpu.memory_space<vmem>>
    %dma_wait3A_661 = arith.constant 128 : i32
    %dma_wait3A_662 = tpu.memref_slice %arg8[%dma_wait3A_661] : memref<512xi32, #tpu.memory_space<vmem>> -> memref<32xi32, #tpu.memory_space<vmem>>
    %dma_wait3A_663 = arith.constant 0 : i32
    %dma_wait3A_664 = arith.constant 0 : i32
    %dma_wait3A_665 = tpu.memref_slice %arg2[%dma_wait3A_663, %dma_wait3A_664] : memref<2048x768xf32, #tpu.memory_space<hbm>> -> memref<2048x768xf32, #tpu.memory_space<hbm>>
    tpu.wait_indirect_dma semaphore(%arg10 : memref<!tpu.dma_semaphore, #tpu.memory_space<semaphore_mem>>) src(%dma_wait3A_665 : memref<2048x768xf32, #tpu.memory_space<hbm>>) dst(%dma_wait3A_660 : memref<32x768xf32, #tpu.memory_space<vmem>>)
    %add3A_666 = arith.constant 128 : i32
    %add3A_667 = arith.addi %mul3A_2, %add3A_666 : i32
    %dma_start3A_668 = arith.constant 0 : i32
    %dma_start3A_669 = arith.constant 0 : i32
    %dma_start3A_670 = arith.constant 0 : i32
    %dma_start3A_671 = tpu.memref_slice %arg9[%dma_start3A_668, %dma_start3A_669, %dma_start3A_670] : memref<4x32x768xf32, #tpu.memory_space<vmem>> -> memref<1x32x768xf32, #tpu.memory_space<vmem>>
    %dma_start3A_672 = tpu.memref_squeeze %dma_start3A_671 : memref<1x32x768xf32, #tpu.memory_space<vmem>> -> memref<32x768xf32, #tpu.memory_space<vmem>>
    %dma_start3A_673 = arith.constant 0 : i32
    %dma_start3A_674 = tpu.memref_slice %arg5[%add3A_667, %dma_start3A_673] : memref<16384x768xf32, #tpu.memory_space<hbm>> -> memref<32x768xf32, #tpu.memory_space<hbm>>
    %dma_start3A_675 = arith.constant 0 : i32
    %dma_start3A_676 = tpu.memref_slice %arg5[%add3A_667, %dma_start3A_675] : memref<16384x768xf32, #tpu.memory_space<hbm>> -> memref<32x768xf32, #tpu.memory_space<hbm>>
    %dma_start3A_677 = arith.constant 0 : i32
    %dma_start3A_678 = arith.constant 0 : i32
    %dma_start3A_679 = tpu.memref_slice %arg9[%dma_start3A_668, %dma_start3A_677, %dma_start3A_678] : memref<4x32x768xf32, #tpu.memory_space<vmem>> -> memref<1x32x768xf32, #tpu.memory_space<vmem>>
    %dma_start3A_680 = tpu.memref_squeeze %dma_start3A_679 : memref<1x32x768xf32, #tpu.memory_space<vmem>> -> memref<32x768xf32, #tpu.memory_space<vmem>>
    tpu.enqueue_dma source(%dma_start3A_680 : memref<32x768xf32, #tpu.memory_space<vmem>>) target(%dma_start3A_676 : memref<32x768xf32, #tpu.memory_space<hbm>>) target_semaphore(%arg14 : memref<!tpu.dma_semaphore, #tpu.memory_space<semaphore_mem>>)
    %dma_wait3A_681 = arith.constant 3 : i32
    %dma_wait3A_682 = arith.constant 0 : i32
    %dma_wait3A_683 = arith.constant 0 : i32
    %dma_wait3A_684 = tpu.memref_slice %arg9[%dma_wait3A_681, %dma_wait3A_682, %dma_wait3A_683] : memref<4x32x768xf32, #tpu.memory_space<vmem>> -> memref<1x32x768xf32, #tpu.memory_space<vmem>>
    %dma_wait3A_685 = tpu.memref_squeeze %dma_wait3A_684 : memref<1x32x768xf32, #tpu.memory_space<vmem>> -> memref<32x768xf32, #tpu.memory_space<vmem>>
    %dma_wait3A_686 = arith.constant 0 : i32
    %dma_wait3A_687 = tpu.memref_slice %arg5[%add3A_619, %dma_wait3A_686] : memref<16384x768xf32, #tpu.memory_space<hbm>> -> memref<32x768xf32, #tpu.memory_space<hbm>>
    %dma_wait3A_688 = arith.constant 0 : i32
    %dma_wait3A_689 = tpu.memref_slice %arg5[%add3A_619, %dma_wait3A_688] : memref<16384x768xf32, #tpu.memory_space<hbm>> -> memref<32x768xf32, #tpu.memory_space<hbm>>
    %dma_wait3A_690 = arith.constant 0 : i32
    %dma_wait3A_691 = arith.constant 0 : i32
    %dma_wait3A_692 = tpu.memref_slice %arg9[%dma_wait3A_681, %dma_wait3A_690, %dma_wait3A_691] : memref<4x32x768xf32, #tpu.memory_space<vmem>> -> memref<1x32x768xf32, #tpu.memory_space<vmem>>
    %dma_wait3A_693 = tpu.memref_squeeze %dma_wait3A_692 : memref<1x32x768xf32, #tpu.memory_space<vmem>> -> memref<32x768xf32, #tpu.memory_space<vmem>>
    tpu.wait_dma2 semaphore(%arg17 : memref<!tpu.dma_semaphore, #tpu.memory_space<semaphore_mem>>) src(%dma_wait3A_693 : memref<32x768xf32, #tpu.memory_space<vmem>>) dst(%dma_wait3A_689 : memref<32x768xf32, #tpu.memory_space<hbm>>)
    %dma_start3A_694 = arith.constant 3 : i32
    %dma_start3A_695 = arith.constant 0 : i32
    %dma_start3A_696 = arith.constant 0 : i32
    %dma_start3A_697 = tpu.memref_slice %arg9[%dma_start3A_694, %dma_start3A_695, %dma_start3A_696] : memref<4x32x768xf32, #tpu.memory_space<vmem>> -> memref<1x32x768xf32, #tpu.memory_space<vmem>>
    %dma_start3A_698 = tpu.memref_squeeze %dma_start3A_697 : memref<1x32x768xf32, #tpu.memory_space<vmem>> -> memref<32x768xf32, #tpu.memory_space<vmem>>
    %dma_start3A_699 = arith.constant 224 : i32
    %dma_start3A_700 = tpu.memref_slice %arg8[%dma_start3A_699] : memref<512xi32, #tpu.memory_space<vmem>> -> memref<32xi32, #tpu.memory_space<vmem>>
    %dma_start3A_701 = arith.constant 0 : i32
    %dma_start3A_702 = arith.constant 0 : i32
    %dma_start3A_703 = tpu.memref_slice %arg2[%dma_start3A_701, %dma_start3A_702] : memref<2048x768xf32, #tpu.memory_space<hbm>> -> memref<2048x768xf32, #tpu.memory_space<hbm>>
    tpu.enqueue_indirect_dma source(%dma_start3A_703 : memref<2048x768xf32, #tpu.memory_space<hbm>>) target(%dma_start3A_698 : memref<32x768xf32, #tpu.memory_space<vmem>>) offsets(%dma_start3A_700 : memref<32xi32, #tpu.memory_space<vmem>>) semaphore(%arg13 : memref<!tpu.dma_semaphore, #tpu.memory_space<semaphore_mem>>)
    %dma_wait3A_704 = arith.constant 1 : i32
    %dma_wait3A_705 = arith.constant 0 : i32
    %dma_wait3A_706 = arith.constant 0 : i32
    %dma_wait3A_707 = tpu.memref_slice %arg9[%dma_wait3A_704, %dma_wait3A_705, %dma_wait3A_706] : memref<4x32x768xf32, #tpu.memory_space<vmem>> -> memref<1x32x768xf32, #tpu.memory_space<vmem>>
    %dma_wait3A_708 = tpu.memref_squeeze %dma_wait3A_707 : memref<1x32x768xf32, #tpu.memory_space<vmem>> -> memref<32x768xf32, #tpu.memory_space<vmem>>
    %dma_wait3A_709 = arith.constant 160 : i32
    %dma_wait3A_710 = tpu.memref_slice %arg8[%dma_wait3A_709] : memref<512xi32, #tpu.memory_space<vmem>> -> memref<32xi32, #tpu.memory_space<vmem>>
    %dma_wait3A_711 = arith.constant 0 : i32
    %dma_wait3A_712 = arith.constant 0 : i32
    %dma_wait3A_713 = tpu.memref_slice %arg2[%dma_wait3A_711, %dma_wait3A_712] : memref<2048x768xf32, #tpu.memory_space<hbm>> -> memref<2048x768xf32, #tpu.memory_space<hbm>>
    tpu.wait_indirect_dma semaphore(%arg11 : memref<!tpu.dma_semaphore, #tpu.memory_space<semaphore_mem>>) src(%dma_wait3A_713 : memref<2048x768xf32, #tpu.memory_space<hbm>>) dst(%dma_wait3A_708 : memref<32x768xf32, #tpu.memory_space<vmem>>)
    %add3A_714 = arith.constant 160 : i32
    %add3A_715 = arith.addi %mul3A_2, %add3A_714 : i32
    %dma_start3A_716 = arith.constant 1 : i32
    %dma_start3A_717 = arith.constant 0 : i32
    %dma_start3A_718 = arith.constant 0 : i32
    %dma_start3A_719 = tpu.memref_slice %arg9[%dma_start3A_716, %dma_start3A_717, %dma_start3A_718] : memref<4x32x768xf32, #tpu.memory_space<vmem>> -> memref<1x32x768xf32, #tpu.memory_space<vmem>>
    %dma_start3A_720 = tpu.memref_squeeze %dma_start3A_719 : memref<1x32x768xf32, #tpu.memory_space<vmem>> -> memref<32x768xf32, #tpu.memory_space<vmem>>
    %dma_start3A_721 = arith.constant 0 : i32
    %dma_start3A_722 = tpu.memref_slice %arg5[%add3A_715, %dma_start3A_721] : memref<16384x768xf32, #tpu.memory_space<hbm>> -> memref<32x768xf32, #tpu.memory_space<hbm>>
    %dma_start3A_723 = arith.constant 0 : i32
    %dma_start3A_724 = tpu.memref_slice %arg5[%add3A_715, %dma_start3A_723] : memref<16384x768xf32, #tpu.memory_space<hbm>> -> memref<32x768xf32, #tpu.memory_space<hbm>>
    %dma_start3A_725 = arith.constant 0 : i32
    %dma_start3A_726 = arith.constant 0 : i32
    %dma_start3A_727 = tpu.memref_slice %arg9[%dma_start3A_716, %dma_start3A_725, %dma_start3A_726] : memref<4x32x768xf32, #tpu.memory_space<vmem>> -> memref<1x32x768xf32, #tpu.memory_space<vmem>>
    %dma_start3A_728 = tpu.memref_squeeze %dma_start3A_727 : memref<1x32x768xf32, #tpu.memory_space<vmem>> -> memref<32x768xf32, #tpu.memory_space<vmem>>
    tpu.enqueue_dma source(%dma_start3A_728 : memref<32x768xf32, #tpu.memory_space<vmem>>) target(%dma_start3A_724 : memref<32x768xf32, #tpu.memory_space<hbm>>) target_semaphore(%arg15 : memref<!tpu.dma_semaphore, #tpu.memory_space<semaphore_mem>>)
    %dma_wait3A_729 = arith.constant 0 : i32
    %dma_wait3A_730 = arith.constant 0 : i32
    %dma_wait3A_731 = arith.constant 0 : i32
    %dma_wait3A_732 = tpu.memref_slice %arg9[%dma_wait3A_729, %dma_wait3A_730, %dma_wait3A_731] : memref<4x32x768xf32, #tpu.memory_space<vmem>> -> memref<1x32x768xf32, #tpu.memory_space<vmem>>
    %dma_wait3A_733 = tpu.memref_squeeze %dma_wait3A_732 : memref<1x32x768xf32, #tpu.memory_space<vmem>> -> memref<32x768xf32, #tpu.memory_space<vmem>>
    %dma_wait3A_734 = arith.constant 0 : i32
    %dma_wait3A_735 = tpu.memref_slice %arg5[%add3A_667, %dma_wait3A_734] : memref<16384x768xf32, #tpu.memory_space<hbm>> -> memref<32x768xf32, #tpu.memory_space<hbm>>
    %dma_wait3A_736 = arith.constant 0 : i32
    %dma_wait3A_737 = tpu.memref_slice %arg5[%add3A_667, %dma_wait3A_736] : memref<16384x768xf32, #tpu.memory_space<hbm>> -> memref<32x768xf32, #tpu.memory_space<hbm>>
    %dma_wait3A_738 = arith.constant 0 : i32
    %dma_wait3A_739 = arith.constant 0 : i32
    %dma_wait3A_740 = tpu.memref_slice %arg9[%dma_wait3A_729, %dma_wait3A_738, %dma_wait3A_739] : memref<4x32x768xf32, #tpu.memory_space<vmem>> -> memref<1x32x768xf32, #tpu.memory_space<vmem>>
    %dma_wait3A_741 = tpu.memref_squeeze %dma_wait3A_740 : memref<1x32x768xf32, #tpu.memory_space<vmem>> -> memref<32x768xf32, #tpu.memory_space<vmem>>
    tpu.wait_dma2 semaphore(%arg14 : memref<!tpu.dma_semaphore, #tpu.memory_space<semaphore_mem>>) src(%dma_wait3A_741 : memref<32x768xf32, #tpu.memory_space<vmem>>) dst(%dma_wait3A_737 : memref<32x768xf32, #tpu.memory_space<hbm>>)
    %dma_start3A_742 = arith.constant 0 : i32
    %dma_start3A_743 = arith.constant 0 : i32
    %dma_start3A_744 = arith.constant 0 : i32
    %dma_start3A_745 = tpu.memref_slice %arg9[%dma_start3A_742, %dma_start3A_743, %dma_start3A_744] : memref<4x32x768xf32, #tpu.memory_space<vmem>> -> memref<1x32x768xf32, #tpu.memory_space<vmem>>
    %dma_start3A_746 = tpu.memref_squeeze %dma_start3A_745 : memref<1x32x768xf32, #tpu.memory_space<vmem>> -> memref<32x768xf32, #tpu.memory_space<vmem>>
    %dma_start3A_747 = arith.constant 256 : i32
    %dma_start3A_748 = tpu.memref_slice %arg8[%dma_start3A_747] : memref<512xi32, #tpu.memory_space<vmem>> -> memref<32xi32, #tpu.memory_space<vmem>>
    %dma_start3A_749 = arith.constant 0 : i32
    %dma_start3A_750 = arith.constant 0 : i32
    %dma_start3A_751 = tpu.memref_slice %arg2[%dma_start3A_749, %dma_start3A_750] : memref<2048x768xf32, #tpu.memory_space<hbm>> -> memref<2048x768xf32, #tpu.memory_space<hbm>>
    tpu.enqueue_indirect_dma source(%dma_start3A_751 : memref<2048x768xf32, #tpu.memory_space<hbm>>) target(%dma_start3A_746 : memref<32x768xf32, #tpu.memory_space<vmem>>) offsets(%dma_start3A_748 : memref<32xi32, #tpu.memory_space<vmem>>) semaphore(%arg10 : memref<!tpu.dma_semaphore, #tpu.memory_space<semaphore_mem>>)
    %dma_wait3A_752 = arith.constant 2 : i32
    %dma_wait3A_753 = arith.constant 0 : i32
    %dma_wait3A_754 = arith.constant 0 : i32
    %dma_wait3A_755 = tpu.memref_slice %arg9[%dma_wait3A_752, %dma_wait3A_753, %dma_wait3A_754] : memref<4x32x768xf32, #tpu.memory_space<vmem>> -> memref<1x32x768xf32, #tpu.memory_space<vmem>>
    %dma_wait3A_756 = tpu.memref_squeeze %dma_wait3A_755 : memref<1x32x768xf32, #tpu.memory_space<vmem>> -> memref<32x768xf32, #tpu.memory_space<vmem>>
    %dma_wait3A_757 = arith.constant 192 : i32
    %dma_wait3A_758 = tpu.memref_slice %arg8[%dma_wait3A_757] : memref<512xi32, #tpu.memory_space<vmem>> -> memref<32xi32, #tpu.memory_space<vmem>>
    %dma_wait3A_759 = arith.constant 0 : i32
    %dma_wait3A_760 = arith.constant 0 : i32
    %dma_wait3A_761 = tpu.memref_slice %arg2[%dma_wait3A_759, %dma_wait3A_760] : memref<2048x768xf32, #tpu.memory_space<hbm>> -> memref<2048x768xf32, #tpu.memory_space<hbm>>
    tpu.wait_indirect_dma semaphore(%arg12 : memref<!tpu.dma_semaphore, #tpu.memory_space<semaphore_mem>>) src(%dma_wait3A_761 : memref<2048x768xf32, #tpu.memory_space<hbm>>) dst(%dma_wait3A_756 : memref<32x768xf32, #tpu.memory_space<vmem>>)
    %add3A_762 = arith.constant 192 : i32
    %add3A_763 = arith.addi %mul3A_2, %add3A_762 : i32
    %dma_start3A_764 = arith.constant 2 : i32
    %dma_start3A_765 = arith.constant 0 : i32
    %dma_start3A_766 = arith.constant 0 : i32
    %dma_start3A_767 = tpu.memref_slice %arg9[%dma_start3A_764, %dma_start3A_765, %dma_start3A_766] : memref<4x32x768xf32, #tpu.memory_space<vmem>> -> memref<1x32x768xf32, #tpu.memory_space<vmem>>
    %dma_start3A_768 = tpu.memref_squeeze %dma_start3A_767 : memref<1x32x768xf32, #tpu.memory_space<vmem>> -> memref<32x768xf32, #tpu.memory_space<vmem>>
    %dma_start3A_769 = arith.constant 0 : i32
    %dma_start3A_770 = tpu.memref_slice %arg5[%add3A_763, %dma_start3A_769] : memref<16384x768xf32, #tpu.memory_space<hbm>> -> memref<32x768xf32, #tpu.memory_space<hbm>>
    %dma_start3A_771 = arith.constant 0 : i32
    %dma_start3A_772 = tpu.memref_slice %arg5[%add3A_763, %dma_start3A_771] : memref<16384x768xf32, #tpu.memory_space<hbm>> -> memref<32x768xf32, #tpu.memory_space<hbm>>
    %dma_start3A_773 = arith.constant 0 : i32
    %dma_start3A_774 = arith.constant 0 : i32
    %dma_start3A_775 = tpu.memref_slice %arg9[%dma_start3A_764, %dma_start3A_773, %dma_start3A_774] : memref<4x32x768xf32, #tpu.memory_space<vmem>> -> memref<1x32x768xf32, #tpu.memory_space<vmem>>
    %dma_start3A_776 = tpu.memref_squeeze %dma_start3A_775 : memref<1x32x768xf32, #tpu.memory_space<vmem>> -> memref<32x768xf32, #tpu.memory_space<vmem>>
    tpu.enqueue_dma source(%dma_start3A_776 : memref<32x768xf32, #tpu.memory_space<vmem>>) target(%dma_start3A_772 : memref<32x768xf32, #tpu.memory_space<hbm>>) target_semaphore(%arg16 : memref<!tpu.dma_semaphore, #tpu.memory_space<semaphore_mem>>)
    %dma_wait3A_777 = arith.constant 1 : i32
    %dma_wait3A_778 = arith.constant 0 : i32
    %dma_wait3A_779 = arith.constant 0 : i32
    %dma_wait3A_780 = tpu.memref_slice %arg9[%dma_wait3A_777, %dma_wait3A_778, %dma_wait3A_779] : memref<4x32x768xf32, #tpu.memory_space<vmem>> -> memref<1x32x768xf32, #tpu.memory_space<vmem>>
    %dma_wait3A_781 = tpu.memref_squeeze %dma_wait3A_780 : memref<1x32x768xf32, #tpu.memory_space<vmem>> -> memref<32x768xf32, #tpu.memory_space<vmem>>
    %dma_wait3A_782 = arith.constant 0 : i32
    %dma_wait3A_783 = tpu.memref_slice %arg5[%add3A_715, %dma_wait3A_782] : memref<16384x768xf32, #tpu.memory_space<hbm>> -> memref<32x768xf32, #tpu.memory_space<hbm>>
    %dma_wait3A_784 = arith.constant 0 : i32
    %dma_wait3A_785 = tpu.memref_slice %arg5[%add3A_715, %dma_wait3A_784] : memref<16384x768xf32, #tpu.memory_space<hbm>> -> memref<32x768xf32, #tpu.memory_space<hbm>>
    %dma_wait3A_786 = arith.constant 0 : i32
    %dma_wait3A_787 = arith.constant 0 : i32
    %dma_wait3A_788 = tpu.memref_slice %arg9[%dma_wait3A_777, %dma_wait3A_786, %dma_wait3A_787] : memref<4x32x768xf32, #tpu.memory_space<vmem>> -> memref<1x32x768xf32, #tpu.memory_space<vmem>>
    %dma_wait3A_789 = tpu.memref_squeeze %dma_wait3A_788 : memref<1x32x768xf32, #tpu.memory_space<vmem>> -> memref<32x768xf32, #tpu.memory_space<vmem>>
    tpu.wait_dma2 semaphore(%arg15 : memref<!tpu.dma_semaphore, #tpu.memory_space<semaphore_mem>>) src(%dma_wait3A_789 : memref<32x768xf32, #tpu.memory_space<vmem>>) dst(%dma_wait3A_785 : memref<32x768xf32, #tpu.memory_space<hbm>>)
    %dma_start3A_790 = arith.constant 1 : i32
    %dma_start3A_791 = arith.constant 0 : i32
    %dma_start3A_792 = arith.constant 0 : i32
    %dma_start3A_793 = tpu.memref_slice %arg9[%dma_start3A_790, %dma_start3A_791, %dma_start3A_792] : memref<4x32x768xf32, #tpu.memory_space<vmem>> -> memref<1x32x768xf32, #tpu.memory_space<vmem>>
    %dma_start3A_794 = tpu.memref_squeeze %dma_start3A_793 : memref<1x32x768xf32, #tpu.memory_space<vmem>> -> memref<32x768xf32, #tpu.memory_space<vmem>>
    %dma_start3A_795 = arith.constant 288 : i32
    %dma_start3A_796 = tpu.memref_slice %arg8[%dma_start3A_795] : memref<512xi32, #tpu.memory_space<vmem>> -> memref<32xi32, #tpu.memory_space<vmem>>
    %dma_start3A_797 = arith.constant 0 : i32
    %dma_start3A_798 = arith.constant 0 : i32
    %dma_start3A_799 = tpu.memref_slice %arg2[%dma_start3A_797, %dma_start3A_798] : memref<2048x768xf32, #tpu.memory_space<hbm>> -> memref<2048x768xf32, #tpu.memory_space<hbm>>
    tpu.enqueue_indirect_dma source(%dma_start3A_799 : memref<2048x768xf32, #tpu.memory_space<hbm>>) target(%dma_start3A_794 : memref<32x768xf32, #tpu.memory_space<vmem>>) offsets(%dma_start3A_796 : memref<32xi32, #tpu.memory_space<vmem>>) semaphore(%arg11 : memref<!tpu.dma_semaphore, #tpu.memory_space<semaphore_mem>>)
    %dma_wait3A_800 = arith.constant 3 : i32
    %dma_wait3A_801 = arith.constant 0 : i32
    %dma_wait3A_802 = arith.constant 0 : i32
    %dma_wait3A_803 = tpu.memref_slice %arg9[%dma_wait3A_800, %dma_wait3A_801, %dma_wait3A_802] : memref<4x32x768xf32, #tpu.memory_space<vmem>> -> memref<1x32x768xf32, #tpu.memory_space<vmem>>
    %dma_wait3A_804 = tpu.memref_squeeze %dma_wait3A_803 : memref<1x32x768xf32, #tpu.memory_space<vmem>> -> memref<32x768xf32, #tpu.memory_space<vmem>>
    %dma_wait3A_805 = arith.constant 224 : i32
    %dma_wait3A_806 = tpu.memref_slice %arg8[%dma_wait3A_805] : memref<512xi32, #tpu.memory_space<vmem>> -> memref<32xi32, #tpu.memory_space<vmem>>
    %dma_wait3A_807 = arith.constant 0 : i32
    %dma_wait3A_808 = arith.constant 0 : i32
    %dma_wait3A_809 = tpu.memref_slice %arg2[%dma_wait3A_807, %dma_wait3A_808] : memref<2048x768xf32, #tpu.memory_space<hbm>> -> memref<2048x768xf32, #tpu.memory_space<hbm>>
    tpu.wait_indirect_dma semaphore(%arg13 : memref<!tpu.dma_semaphore, #tpu.memory_space<semaphore_mem>>) src(%dma_wait3A_809 : memref<2048x768xf32, #tpu.memory_space<hbm>>) dst(%dma_wait3A_804 : memref<32x768xf32, #tpu.memory_space<vmem>>)
    %add3A_810 = arith.constant 224 : i32
    %add3A_811 = arith.addi %mul3A_2, %add3A_810 : i32
    %dma_start3A_812 = arith.constant 3 : i32
    %dma_start3A_813 = arith.constant 0 : i32
    %dma_start3A_814 = arith.constant 0 : i32
    %dma_start3A_815 = tpu.memref_slice %arg9[%dma_start3A_812, %dma_start3A_813, %dma_start3A_814] : memref<4x32x768xf32, #tpu.memory_space<vmem>> -> memref<1x32x768xf32, #tpu.memory_space<vmem>>
    %dma_start3A_816 = tpu.memref_squeeze %dma_start3A_815 : memref<1x32x768xf32, #tpu.memory_space<vmem>> -> memref<32x768xf32, #tpu.memory_space<vmem>>
    %dma_start3A_817 = arith.constant 0 : i32
    %dma_start3A_818 = tpu.memref_slice %arg5[%add3A_811, %dma_start3A_817] : memref<16384x768xf32, #tpu.memory_space<hbm>> -> memref<32x768xf32, #tpu.memory_space<hbm>>
    %dma_start3A_819 = arith.constant 0 : i32
    %dma_start3A_820 = tpu.memref_slice %arg5[%add3A_811, %dma_start3A_819] : memref<16384x768xf32, #tpu.memory_space<hbm>> -> memref<32x768xf32, #tpu.memory_space<hbm>>
    %dma_start3A_821 = arith.constant 0 : i32
    %dma_start3A_822 = arith.constant 0 : i32
    %dma_start3A_823 = tpu.memref_slice %arg9[%dma_start3A_812, %dma_start3A_821, %dma_start3A_822] : memref<4x32x768xf32, #tpu.memory_space<vmem>> -> memref<1x32x768xf32, #tpu.memory_space<vmem>>
    %dma_start3A_824 = tpu.memref_squeeze %dma_start3A_823 : memref<1x32x768xf32, #tpu.memory_space<vmem>> -> memref<32x768xf32, #tpu.memory_space<vmem>>
    tpu.enqueue_dma source(%dma_start3A_824 : memref<32x768xf32, #tpu.memory_space<vmem>>) target(%dma_start3A_820 : memref<32x768xf32, #tpu.memory_space<hbm>>) target_semaphore(%arg17 : memref<!tpu.dma_semaphore, #tpu.memory_space<semaphore_mem>>)
    %dma_wait3A_825 = arith.constant 2 : i32
    %dma_wait3A_826 = arith.constant 0 : i32
    %dma_wait3A_827 = arith.constant 0 : i32
    %dma_wait3A_828 = tpu.memref_slice %arg9[%dma_wait3A_825, %dma_wait3A_826, %dma_wait3A_827] : memref<4x32x768xf32, #tpu.memory_space<vmem>> -> memref<1x32x768xf32, #tpu.memory_space<vmem>>
    %dma_wait3A_829 = tpu.memref_squeeze %dma_wait3A_828 : memref<1x32x768xf32, #tpu.memory_space<vmem>> -> memref<32x768xf32, #tpu.memory_space<vmem>>
    %dma_wait3A_830 = arith.constant 0 : i32
    %dma_wait3A_831 = tpu.memref_slice %arg5[%add3A_763, %dma_wait3A_830] : memref<16384x768xf32, #tpu.memory_space<hbm>> -> memref<32x768xf32, #tpu.memory_space<hbm>>
    %dma_wait3A_832 = arith.constant 0 : i32
    %dma_wait3A_833 = tpu.memref_slice %arg5[%add3A_763, %dma_wait3A_832] : memref<16384x768xf32, #tpu.memory_space<hbm>> -> memref<32x768xf32, #tpu.memory_space<hbm>>
    %dma_wait3A_834 = arith.constant 0 : i32
    %dma_wait3A_835 = arith.constant 0 : i32
    %dma_wait3A_836 = tpu.memref_slice %arg9[%dma_wait3A_825, %dma_wait3A_834, %dma_wait3A_835] : memref<4x32x768xf32, #tpu.memory_space<vmem>> -> memref<1x32x768xf32, #tpu.memory_space<vmem>>
    %dma_wait3A_837 = tpu.memref_squeeze %dma_wait3A_836 : memref<1x32x768xf32, #tpu.memory_space<vmem>> -> memref<32x768xf32, #tpu.memory_space<vmem>>
    tpu.wait_dma2 semaphore(%arg16 : memref<!tpu.dma_semaphore, #tpu.memory_space<semaphore_mem>>) src(%dma_wait3A_837 : memref<32x768xf32, #tpu.memory_space<vmem>>) dst(%dma_wait3A_833 : memref<32x768xf32, #tpu.memory_space<hbm>>)
    %dma_start3A_838 = arith.constant 2 : i32
    %dma_start3A_839 = arith.constant 0 : i32
    %dma_start3A_840 = arith.constant 0 : i32
    %dma_start3A_841 = tpu.memref_slice %arg9[%dma_start3A_838, %dma_start3A_839, %dma_start3A_840] : memref<4x32x768xf32, #tpu.memory_space<vmem>> -> memref<1x32x768xf32, #tpu.memory_space<vmem>>
    %dma_start3A_842 = tpu.memref_squeeze %dma_start3A_841 : memref<1x32x768xf32, #tpu.memory_space<vmem>> -> memref<32x768xf32, #tpu.memory_space<vmem>>
    %dma_start3A_843 = arith.constant 320 : i32
    %dma_start3A_844 = tpu.memref_slice %arg8[%dma_start3A_843] : memref<512xi32, #tpu.memory_space<vmem>> -> memref<32xi32, #tpu.memory_space<vmem>>
    %dma_start3A_845 = arith.constant 0 : i32
    %dma_start3A_846 = arith.constant 0 : i32
    %dma_start3A_847 = tpu.memref_slice %arg2[%dma_start3A_845, %dma_start3A_846] : memref<2048x768xf32, #tpu.memory_space<hbm>> -> memref<2048x768xf32, #tpu.memory_space<hbm>>
    tpu.enqueue_indirect_dma source(%dma_start3A_847 : memref<2048x768xf32, #tpu.memory_space<hbm>>) target(%dma_start3A_842 : memref<32x768xf32, #tpu.memory_space<vmem>>) offsets(%dma_start3A_844 : memref<32xi32, #tpu.memory_space<vmem>>) semaphore(%arg12 : memref<!tpu.dma_semaphore, #tpu.memory_space<semaphore_mem>>)
    %dma_wait3A_848 = arith.constant 0 : i32
    %dma_wait3A_849 = arith.constant 0 : i32
    %dma_wait3A_850 = arith.constant 0 : i32
    %dma_wait3A_851 = tpu.memref_slice %arg9[%dma_wait3A_848, %dma_wait3A_849, %dma_wait3A_850] : memref<4x32x768xf32, #tpu.memory_space<vmem>> -> memref<1x32x768xf32, #tpu.memory_space<vmem>>
    %dma_wait3A_852 = tpu.memref_squeeze %dma_wait3A_851 : memref<1x32x768xf32, #tpu.memory_space<vmem>> -> memref<32x768xf32, #tpu.memory_space<vmem>>
    %dma_wait3A_853 = arith.constant 256 : i32
    %dma_wait3A_854 = tpu.memref_slice %arg8[%dma_wait3A_853] : memref<512xi32, #tpu.memory_space<vmem>> -> memref<32xi32, #tpu.memory_space<vmem>>
    %dma_wait3A_855 = arith.constant 0 : i32
    %dma_wait3A_856 = arith.constant 0 : i32
    %dma_wait3A_857 = tpu.memref_slice %arg2[%dma_wait3A_855, %dma_wait3A_856] : memref<2048x768xf32, #tpu.memory_space<hbm>> -> memref<2048x768xf32, #tpu.memory_space<hbm>>
    tpu.wait_indirect_dma semaphore(%arg10 : memref<!tpu.dma_semaphore, #tpu.memory_space<semaphore_mem>>) src(%dma_wait3A_857 : memref<2048x768xf32, #tpu.memory_space<hbm>>) dst(%dma_wait3A_852 : memref<32x768xf32, #tpu.memory_space<vmem>>)
    %add3A_858 = arith.constant 256 : i32
    %add3A_859 = arith.addi %mul3A_2, %add3A_858 : i32
    %dma_start3A_860 = arith.constant 0 : i32
    %dma_start3A_861 = arith.constant 0 : i32
    %dma_start3A_862 = arith.constant 0 : i32
    %dma_start3A_863 = tpu.memref_slice %arg9[%dma_start3A_860, %dma_start3A_861, %dma_start3A_862] : memref<4x32x768xf32, #tpu.memory_space<vmem>> -> memref<1x32x768xf32, #tpu.memory_space<vmem>>
    %dma_start3A_864 = tpu.memref_squeeze %dma_start3A_863 : memref<1x32x768xf32, #tpu.memory_space<vmem>> -> memref<32x768xf32, #tpu.memory_space<vmem>>
    %dma_start3A_865 = arith.constant 0 : i32
    %dma_start3A_866 = tpu.memref_slice %arg5[%add3A_859, %dma_start3A_865] : memref<16384x768xf32, #tpu.memory_space<hbm>> -> memref<32x768xf32, #tpu.memory_space<hbm>>
    %dma_start3A_867 = arith.constant 0 : i32
    %dma_start3A_868 = tpu.memref_slice %arg5[%add3A_859, %dma_start3A_867] : memref<16384x768xf32, #tpu.memory_space<hbm>> -> memref<32x768xf32, #tpu.memory_space<hbm>>
    %dma_start3A_869 = arith.constant 0 : i32
    %dma_start3A_870 = arith.constant 0 : i32
    %dma_start3A_871 = tpu.memref_slice %arg9[%dma_start3A_860, %dma_start3A_869, %dma_start3A_870] : memref<4x32x768xf32, #tpu.memory_space<vmem>> -> memref<1x32x768xf32, #tpu.memory_space<vmem>>
    %dma_start3A_872 = tpu.memref_squeeze %dma_start3A_871 : memref<1x32x768xf32, #tpu.memory_space<vmem>> -> memref<32x768xf32, #tpu.memory_space<vmem>>
    tpu.enqueue_dma source(%dma_start3A_872 : memref<32x768xf32, #tpu.memory_space<vmem>>) target(%dma_start3A_868 : memref<32x768xf32, #tpu.memory_space<hbm>>) target_semaphore(%arg14 : memref<!tpu.dma_semaphore, #tpu.memory_space<semaphore_mem>>)
    %dma_wait3A_873 = arith.constant 3 : i32
    %dma_wait3A_874 = arith.constant 0 : i32
    %dma_wait3A_875 = arith.constant 0 : i32
    %dma_wait3A_876 = tpu.memref_slice %arg9[%dma_wait3A_873, %dma_wait3A_874, %dma_wait3A_875] : memref<4x32x768xf32, #tpu.memory_space<vmem>> -> memref<1x32x768xf32, #tpu.memory_space<vmem>>
    %dma_wait3A_877 = tpu.memref_squeeze %dma_wait3A_876 : memref<1x32x768xf32, #tpu.memory_space<vmem>> -> memref<32x768xf32, #tpu.memory_space<vmem>>
    %dma_wait3A_878 = arith.constant 0 : i32
    %dma_wait3A_879 = tpu.memref_slice %arg5[%add3A_811, %dma_wait3A_878] : memref<16384x768xf32, #tpu.memory_space<hbm>> -> memref<32x768xf32, #tpu.memory_space<hbm>>
    %dma_wait3A_880 = arith.constant 0 : i32
    %dma_wait3A_881 = tpu.memref_slice %arg5[%add3A_811, %dma_wait3A_880] : memref<16384x768xf32, #tpu.memory_space<hbm>> -> memref<32x768xf32, #tpu.memory_space<hbm>>
    %dma_wait3A_882 = arith.constant 0 : i32
    %dma_wait3A_883 = arith.constant 0 : i32
    %dma_wait3A_884 = tpu.memref_slice %arg9[%dma_wait3A_873, %dma_wait3A_882, %dma_wait3A_883] : memref<4x32x768xf32, #tpu.memory_space<vmem>> -> memref<1x32x768xf32, #tpu.memory_space<vmem>>
    %dma_wait3A_885 = tpu.memref_squeeze %dma_wait3A_884 : memref<1x32x768xf32, #tpu.memory_space<vmem>> -> memref<32x768xf32, #tpu.memory_space<vmem>>
    tpu.wait_dma2 semaphore(%arg17 : memref<!tpu.dma_semaphore, #tpu.memory_space<semaphore_mem>>) src(%dma_wait3A_885 : memref<32x768xf32, #tpu.memory_space<vmem>>) dst(%dma_wait3A_881 : memref<32x768xf32, #tpu.memory_space<hbm>>)
    %dma_start3A_886 = arith.constant 3 : i32
    %dma_start3A_887 = arith.constant 0 : i32
    %dma_start3A_888 = arith.constant 0 : i32
    %dma_start3A_889 = tpu.memref_slice %arg9[%dma_start3A_886, %dma_start3A_887, %dma_start3A_888] : memref<4x32x768xf32, #tpu.memory_space<vmem>> -> memref<1x32x768xf32, #tpu.memory_space<vmem>>
    %dma_start3A_890 = tpu.memref_squeeze %dma_start3A_889 : memref<1x32x768xf32, #tpu.memory_space<vmem>> -> memref<32x768xf32, #tpu.memory_space<vmem>>
    %dma_start3A_891 = arith.constant 352 : i32
    %dma_start3A_892 = tpu.memref_slice %arg8[%dma_start3A_891] : memref<512xi32, #tpu.memory_space<vmem>> -> memref<32xi32, #tpu.memory_space<vmem>>
    %dma_start3A_893 = arith.constant 0 : i32
    %dma_start3A_894 = arith.constant 0 : i32
    %dma_start3A_895 = tpu.memref_slice %arg2[%dma_start3A_893, %dma_start3A_894] : memref<2048x768xf32, #tpu.memory_space<hbm>> -> memref<2048x768xf32, #tpu.memory_space<hbm>>
    tpu.enqueue_indirect_dma source(%dma_start3A_895 : memref<2048x768xf32, #tpu.memory_space<hbm>>) target(%dma_start3A_890 : memref<32x768xf32, #tpu.memory_space<vmem>>) offsets(%dma_start3A_892 : memref<32xi32, #tpu.memory_space<vmem>>) semaphore(%arg13 : memref<!tpu.dma_semaphore, #tpu.memory_space<semaphore_mem>>)
    %dma_wait3A_896 = arith.constant 1 : i32
    %dma_wait3A_897 = arith.constant 0 : i32
    %dma_wait3A_898 = arith.constant 0 : i32
    %dma_wait3A_899 = tpu.memref_slice %arg9[%dma_wait3A_896, %dma_wait3A_897, %dma_wait3A_898] : memref<4x32x768xf32, #tpu.memory_space<vmem>> -> memref<1x32x768xf32, #tpu.memory_space<vmem>>
    %dma_wait3A_900 = tpu.memref_squeeze %dma_wait3A_899 : memref<1x32x768xf32, #tpu.memory_space<vmem>> -> memref<32x768xf32, #tpu.memory_space<vmem>>
    %dma_wait3A_901 = arith.constant 288 : i32
    %dma_wait3A_902 = tpu.memref_slice %arg8[%dma_wait3A_901] : memref<512xi32, #tpu.memory_space<vmem>> -> memref<32xi32, #tpu.memory_space<vmem>>
    %dma_wait3A_903 = arith.constant 0 : i32
    %dma_wait3A_904 = arith.constant 0 : i32
    %dma_wait3A_905 = tpu.memref_slice %arg2[%dma_wait3A_903, %dma_wait3A_904] : memref<2048x768xf32, #tpu.memory_space<hbm>> -> memref<2048x768xf32, #tpu.memory_space<hbm>>
    tpu.wait_indirect_dma semaphore(%arg11 : memref<!tpu.dma_semaphore, #tpu.memory_space<semaphore_mem>>) src(%dma_wait3A_905 : memref<2048x768xf32, #tpu.memory_space<hbm>>) dst(%dma_wait3A_900 : memref<32x768xf32, #tpu.memory_space<vmem>>)
    %add3A_906 = arith.constant 288 : i32
    %add3A_907 = arith.addi %mul3A_2, %add3A_906 : i32
    %dma_start3A_908 = arith.constant 1 : i32
    %dma_start3A_909 = arith.constant 0 : i32
    %dma_start3A_910 = arith.constant 0 : i32
    %dma_start3A_911 = tpu.memref_slice %arg9[%dma_start3A_908, %dma_start3A_909, %dma_start3A_910] : memref<4x32x768xf32, #tpu.memory_space<vmem>> -> memref<1x32x768xf32, #tpu.memory_space<vmem>>
    %dma_start3A_912 = tpu.memref_squeeze %dma_start3A_911 : memref<1x32x768xf32, #tpu.memory_space<vmem>> -> memref<32x768xf32, #tpu.memory_space<vmem>>
    %dma_start3A_913 = arith.constant 0 : i32
    %dma_start3A_914 = tpu.memref_slice %arg5[%add3A_907, %dma_start3A_913] : memref<16384x768xf32, #tpu.memory_space<hbm>> -> memref<32x768xf32, #tpu.memory_space<hbm>>
    %dma_start3A_915 = arith.constant 0 : i32
    %dma_start3A_916 = tpu.memref_slice %arg5[%add3A_907, %dma_start3A_915] : memref<16384x768xf32, #tpu.memory_space<hbm>> -> memref<32x768xf32, #tpu.memory_space<hbm>>
    %dma_start3A_917 = arith.constant 0 : i32
    %dma_start3A_918 = arith.constant 0 : i32
    %dma_start3A_919 = tpu.memref_slice %arg9[%dma_start3A_908, %dma_start3A_917, %dma_start3A_918] : memref<4x32x768xf32, #tpu.memory_space<vmem>> -> memref<1x32x768xf32, #tpu.memory_space<vmem>>
    %dma_start3A_920 = tpu.memref_squeeze %dma_start3A_919 : memref<1x32x768xf32, #tpu.memory_space<vmem>> -> memref<32x768xf32, #tpu.memory_space<vmem>>
    tpu.enqueue_dma source(%dma_start3A_920 : memref<32x768xf32, #tpu.memory_space<vmem>>) target(%dma_start3A_916 : memref<32x768xf32, #tpu.memory_space<hbm>>) target_semaphore(%arg15 : memref<!tpu.dma_semaphore, #tpu.memory_space<semaphore_mem>>)
    %dma_wait3A_921 = arith.constant 0 : i32
    %dma_wait3A_922 = arith.constant 0 : i32
    %dma_wait3A_923 = arith.constant 0 : i32
    %dma_wait3A_924 = tpu.memref_slice %arg9[%dma_wait3A_921, %dma_wait3A_922, %dma_wait3A_923] : memref<4x32x768xf32, #tpu.memory_space<vmem>> -> memref<1x32x768xf32, #tpu.memory_space<vmem>>
    %dma_wait3A_925 = tpu.memref_squeeze %dma_wait3A_924 : memref<1x32x768xf32, #tpu.memory_space<vmem>> -> memref<32x768xf32, #tpu.memory_space<vmem>>
    %dma_wait3A_926 = arith.constant 0 : i32
    %dma_wait3A_927 = tpu.memref_slice %arg5[%add3A_859, %dma_wait3A_926] : memref<16384x768xf32, #tpu.memory_space<hbm>> -> memref<32x768xf32, #tpu.memory_space<hbm>>
    %dma_wait3A_928 = arith.constant 0 : i32
    %dma_wait3A_929 = tpu.memref_slice %arg5[%add3A_859, %dma_wait3A_928] : memref<16384x768xf32, #tpu.memory_space<hbm>> -> memref<32x768xf32, #tpu.memory_space<hbm>>
    %dma_wait3A_930 = arith.constant 0 : i32
    %dma_wait3A_931 = arith.constant 0 : i32
    %dma_wait3A_932 = tpu.memref_slice %arg9[%dma_wait3A_921, %dma_wait3A_930, %dma_wait3A_931] : memref<4x32x768xf32, #tpu.memory_space<vmem>> -> memref<1x32x768xf32, #tpu.memory_space<vmem>>
    %dma_wait3A_933 = tpu.memref_squeeze %dma_wait3A_932 : memref<1x32x768xf32, #tpu.memory_space<vmem>> -> memref<32x768xf32, #tpu.memory_space<vmem>>
    tpu.wait_dma2 semaphore(%arg14 : memref<!tpu.dma_semaphore, #tpu.memory_space<semaphore_mem>>) src(%dma_wait3A_933 : memref<32x768xf32, #tpu.memory_space<vmem>>) dst(%dma_wait3A_929 : memref<32x768xf32, #tpu.memory_space<hbm>>)
    %dma_start3A_934 = arith.constant 0 : i32
    %dma_start3A_935 = arith.constant 0 : i32
    %dma_start3A_936 = arith.constant 0 : i32
    %dma_start3A_937 = tpu.memref_slice %arg9[%dma_start3A_934, %dma_start3A_935, %dma_start3A_936] : memref<4x32x768xf32, #tpu.memory_space<vmem>> -> memref<1x32x768xf32, #tpu.memory_space<vmem>>
    %dma_start3A_938 = tpu.memref_squeeze %dma_start3A_937 : memref<1x32x768xf32, #tpu.memory_space<vmem>> -> memref<32x768xf32, #tpu.memory_space<vmem>>
    %dma_start3A_939 = arith.constant 384 : i32
    %dma_start3A_940 = tpu.memref_slice %arg8[%dma_start3A_939] : memref<512xi32, #tpu.memory_space<vmem>> -> memref<32xi32, #tpu.memory_space<vmem>>
    %dma_start3A_941 = arith.constant 0 : i32
    %dma_start3A_942 = arith.constant 0 : i32
    %dma_start3A_943 = tpu.memref_slice %arg2[%dma_start3A_941, %dma_start3A_942] : memref<2048x768xf32, #tpu.memory_space<hbm>> -> memref<2048x768xf32, #tpu.memory_space<hbm>>
    tpu.enqueue_indirect_dma source(%dma_start3A_943 : memref<2048x768xf32, #tpu.memory_space<hbm>>) target(%dma_start3A_938 : memref<32x768xf32, #tpu.memory_space<vmem>>) offsets(%dma_start3A_940 : memref<32xi32, #tpu.memory_space<vmem>>) semaphore(%arg10 : memref<!tpu.dma_semaphore, #tpu.memory_space<semaphore_mem>>)
    %dma_wait3A_944 = arith.constant 2 : i32
    %dma_wait3A_945 = arith.constant 0 : i32
    %dma_wait3A_946 = arith.constant 0 : i32
    %dma_wait3A_947 = tpu.memref_slice %arg9[%dma_wait3A_944, %dma_wait3A_945, %dma_wait3A_946] : memref<4x32x768xf32, #tpu.memory_space<vmem>> -> memref<1x32x768xf32, #tpu.memory_space<vmem>>
    %dma_wait3A_948 = tpu.memref_squeeze %dma_wait3A_947 : memref<1x32x768xf32, #tpu.memory_space<vmem>> -> memref<32x768xf32, #tpu.memory_space<vmem>>
    %dma_wait3A_949 = arith.constant 320 : i32
    %dma_wait3A_950 = tpu.memref_slice %arg8[%dma_wait3A_949] : memref<512xi32, #tpu.memory_space<vmem>> -> memref<32xi32, #tpu.memory_space<vmem>>
    %dma_wait3A_951 = arith.constant 0 : i32
    %dma_wait3A_952 = arith.constant 0 : i32
    %dma_wait3A_953 = tpu.memref_slice %arg2[%dma_wait3A_951, %dma_wait3A_952] : memref<2048x768xf32, #tpu.memory_space<hbm>> -> memref<2048x768xf32, #tpu.memory_space<hbm>>
    tpu.wait_indirect_dma semaphore(%arg12 : memref<!tpu.dma_semaphore, #tpu.memory_space<semaphore_mem>>) src(%dma_wait3A_953 : memref<2048x768xf32, #tpu.memory_space<hbm>>) dst(%dma_wait3A_948 : memref<32x768xf32, #tpu.memory_space<vmem>>)
    %add3A_954 = arith.constant 320 : i32
    %add3A_955 = arith.addi %mul3A_2, %add3A_954 : i32
    %dma_start3A_956 = arith.constant 2 : i32
    %dma_start3A_957 = arith.constant 0 : i32
    %dma_start3A_958 = arith.constant 0 : i32
    %dma_start3A_959 = tpu.memref_slice %arg9[%dma_start3A_956, %dma_start3A_957, %dma_start3A_958] : memref<4x32x768xf32, #tpu.memory_space<vmem>> -> memref<1x32x768xf32, #tpu.memory_space<vmem>>
    %dma_start3A_960 = tpu.memref_squeeze %dma_start3A_959 : memref<1x32x768xf32, #tpu.memory_space<vmem>> -> memref<32x768xf32, #tpu.memory_space<vmem>>
    %dma_start3A_961 = arith.constant 0 : i32
    %dma_start3A_962 = tpu.memref_slice %arg5[%add3A_955, %dma_start3A_961] : memref<16384x768xf32, #tpu.memory_space<hbm>> -> memref<32x768xf32, #tpu.memory_space<hbm>>
    %dma_start3A_963 = arith.constant 0 : i32
    %dma_start3A_964 = tpu.memref_slice %arg5[%add3A_955, %dma_start3A_963] : memref<16384x768xf32, #tpu.memory_space<hbm>> -> memref<32x768xf32, #tpu.memory_space<hbm>>
    %dma_start3A_965 = arith.constant 0 : i32
    %dma_start3A_966 = arith.constant 0 : i32
    %dma_start3A_967 = tpu.memref_slice %arg9[%dma_start3A_956, %dma_start3A_965, %dma_start3A_966] : memref<4x32x768xf32, #tpu.memory_space<vmem>> -> memref<1x32x768xf32, #tpu.memory_space<vmem>>
    %dma_start3A_968 = tpu.memref_squeeze %dma_start3A_967 : memref<1x32x768xf32, #tpu.memory_space<vmem>> -> memref<32x768xf32, #tpu.memory_space<vmem>>
    tpu.enqueue_dma source(%dma_start3A_968 : memref<32x768xf32, #tpu.memory_space<vmem>>) target(%dma_start3A_964 : memref<32x768xf32, #tpu.memory_space<hbm>>) target_semaphore(%arg16 : memref<!tpu.dma_semaphore, #tpu.memory_space<semaphore_mem>>)
    %dma_wait3A_969 = arith.constant 1 : i32
    %dma_wait3A_970 = arith.constant 0 : i32
    %dma_wait3A_971 = arith.constant 0 : i32
    %dma_wait3A_972 = tpu.memref_slice %arg9[%dma_wait3A_969, %dma_wait3A_970, %dma_wait3A_971] : memref<4x32x768xf32, #tpu.memory_space<vmem>> -> memref<1x32x768xf32, #tpu.memory_space<vmem>>
    %dma_wait3A_973 = tpu.memref_squeeze %dma_wait3A_972 : memref<1x32x768xf32, #tpu.memory_space<vmem>> -> memref<32x768xf32, #tpu.memory_space<vmem>>
    %dma_wait3A_974 = arith.constant 0 : i32
    %dma_wait3A_975 = tpu.memref_slice %arg5[%add3A_907, %dma_wait3A_974] : memref<16384x768xf32, #tpu.memory_space<hbm>> -> memref<32x768xf32, #tpu.memory_space<hbm>>
    %dma_wait3A_976 = arith.constant 0 : i32
    %dma_wait3A_977 = tpu.memref_slice %arg5[%add3A_907, %dma_wait3A_976] : memref<16384x768xf32, #tpu.memory_space<hbm>> -> memref<32x768xf32, #tpu.memory_space<hbm>>
    %dma_wait3A_978 = arith.constant 0 : i32
    %dma_wait3A_979 = arith.constant 0 : i32
    %dma_wait3A_980 = tpu.memref_slice %arg9[%dma_wait3A_969, %dma_wait3A_978, %dma_wait3A_979] : memref<4x32x768xf32, #tpu.memory_space<vmem>> -> memref<1x32x768xf32, #tpu.memory_space<vmem>>
    %dma_wait3A_981 = tpu.memref_squeeze %dma_wait3A_980 : memref<1x32x768xf32, #tpu.memory_space<vmem>> -> memref<32x768xf32, #tpu.memory_space<vmem>>
    tpu.wait_dma2 semaphore(%arg15 : memref<!tpu.dma_semaphore, #tpu.memory_space<semaphore_mem>>) src(%dma_wait3A_981 : memref<32x768xf32, #tpu.memory_space<vmem>>) dst(%dma_wait3A_977 : memref<32x768xf32, #tpu.memory_space<hbm>>)
    %dma_start3A_982 = arith.constant 1 : i32
    %dma_start3A_983 = arith.constant 0 : i32
    %dma_start3A_984 = arith.constant 0 : i32
    %dma_start3A_985 = tpu.memref_slice %arg9[%dma_start3A_982, %dma_start3A_983, %dma_start3A_984] : memref<4x32x768xf32, #tpu.memory_space<vmem>> -> memref<1x32x768xf32, #tpu.memory_space<vmem>>
    %dma_start3A_986 = tpu.memref_squeeze %dma_start3A_985 : memref<1x32x768xf32, #tpu.memory_space<vmem>> -> memref<32x768xf32, #tpu.memory_space<vmem>>
    %dma_start3A_987 = arith.constant 416 : i32
    %dma_start3A_988 = tpu.memref_slice %arg8[%dma_start3A_987] : memref<512xi32, #tpu.memory_space<vmem>> -> memref<32xi32, #tpu.memory_space<vmem>>
    %dma_start3A_989 = arith.constant 0 : i32
    %dma_start3A_990 = arith.constant 0 : i32
    %dma_start3A_991 = tpu.memref_slice %arg2[%dma_start3A_989, %dma_start3A_990] : memref<2048x768xf32, #tpu.memory_space<hbm>> -> memref<2048x768xf32, #tpu.memory_space<hbm>>
    tpu.enqueue_indirect_dma source(%dma_start3A_991 : memref<2048x768xf32, #tpu.memory_space<hbm>>) target(%dma_start3A_986 : memref<32x768xf32, #tpu.memory_space<vmem>>) offsets(%dma_start3A_988 : memref<32xi32, #tpu.memory_space<vmem>>) semaphore(%arg11 : memref<!tpu.dma_semaphore, #tpu.memory_space<semaphore_mem>>)
    %dma_wait3A_992 = arith.constant 3 : i32
    %dma_wait3A_993 = arith.constant 0 : i32
    %dma_wait3A_994 = arith.constant 0 : i32
    %dma_wait3A_995 = tpu.memref_slice %arg9[%dma_wait3A_992, %dma_wait3A_993, %dma_wait3A_994] : memref<4x32x768xf32, #tpu.memory_space<vmem>> -> memref<1x32x768xf32, #tpu.memory_space<vmem>>
    %dma_wait3A_996 = tpu.memref_squeeze %dma_wait3A_995 : memref<1x32x768xf32, #tpu.memory_space<vmem>> -> memref<32x768xf32, #tpu.memory_space<vmem>>
    %dma_wait3A_997 = arith.constant 352 : i32
    %dma_wait3A_998 = tpu.memref_slice %arg8[%dma_wait3A_997] : memref<512xi32, #tpu.memory_space<vmem>> -> memref<32xi32, #tpu.memory_space<vmem>>
    %dma_wait3A_999 = arith.constant 0 : i32
    %dma_wait3A_1000 = arith.constant 0 : i32
    %dma_wait3A_1001 = tpu.memref_slice %arg2[%dma_wait3A_999, %dma_wait3A_1000] : memref<2048x768xf32, #tpu.memory_space<hbm>> -> memref<2048x768xf32, #tpu.memory_space<hbm>>
    tpu.wait_indirect_dma semaphore(%arg13 : memref<!tpu.dma_semaphore, #tpu.memory_space<semaphore_mem>>) src(%dma_wait3A_1001 : memref<2048x768xf32, #tpu.memory_space<hbm>>) dst(%dma_wait3A_996 : memref<32x768xf32, #tpu.memory_space<vmem>>)
    %add3A_1002 = arith.constant 352 : i32
    %add3A_1003 = arith.addi %mul3A_2, %add3A_1002 : i32
    %dma_start3A_1004 = arith.constant 3 : i32
    %dma_start3A_1005 = arith.constant 0 : i32
    %dma_start3A_1006 = arith.constant 0 : i32
    %dma_start3A_1007 = tpu.memref_slice %arg9[%dma_start3A_1004, %dma_start3A_1005, %dma_start3A_1006] : memref<4x32x768xf32, #tpu.memory_space<vmem>> -> memref<1x32x768xf32, #tpu.memory_space<vmem>>
    %dma_start3A_1008 = tpu.memref_squeeze %dma_start3A_1007 : memref<1x32x768xf32, #tpu.memory_space<vmem>> -> memref<32x768xf32, #tpu.memory_space<vmem>>
    %dma_start3A_1009 = arith.constant 0 : i32
    %dma_start3A_1010 = tpu.memref_slice %arg5[%add3A_1003, %dma_start3A_1009] : memref<16384x768xf32, #tpu.memory_space<hbm>> -> memref<32x768xf32, #tpu.memory_space<hbm>>
    %dma_start3A_1011 = arith.constant 0 : i32
    %dma_start3A_1012 = tpu.memref_slice %arg5[%add3A_1003, %dma_start3A_1011] : memref<16384x768xf32, #tpu.memory_space<hbm>> -> memref<32x768xf32, #tpu.memory_space<hbm>>
    %dma_start3A_1013 = arith.constant 0 : i32
    %dma_start3A_1014 = arith.constant 0 : i32
    %dma_start3A_1015 = tpu.memref_slice %arg9[%dma_start3A_1004, %dma_start3A_1013, %dma_start3A_1014] : memref<4x32x768xf32, #tpu.memory_space<vmem>> -> memref<1x32x768xf32, #tpu.memory_space<vmem>>
    %dma_start3A_1016 = tpu.memref_squeeze %dma_start3A_1015 : memref<1x32x768xf32, #tpu.memory_space<vmem>> -> memref<32x768xf32, #tpu.memory_space<vmem>>
    tpu.enqueue_dma source(%dma_start3A_1016 : memref<32x768xf32, #tpu.memory_space<vmem>>) target(%dma_start3A_1012 : memref<32x768xf32, #tpu.memory_space<hbm>>) target_semaphore(%arg17 : memref<!tpu.dma_semaphore, #tpu.memory_space<semaphore_mem>>)
    %dma_wait3A_1017 = arith.constant 2 : i32
    %dma_wait3A_1018 = arith.constant 0 : i32
    %dma_wait3A_1019 = arith.constant 0 : i32
    %dma_wait3A_1020 = tpu.memref_slice %arg9[%dma_wait3A_1017, %dma_wait3A_1018, %dma_wait3A_1019] : memref<4x32x768xf32, #tpu.memory_space<vmem>> -> memref<1x32x768xf32, #tpu.memory_space<vmem>>
    %dma_wait3A_1021 = tpu.memref_squeeze %dma_wait3A_1020 : memref<1x32x768xf32, #tpu.memory_space<vmem>> -> memref<32x768xf32, #tpu.memory_space<vmem>>
    %dma_wait3A_1022 = arith.constant 0 : i32
    %dma_wait3A_1023 = tpu.memref_slice %arg5[%add3A_955, %dma_wait3A_1022] : memref<16384x768xf32, #tpu.memory_space<hbm>> -> memref<32x768xf32, #tpu.memory_space<hbm>>
    %dma_wait3A_1024 = arith.constant 0 : i32
    %dma_wait3A_1025 = tpu.memref_slice %arg5[%add3A_955, %dma_wait3A_1024] : memref<16384x768xf32, #tpu.memory_space<hbm>> -> memref<32x768xf32, #tpu.memory_space<hbm>>
    %dma_wait3A_1026 = arith.constant 0 : i32
    %dma_wait3A_1027 = arith.constant 0 : i32
    %dma_wait3A_1028 = tpu.memref_slice %arg9[%dma_wait3A_1017, %dma_wait3A_1026, %dma_wait3A_1027] : memref<4x32x768xf32, #tpu.memory_space<vmem>> -> memref<1x32x768xf32, #tpu.memory_space<vmem>>
    %dma_wait3A_1029 = tpu.memref_squeeze %dma_wait3A_1028 : memref<1x32x768xf32, #tpu.memory_space<vmem>> -> memref<32x768xf32, #tpu.memory_space<vmem>>
    tpu.wait_dma2 semaphore(%arg16 : memref<!tpu.dma_semaphore, #tpu.memory_space<semaphore_mem>>) src(%dma_wait3A_1029 : memref<32x768xf32, #tpu.memory_space<vmem>>) dst(%dma_wait3A_1025 : memref<32x768xf32, #tpu.memory_space<hbm>>)
    %dma_start3A_1030 = arith.constant 2 : i32
    %dma_start3A_1031 = arith.constant 0 : i32
    %dma_start3A_1032 = arith.constant 0 : i32
    %dma_start3A_1033 = tpu.memref_slice %arg9[%dma_start3A_1030, %dma_start3A_1031, %dma_start3A_1032] : memref<4x32x768xf32, #tpu.memory_space<vmem>> -> memref<1x32x768xf32, #tpu.memory_space<vmem>>
    %dma_start3A_1034 = tpu.memref_squeeze %dma_start3A_1033 : memref<1x32x768xf32, #tpu.memory_space<vmem>> -> memref<32x768xf32, #tpu.memory_space<vmem>>
    %dma_start3A_1035 = arith.constant 448 : i32
    %dma_start3A_1036 = tpu.memref_slice %arg8[%dma_start3A_1035] : memref<512xi32, #tpu.memory_space<vmem>> -> memref<32xi32, #tpu.memory_space<vmem>>
    %dma_start3A_1037 = arith.constant 0 : i32
    %dma_start3A_1038 = arith.constant 0 : i32
    %dma_start3A_1039 = tpu.memref_slice %arg2[%dma_start3A_1037, %dma_start3A_1038] : memref<2048x768xf32, #tpu.memory_space<hbm>> -> memref<2048x768xf32, #tpu.memory_space<hbm>>
    tpu.enqueue_indirect_dma source(%dma_start3A_1039 : memref<2048x768xf32, #tpu.memory_space<hbm>>) target(%dma_start3A_1034 : memref<32x768xf32, #tpu.memory_space<vmem>>) offsets(%dma_start3A_1036 : memref<32xi32, #tpu.memory_space<vmem>>) semaphore(%arg12 : memref<!tpu.dma_semaphore, #tpu.memory_space<semaphore_mem>>)
    %dma_wait3A_1040 = arith.constant 0 : i32
    %dma_wait3A_1041 = arith.constant 0 : i32
    %dma_wait3A_1042 = arith.constant 0 : i32
    %dma_wait3A_1043 = tpu.memref_slice %arg9[%dma_wait3A_1040, %dma_wait3A_1041, %dma_wait3A_1042] : memref<4x32x768xf32, #tpu.memory_space<vmem>> -> memref<1x32x768xf32, #tpu.memory_space<vmem>>
    %dma_wait3A_1044 = tpu.memref_squeeze %dma_wait3A_1043 : memref<1x32x768xf32, #tpu.memory_space<vmem>> -> memref<32x768xf32, #tpu.memory_space<vmem>>
    %dma_wait3A_1045 = arith.constant 384 : i32
    %dma_wait3A_1046 = tpu.memref_slice %arg8[%dma_wait3A_1045] : memref<512xi32, #tpu.memory_space<vmem>> -> memref<32xi32, #tpu.memory_space<vmem>>
    %dma_wait3A_1047 = arith.constant 0 : i32
    %dma_wait3A_1048 = arith.constant 0 : i32
    %dma_wait3A_1049 = tpu.memref_slice %arg2[%dma_wait3A_1047, %dma_wait3A_1048] : memref<2048x768xf32, #tpu.memory_space<hbm>> -> memref<2048x768xf32, #tpu.memory_space<hbm>>
    tpu.wait_indirect_dma semaphore(%arg10 : memref<!tpu.dma_semaphore, #tpu.memory_space<semaphore_mem>>) src(%dma_wait3A_1049 : memref<2048x768xf32, #tpu.memory_space<hbm>>) dst(%dma_wait3A_1044 : memref<32x768xf32, #tpu.memory_space<vmem>>)
    %add3A_1050 = arith.constant 384 : i32
    %add3A_1051 = arith.addi %mul3A_2, %add3A_1050 : i32
    %dma_start3A_1052 = arith.constant 0 : i32
    %dma_start3A_1053 = arith.constant 0 : i32
    %dma_start3A_1054 = arith.constant 0 : i32
    %dma_start3A_1055 = tpu.memref_slice %arg9[%dma_start3A_1052, %dma_start3A_1053, %dma_start3A_1054] : memref<4x32x768xf32, #tpu.memory_space<vmem>> -> memref<1x32x768xf32, #tpu.memory_space<vmem>>
    %dma_start3A_1056 = tpu.memref_squeeze %dma_start3A_1055 : memref<1x32x768xf32, #tpu.memory_space<vmem>> -> memref<32x768xf32, #tpu.memory_space<vmem>>
    %dma_start3A_1057 = arith.constant 0 : i32
    %dma_start3A_1058 = tpu.memref_slice %arg5[%add3A_1051, %dma_start3A_1057] : memref<16384x768xf32, #tpu.memory_space<hbm>> -> memref<32x768xf32, #tpu.memory_space<hbm>>
    %dma_start3A_1059 = arith.constant 0 : i32
    %dma_start3A_1060 = tpu.memref_slice %arg5[%add3A_1051, %dma_start3A_1059] : memref<16384x768xf32, #tpu.memory_space<hbm>> -> memref<32x768xf32, #tpu.memory_space<hbm>>
    %dma_start3A_1061 = arith.constant 0 : i32
    %dma_start3A_1062 = arith.constant 0 : i32
    %dma_start3A_1063 = tpu.memref_slice %arg9[%dma_start3A_1052, %dma_start3A_1061, %dma_start3A_1062] : memref<4x32x768xf32, #tpu.memory_space<vmem>> -> memref<1x32x768xf32, #tpu.memory_space<vmem>>
    %dma_start3A_1064 = tpu.memref_squeeze %dma_start3A_1063 : memref<1x32x768xf32, #tpu.memory_space<vmem>> -> memref<32x768xf32, #tpu.memory_space<vmem>>
    tpu.enqueue_dma source(%dma_start3A_1064 : memref<32x768xf32, #tpu.memory_space<vmem>>) target(%dma_start3A_1060 : memref<32x768xf32, #tpu.memory_space<hbm>>) target_semaphore(%arg14 : memref<!tpu.dma_semaphore, #tpu.memory_space<semaphore_mem>>)
    %dma_wait3A_1065 = arith.constant 3 : i32
    %dma_wait3A_1066 = arith.constant 0 : i32
    %dma_wait3A_1067 = arith.constant 0 : i32
    %dma_wait3A_1068 = tpu.memref_slice %arg9[%dma_wait3A_1065, %dma_wait3A_1066, %dma_wait3A_1067] : memref<4x32x768xf32, #tpu.memory_space<vmem>> -> memref<1x32x768xf32, #tpu.memory_space<vmem>>
    %dma_wait3A_1069 = tpu.memref_squeeze %dma_wait3A_1068 : memref<1x32x768xf32, #tpu.memory_space<vmem>> -> memref<32x768xf32, #tpu.memory_space<vmem>>
    %dma_wait3A_1070 = arith.constant 0 : i32
    %dma_wait3A_1071 = tpu.memref_slice %arg5[%add3A_1003, %dma_wait3A_1070] : memref<16384x768xf32, #tpu.memory_space<hbm>> -> memref<32x768xf32, #tpu.memory_space<hbm>>
    %dma_wait3A_1072 = arith.constant 0 : i32
    %dma_wait3A_1073 = tpu.memref_slice %arg5[%add3A_1003, %dma_wait3A_1072] : memref<16384x768xf32, #tpu.memory_space<hbm>> -> memref<32x768xf32, #tpu.memory_space<hbm>>
    %dma_wait3A_1074 = arith.constant 0 : i32
    %dma_wait3A_1075 = arith.constant 0 : i32
    %dma_wait3A_1076 = tpu.memref_slice %arg9[%dma_wait3A_1065, %dma_wait3A_1074, %dma_wait3A_1075] : memref<4x32x768xf32, #tpu.memory_space<vmem>> -> memref<1x32x768xf32, #tpu.memory_space<vmem>>
    %dma_wait3A_1077 = tpu.memref_squeeze %dma_wait3A_1076 : memref<1x32x768xf32, #tpu.memory_space<vmem>> -> memref<32x768xf32, #tpu.memory_space<vmem>>
    tpu.wait_dma2 semaphore(%arg17 : memref<!tpu.dma_semaphore, #tpu.memory_space<semaphore_mem>>) src(%dma_wait3A_1077 : memref<32x768xf32, #tpu.memory_space<vmem>>) dst(%dma_wait3A_1073 : memref<32x768xf32, #tpu.memory_space<hbm>>)
    %dma_start3A_1078 = arith.constant 3 : i32
    %dma_start3A_1079 = arith.constant 0 : i32
    %dma_start3A_1080 = arith.constant 0 : i32
    %dma_start3A_1081 = tpu.memref_slice %arg9[%dma_start3A_1078, %dma_start3A_1079, %dma_start3A_1080] : memref<4x32x768xf32, #tpu.memory_space<vmem>> -> memref<1x32x768xf32, #tpu.memory_space<vmem>>
    %dma_start3A_1082 = tpu.memref_squeeze %dma_start3A_1081 : memref<1x32x768xf32, #tpu.memory_space<vmem>> -> memref<32x768xf32, #tpu.memory_space<vmem>>
    %dma_start3A_1083 = arith.constant 480 : i32
    %dma_start3A_1084 = tpu.memref_slice %arg8[%dma_start3A_1083] : memref<512xi32, #tpu.memory_space<vmem>> -> memref<32xi32, #tpu.memory_space<vmem>>
    %dma_start3A_1085 = arith.constant 0 : i32
    %dma_start3A_1086 = arith.constant 0 : i32
    %dma_start3A_1087 = tpu.memref_slice %arg2[%dma_start3A_1085, %dma_start3A_1086] : memref<2048x768xf32, #tpu.memory_space<hbm>> -> memref<2048x768xf32, #tpu.memory_space<hbm>>
    tpu.enqueue_indirect_dma source(%dma_start3A_1087 : memref<2048x768xf32, #tpu.memory_space<hbm>>) target(%dma_start3A_1082 : memref<32x768xf32, #tpu.memory_space<vmem>>) offsets(%dma_start3A_1084 : memref<32xi32, #tpu.memory_space<vmem>>) semaphore(%arg13 : memref<!tpu.dma_semaphore, #tpu.memory_space<semaphore_mem>>)
    %dma_wait3A_1088 = arith.constant 1 : i32
    %dma_wait3A_1089 = arith.constant 0 : i32
    %dma_wait3A_1090 = arith.constant 0 : i32
    %dma_wait3A_1091 = tpu.memref_slice %arg9[%dma_wait3A_1088, %dma_wait3A_1089, %dma_wait3A_1090] : memref<4x32x768xf32, #tpu.memory_space<vmem>> -> memref<1x32x768xf32, #tpu.memory_space<vmem>>
    %dma_wait3A_1092 = tpu.memref_squeeze %dma_wait3A_1091 : memref<1x32x768xf32, #tpu.memory_space<vmem>> -> memref<32x768xf32, #tpu.memory_space<vmem>>
    %dma_wait3A_1093 = arith.constant 416 : i32
    %dma_wait3A_1094 = tpu.memref_slice %arg8[%dma_wait3A_1093] : memref<512xi32, #tpu.memory_space<vmem>> -> memref<32xi32, #tpu.memory_space<vmem>>
    %dma_wait3A_1095 = arith.constant 0 : i32
    %dma_wait3A_1096 = arith.constant 0 : i32
    %dma_wait3A_1097 = tpu.memref_slice %arg2[%dma_wait3A_1095, %dma_wait3A_1096] : memref<2048x768xf32, #tpu.memory_space<hbm>> -> memref<2048x768xf32, #tpu.memory_space<hbm>>
    tpu.wait_indirect_dma semaphore(%arg11 : memref<!tpu.dma_semaphore, #tpu.memory_space<semaphore_mem>>) src(%dma_wait3A_1097 : memref<2048x768xf32, #tpu.memory_space<hbm>>) dst(%dma_wait3A_1092 : memref<32x768xf32, #tpu.memory_space<vmem>>)
    %add3A_1098 = arith.constant 416 : i32
    %add3A_1099 = arith.addi %mul3A_2, %add3A_1098 : i32
    %dma_start3A_1100 = arith.constant 1 : i32
    %dma_start3A_1101 = arith.constant 0 : i32
    %dma_start3A_1102 = arith.constant 0 : i32
    %dma_start3A_1103 = tpu.memref_slice %arg9[%dma_start3A_1100, %dma_start3A_1101, %dma_start3A_1102] : memref<4x32x768xf32, #tpu.memory_space<vmem>> -> memref<1x32x768xf32, #tpu.memory_space<vmem>>
    %dma_start3A_1104 = tpu.memref_squeeze %dma_start3A_1103 : memref<1x32x768xf32, #tpu.memory_space<vmem>> -> memref<32x768xf32, #tpu.memory_space<vmem>>
    %dma_start3A_1105 = arith.constant 0 : i32
    %dma_start3A_1106 = tpu.memref_slice %arg5[%add3A_1099, %dma_start3A_1105] : memref<16384x768xf32, #tpu.memory_space<hbm>> -> memref<32x768xf32, #tpu.memory_space<hbm>>
    %dma_start3A_1107 = arith.constant 0 : i32
    %dma_start3A_1108 = tpu.memref_slice %arg5[%add3A_1099, %dma_start3A_1107] : memref<16384x768xf32, #tpu.memory_space<hbm>> -> memref<32x768xf32, #tpu.memory_space<hbm>>
    %dma_start3A_1109 = arith.constant 0 : i32
    %dma_start3A_1110 = arith.constant 0 : i32
    %dma_start3A_1111 = tpu.memref_slice %arg9[%dma_start3A_1100, %dma_start3A_1109, %dma_start3A_1110] : memref<4x32x768xf32, #tpu.memory_space<vmem>> -> memref<1x32x768xf32, #tpu.memory_space<vmem>>
    %dma_start3A_1112 = tpu.memref_squeeze %dma_start3A_1111 : memref<1x32x768xf32, #tpu.memory_space<vmem>> -> memref<32x768xf32, #tpu.memory_space<vmem>>
    tpu.enqueue_dma source(%dma_start3A_1112 : memref<32x768xf32, #tpu.memory_space<vmem>>) target(%dma_start3A_1108 : memref<32x768xf32, #tpu.memory_space<hbm>>) target_semaphore(%arg15 : memref<!tpu.dma_semaphore, #tpu.memory_space<semaphore_mem>>)
    %dma_wait3A_1113 = arith.constant 2 : i32
    %dma_wait3A_1114 = arith.constant 0 : i32
    %dma_wait3A_1115 = arith.constant 0 : i32
    %dma_wait3A_1116 = tpu.memref_slice %arg9[%dma_wait3A_1113, %dma_wait3A_1114, %dma_wait3A_1115] : memref<4x32x768xf32, #tpu.memory_space<vmem>> -> memref<1x32x768xf32, #tpu.memory_space<vmem>>
    %dma_wait3A_1117 = tpu.memref_squeeze %dma_wait3A_1116 : memref<1x32x768xf32, #tpu.memory_space<vmem>> -> memref<32x768xf32, #tpu.memory_space<vmem>>
    %dma_wait3A_1118 = arith.constant 448 : i32
    %dma_wait3A_1119 = tpu.memref_slice %arg8[%dma_wait3A_1118] : memref<512xi32, #tpu.memory_space<vmem>> -> memref<32xi32, #tpu.memory_space<vmem>>
    %dma_wait3A_1120 = arith.constant 0 : i32
    %dma_wait3A_1121 = arith.constant 0 : i32
    %dma_wait3A_1122 = tpu.memref_slice %arg2[%dma_wait3A_1120, %dma_wait3A_1121] : memref<2048x768xf32, #tpu.memory_space<hbm>> -> memref<2048x768xf32, #tpu.memory_space<hbm>>
    tpu.wait_indirect_dma semaphore(%arg12 : memref<!tpu.dma_semaphore, #tpu.memory_space<semaphore_mem>>) src(%dma_wait3A_1122 : memref<2048x768xf32, #tpu.memory_space<hbm>>) dst(%dma_wait3A_1117 : memref<32x768xf32, #tpu.memory_space<vmem>>)
    %add3A_1123 = arith.constant 448 : i32
    %add3A_1124 = arith.addi %mul3A_2, %add3A_1123 : i32
    %dma_start3A_1125 = arith.constant 2 : i32
    %dma_start3A_1126 = arith.constant 0 : i32
    %dma_start3A_1127 = arith.constant 0 : i32
    %dma_start3A_1128 = tpu.memref_slice %arg9[%dma_start3A_1125, %dma_start3A_1126, %dma_start3A_1127] : memref<4x32x768xf32, #tpu.memory_space<vmem>> -> memref<1x32x768xf32, #tpu.memory_space<vmem>>
    %dma_start3A_1129 = tpu.memref_squeeze %dma_start3A_1128 : memref<1x32x768xf32, #tpu.memory_space<vmem>> -> memref<32x768xf32, #tpu.memory_space<vmem>>
    %dma_start3A_1130 = arith.constant 0 : i32
    %dma_start3A_1131 = tpu.memref_slice %arg5[%add3A_1124, %dma_start3A_1130] : memref<16384x768xf32, #tpu.memory_space<hbm>> -> memref<32x768xf32, #tpu.memory_space<hbm>>
    %dma_start3A_1132 = arith.constant 0 : i32
    %dma_start3A_1133 = tpu.memref_slice %arg5[%add3A_1124, %dma_start3A_1132] : memref<16384x768xf32, #tpu.memory_space<hbm>> -> memref<32x768xf32, #tpu.memory_space<hbm>>
    %dma_start3A_1134 = arith.constant 0 : i32
    %dma_start3A_1135 = arith.constant 0 : i32
    %dma_start3A_1136 = tpu.memref_slice %arg9[%dma_start3A_1125, %dma_start3A_1134, %dma_start3A_1135] : memref<4x32x768xf32, #tpu.memory_space<vmem>> -> memref<1x32x768xf32, #tpu.memory_space<vmem>>
    %dma_start3A_1137 = tpu.memref_squeeze %dma_start3A_1136 : memref<1x32x768xf32, #tpu.memory_space<vmem>> -> memref<32x768xf32, #tpu.memory_space<vmem>>
    tpu.enqueue_dma source(%dma_start3A_1137 : memref<32x768xf32, #tpu.memory_space<vmem>>) target(%dma_start3A_1133 : memref<32x768xf32, #tpu.memory_space<hbm>>) target_semaphore(%arg16 : memref<!tpu.dma_semaphore, #tpu.memory_space<semaphore_mem>>)
    %dma_wait3A_1138 = arith.constant 3 : i32
    %dma_wait3A_1139 = arith.constant 0 : i32
    %dma_wait3A_1140 = arith.constant 0 : i32
    %dma_wait3A_1141 = tpu.memref_slice %arg9[%dma_wait3A_1138, %dma_wait3A_1139, %dma_wait3A_1140] : memref<4x32x768xf32, #tpu.memory_space<vmem>> -> memref<1x32x768xf32, #tpu.memory_space<vmem>>
    %dma_wait3A_1142 = tpu.memref_squeeze %dma_wait3A_1141 : memref<1x32x768xf32, #tpu.memory_space<vmem>> -> memref<32x768xf32, #tpu.memory_space<vmem>>
    %dma_wait3A_1143 = arith.constant 480 : i32
    %dma_wait3A_1144 = tpu.memref_slice %arg8[%dma_wait3A_1143] : memref<512xi32, #tpu.memory_space<vmem>> -> memref<32xi32, #tpu.memory_space<vmem>>
    %dma_wait3A_1145 = arith.constant 0 : i32
    %dma_wait3A_1146 = arith.constant 0 : i32
    %dma_wait3A_1147 = tpu.memref_slice %arg2[%dma_wait3A_1145, %dma_wait3A_1146] : memref<2048x768xf32, #tpu.memory_space<hbm>> -> memref<2048x768xf32, #tpu.memory_space<hbm>>
    tpu.wait_indirect_dma semaphore(%arg13 : memref<!tpu.dma_semaphore, #tpu.memory_space<semaphore_mem>>) src(%dma_wait3A_1147 : memref<2048x768xf32, #tpu.memory_space<hbm>>) dst(%dma_wait3A_1142 : memref<32x768xf32, #tpu.memory_space<vmem>>)
    %add3A_1148 = arith.constant 480 : i32
    %add3A_1149 = arith.addi %mul3A_2, %add3A_1148 : i32
    %dma_start3A_1150 = arith.constant 3 : i32
    %dma_start3A_1151 = arith.constant 0 : i32
    %dma_start3A_1152 = arith.constant 0 : i32
    %dma_start3A_1153 = tpu.memref_slice %arg9[%dma_start3A_1150, %dma_start3A_1151, %dma_start3A_1152] : memref<4x32x768xf32, #tpu.memory_space<vmem>> -> memref<1x32x768xf32, #tpu.memory_space<vmem>>
    %dma_start3A_1154 = tpu.memref_squeeze %dma_start3A_1153 : memref<1x32x768xf32, #tpu.memory_space<vmem>> -> memref<32x768xf32, #tpu.memory_space<vmem>>
    %dma_start3A_1155 = arith.constant 0 : i32
    %dma_start3A_1156 = tpu.memref_slice %arg5[%add3A_1149, %dma_start3A_1155] : memref<16384x768xf32, #tpu.memory_space<hbm>> -> memref<32x768xf32, #tpu.memory_space<hbm>>
    %dma_start3A_1157 = arith.constant 0 : i32
    %dma_start3A_1158 = tpu.memref_slice %arg5[%add3A_1149, %dma_start3A_1157] : memref<16384x768xf32, #tpu.memory_space<hbm>> -> memref<32x768xf32, #tpu.memory_space<hbm>>
    %dma_start3A_1159 = arith.constant 0 : i32
    %dma_start3A_1160 = arith.constant 0 : i32
    %dma_start3A_1161 = tpu.memref_slice %arg9[%dma_start3A_1150, %dma_start3A_1159, %dma_start3A_1160] : memref<4x32x768xf32, #tpu.memory_space<vmem>> -> memref<1x32x768xf32, #tpu.memory_space<vmem>>
    %dma_start3A_1162 = tpu.memref_squeeze %dma_start3A_1161 : memref<1x32x768xf32, #tpu.memory_space<vmem>> -> memref<32x768xf32, #tpu.memory_space<vmem>>
    tpu.enqueue_dma source(%dma_start3A_1162 : memref<32x768xf32, #tpu.memory_space<vmem>>) target(%dma_start3A_1158 : memref<32x768xf32, #tpu.memory_space<hbm>>) target_semaphore(%arg17 : memref<!tpu.dma_semaphore, #tpu.memory_space<semaphore_mem>>)
    %dma_wait3A_1163 = arith.constant 0 : i32
    %dma_wait3A_1164 = arith.constant 0 : i32
    %dma_wait3A_1165 = arith.constant 0 : i32
    %dma_wait3A_1166 = tpu.memref_slice %arg9[%dma_wait3A_1163, %dma_wait3A_1164, %dma_wait3A_1165] : memref<4x32x768xf32, #tpu.memory_space<vmem>> -> memref<1x32x768xf32, #tpu.memory_space<vmem>>
    %dma_wait3A_1167 = tpu.memref_squeeze %dma_wait3A_1166 : memref<1x32x768xf32, #tpu.memory_space<vmem>> -> memref<32x768xf32, #tpu.memory_space<vmem>>
    %dma_wait3A_1168 = arith.constant 0 : i32
    %dma_wait3A_1169 = tpu.memref_slice %arg5[%add3A_1051, %dma_wait3A_1168] : memref<16384x768xf32, #tpu.memory_space<hbm>> -> memref<32x768xf32, #tpu.memory_space<hbm>>
    %dma_wait3A_1170 = arith.constant 0 : i32
    %dma_wait3A_1171 = tpu.memref_slice %arg5[%add3A_1051, %dma_wait3A_1170] : memref<16384x768xf32, #tpu.memory_space<hbm>> -> memref<32x768xf32, #tpu.memory_space<hbm>>
    %dma_wait3A_1172 = arith.constant 0 : i32
    %dma_wait3A_1173 = arith.constant 0 : i32
    %dma_wait3A_1174 = tpu.memref_slice %arg9[%dma_wait3A_1163, %dma_wait3A_1172, %dma_wait3A_1173] : memref<4x32x768xf32, #tpu.memory_space<vmem>> -> memref<1x32x768xf32, #tpu.memory_space<vmem>>
    %dma_wait3A_1175 = tpu.memref_squeeze %dma_wait3A_1174 : memref<1x32x768xf32, #tpu.memory_space<vmem>> -> memref<32x768xf32, #tpu.memory_space<vmem>>
    tpu.wait_dma2 semaphore(%arg14 : memref<!tpu.dma_semaphore, #tpu.memory_space<semaphore_mem>>) src(%dma_wait3A_1175 : memref<32x768xf32, #tpu.memory_space<vmem>>) dst(%dma_wait3A_1171 : memref<32x768xf32, #tpu.memory_space<hbm>>)
    %dma_wait3A_1176 = arith.constant 1 : i32
    %dma_wait3A_1177 = arith.constant 0 : i32
    %dma_wait3A_1178 = arith.constant 0 : i32
    %dma_wait3A_1179 = tpu.memref_slice %arg9[%dma_wait3A_1176, %dma_wait3A_1177, %dma_wait3A_1178] : memref<4x32x768xf32, #tpu.memory_space<vmem>> -> memref<1x32x768xf32, #tpu.memory_space<vmem>>
    %dma_wait3A_1180 = tpu.memref_squeeze %dma_wait3A_1179 : memref<1x32x768xf32, #tpu.memory_space<vmem>> -> memref<32x768xf32, #tpu.memory_space<vmem>>
    %dma_wait3A_1181 = arith.constant 0 : i32
    %dma_wait3A_1182 = tpu.memref_slice %arg5[%add3A_1099, %dma_wait3A_1181] : memref<16384x768xf32, #tpu.memory_space<hbm>> -> memref<32x768xf32, #tpu.memory_space<hbm>>
    %dma_wait3A_1183 = arith.constant 0 : i32
    %dma_wait3A_1184 = tpu.memref_slice %arg5[%add3A_1099, %dma_wait3A_1183] : memref<16384x768xf32, #tpu.memory_space<hbm>> -> memref<32x768xf32, #tpu.memory_space<hbm>>
    %dma_wait3A_1185 = arith.constant 0 : i32
    %dma_wait3A_1186 = arith.constant 0 : i32
    %dma_wait3A_1187 = tpu.memref_slice %arg9[%dma_wait3A_1176, %dma_wait3A_1185, %dma_wait3A_1186] : memref<4x32x768xf32, #tpu.memory_space<vmem>> -> memref<1x32x768xf32, #tpu.memory_space<vmem>>
    %dma_wait3A_1188 = tpu.memref_squeeze %dma_wait3A_1187 : memref<1x32x768xf32, #tpu.memory_space<vmem>> -> memref<32x768xf32, #tpu.memory_space<vmem>>
    tpu.wait_dma2 semaphore(%arg15 : memref<!tpu.dma_semaphore, #tpu.memory_space<semaphore_mem>>) src(%dma_wait3A_1188 : memref<32x768xf32, #tpu.memory_space<vmem>>) dst(%dma_wait3A_1184 : memref<32x768xf32, #tpu.memory_space<hbm>>)
    %dma_wait3A_1189 = arith.constant 2 : i32
    %dma_wait3A_1190 = arith.constant 0 : i32
    %dma_wait3A_1191 = arith.constant 0 : i32
    %dma_wait3A_1192 = tpu.memref_slice %arg9[%dma_wait3A_1189, %dma_wait3A_1190, %dma_wait3A_1191] : memref<4x32x768xf32, #tpu.memory_space<vmem>> -> memref<1x32x768xf32, #tpu.memory_space<vmem>>
    %dma_wait3A_1193 = tpu.memref_squeeze %dma_wait3A_1192 : memref<1x32x768xf32, #tpu.memory_space<vmem>> -> memref<32x768xf32, #tpu.memory_space<vmem>>
    %dma_wait3A_1194 = arith.constant 0 : i32
    %dma_wait3A_1195 = tpu.memref_slice %arg5[%add3A_1124, %dma_wait3A_1194] : memref<16384x768xf32, #tpu.memory_space<hbm>> -> memref<32x768xf32, #tpu.memory_space<hbm>>
    %dma_wait3A_1196 = arith.constant 0 : i32
    %dma_wait3A_1197 = tpu.memref_slice %arg5[%add3A_1124, %dma_wait3A_1196] : memref<16384x768xf32, #tpu.memory_space<hbm>> -> memref<32x768xf32, #tpu.memory_space<hbm>>
    %dma_wait3A_1198 = arith.constant 0 : i32
    %dma_wait3A_1199 = arith.constant 0 : i32
    %dma_wait3A_1200 = tpu.memref_slice %arg9[%dma_wait3A_1189, %dma_wait3A_1198, %dma_wait3A_1199] : memref<4x32x768xf32, #tpu.memory_space<vmem>> -> memref<1x32x768xf32, #tpu.memory_space<vmem>>
    %dma_wait3A_1201 = tpu.memref_squeeze %dma_wait3A_1200 : memref<1x32x768xf32, #tpu.memory_space<vmem>> -> memref<32x768xf32, #tpu.memory_space<vmem>>
    tpu.wait_dma2 semaphore(%arg16 : memref<!tpu.dma_semaphore, #tpu.memory_space<semaphore_mem>>) src(%dma_wait3A_1201 : memref<32x768xf32, #tpu.memory_space<vmem>>) dst(%dma_wait3A_1197 : memref<32x768xf32, #tpu.memory_space<hbm>>)
    %dma_wait3A_1202 = arith.constant 3 : i32
    %dma_wait3A_1203 = arith.constant 0 : i32
    %dma_wait3A_1204 = arith.constant 0 : i32
    %dma_wait3A_1205 = tpu.memref_slice %arg9[%dma_wait3A_1202, %dma_wait3A_1203, %dma_wait3A_1204] : memref<4x32x768xf32, #tpu.memory_space<vmem>> -> memref<1x32x768xf32, #tpu.memory_space<vmem>>
    %dma_wait3A_1206 = tpu.memref_squeeze %dma_wait3A_1205 : memref<1x32x768xf32, #tpu.memory_space<vmem>> -> memref<32x768xf32, #tpu.memory_space<vmem>>
    %dma_wait3A_1207 = arith.constant 0 : i32
    %dma_wait3A_1208 = tpu.memref_slice %arg5[%add3A_1149, %dma_wait3A_1207] : memref<16384x768xf32, #tpu.memory_space<hbm>> -> memref<32x768xf32, #tpu.memory_space<hbm>>
    %dma_wait3A_1209 = arith.constant 0 : i32
    %dma_wait3A_1210 = tpu.memref_slice %arg5[%add3A_1149, %dma_wait3A_1209] : memref<16384x768xf32, #tpu.memory_space<hbm>> -> memref<32x768xf32, #tpu.memory_space<hbm>>
    %dma_wait3A_1211 = arith.constant 0 : i32
    %dma_wait3A_1212 = arith.constant 0 : i32
    %dma_wait3A_1213 = tpu.memref_slice %arg9[%dma_wait3A_1202, %dma_wait3A_1211, %dma_wait3A_1212] : memref<4x32x768xf32, #tpu.memory_space<vmem>> -> memref<1x32x768xf32, #tpu.memory_space<vmem>>
    %dma_wait3A_1214 = tpu.memref_squeeze %dma_wait3A_1213 : memref<1x32x768xf32, #tpu.memory_space<vmem>> -> memref<32x768xf32, #tpu.memory_space<vmem>>
    tpu.wait_dma2 semaphore(%arg17 : memref<!tpu.dma_semaphore, #tpu.memory_space<semaphore_mem>>) src(%dma_wait3A_1214 : memref<32x768xf32, #tpu.memory_space<vmem>>) dst(%dma_wait3A_1210 : memref<32x768xf32, #tpu.memory_space<hbm>>)
    return
  }
}

module attributes {stable_mosaic.version = 14 : i64} {
  func.func @_combine_body(%arg0: memref<4x768xf32, #tpu.memory_space<vmem>>, %arg1: memref<500x768xf32, #tpu.memory_space<vmem>>, %arg2: memref<2048x768xf32, #tpu.memory_space<vmem>>) attributes {dimension_semantics = [], scalar_prefetch = 0 : i64, scratch_operands = 0 : i64, tpu.core_type = #tpu.core_type<tc>} {
    %get3A = arith.constant 0 : index
    %get3A_0 = arith.constant 0 : index
    %get3A_1 = vector.load %arg1[%get3A, %get3A_0] : memref<500x768xf32, #tpu.memory_space<vmem>>, vector<500x768xf32>
    %get3A_2 = arith.constant 0 : index
    %get3A_3 = arith.constant 0 : index
    %get3A_4 = vector.load %arg0[%get3A_2, %get3A_3] : memref<4x768xf32, #tpu.memory_space<vmem>>, vector<1x768xf32>
    %add3A = vector.broadcast %get3A_4 : vector<1x768xf32> to vector<500x768xf32>
    %add3A_5 = arith.addf %get3A_1, %add3A : vector<500x768xf32>
    %swap3A = arith.constant 0 : index
    %swap3A_6 = arith.constant 0 : index
    %swap3A_7 = vector.load %arg2[%swap3A, %swap3A_6] : memref<2048x768xf32, #tpu.memory_space<vmem>>, vector<500x768xf32>
    tpu.vector_store %arg2[%swap3A, %swap3A_6], %add3A_5 {strides = array<i32>} : memref<2048x768xf32, #tpu.memory_space<vmem>>, vector<500x768xf32>,
    %get3A_8 = arith.constant 0 : index
    %get3A_9 = arith.constant 0 : index
    %get3A_10 = vector.load %arg1[%get3A_8, %get3A_9] : memref<500x768xf32, #tpu.memory_space<vmem>>, vector<500x768xf32>
    %get3A_11 = arith.constant 1 : index
    %get3A_12 = arith.constant 0 : index
    %get3A_13 = vector.load %arg0[%get3A_11, %get3A_12] : memref<4x768xf32, #tpu.memory_space<vmem>>, vector<1x768xf32>
    %add3A_14 = vector.broadcast %get3A_13 : vector<1x768xf32> to vector<500x768xf32>
    %add3A_15 = arith.addf %get3A_10, %add3A_14 : vector<500x768xf32>
    %swap3A_16 = arith.constant 512 : index
    %swap3A_17 = arith.constant 0 : index
    %swap3A_18 = vector.load %arg2[%swap3A_16, %swap3A_17] : memref<2048x768xf32, #tpu.memory_space<vmem>>, vector<500x768xf32>
    tpu.vector_store %arg2[%swap3A_16, %swap3A_17], %add3A_15 {strides = array<i32>} : memref<2048x768xf32, #tpu.memory_space<vmem>>, vector<500x768xf32>,
    %get3A_19 = arith.constant 0 : index
    %get3A_20 = arith.constant 0 : index
    %get3A_21 = vector.load %arg1[%get3A_19, %get3A_20] : memref<500x768xf32, #tpu.memory_space<vmem>>, vector<500x768xf32>
    %get3A_22 = arith.constant 2 : index
    %get3A_23 = arith.constant 0 : index
    %get3A_24 = vector.load %arg0[%get3A_22, %get3A_23] : memref<4x768xf32, #tpu.memory_space<vmem>>, vector<1x768xf32>
    %add3A_25 = vector.broadcast %get3A_24 : vector<1x768xf32> to vector<500x768xf32>
    %add3A_26 = arith.addf %get3A_21, %add3A_25 : vector<500x768xf32>
    %swap3A_27 = arith.constant 1024 : index
    %swap3A_28 = arith.constant 0 : index
    %swap3A_29 = vector.load %arg2[%swap3A_27, %swap3A_28] : memref<2048x768xf32, #tpu.memory_space<vmem>>, vector<500x768xf32>
    tpu.vector_store %arg2[%swap3A_27, %swap3A_28], %add3A_26 {strides = array<i32>} : memref<2048x768xf32, #tpu.memory_space<vmem>>, vector<500x768xf32>,
    %get3A_30 = arith.constant 0 : index
    %get3A_31 = arith.constant 0 : index
    %get3A_32 = vector.load %arg1[%get3A_30, %get3A_31] : memref<500x768xf32, #tpu.memory_space<vmem>>, vector<500x768xf32>
    %get3A_33 = arith.constant 3 : index
    %get3A_34 = arith.constant 0 : index
    %get3A_35 = vector.load %arg0[%get3A_33, %get3A_34] : memref<4x768xf32, #tpu.memory_space<vmem>>, vector<1x768xf32>
    %add3A_36 = vector.broadcast %get3A_35 : vector<1x768xf32> to vector<500x768xf32>
    %add3A_37 = arith.addf %get3A_32, %add3A_36 : vector<500x768xf32>
    %swap3A_38 = arith.constant 1536 : index
    %swap3A_39 = arith.constant 0 : index
    %swap3A_40 = vector.load %arg2[%swap3A_38, %swap3A_39] : memref<2048x768xf32, #tpu.memory_space<vmem>>, vector<500x768xf32>
    tpu.vector_store %arg2[%swap3A_38, %swap3A_39], %add3A_37 {strides = array<i32>} : memref<2048x768xf32, #tpu.memory_space<vmem>>, vector<500x768xf32>,
    return
  }
}

</mosaic_0001>

<sc_bundles>
// kernel: kernel.4.cloned.1.call-start
scs
__scs_entry_jumppad:
0x0: {  	(pc) =	sbr.rel $0x88, $3  }
0x1: {  	(tag) =	ssettag $0x0;
	lr =	simm.s32 $0x1  }
0x2: {  	[smem:$0x3F9D] =	sst lr;
	_ =	strace $0xD0000000  }
0x3: {  	_ = 	snop  }
0x4: {  	_ = 	snop  }
0x5: {  	_ = 	snop  }
0x6: {  	_ = 	snop  }
0x7: {  	_ = 	snop  }
__scs_overlays_trampoline_lowered:
0x8: {  	[smem:$0x3FAC] =	sst s0  }
0x9: {  	[smem:$0x3FAD] =	sst s1  }
0xa: {  	[smem:$0x3FAE] =	sst s2  }
0xb: {  	[smem:$0x3FAF] =	sst s3  }
0xc: {  	[smem:$0x3FB0] =	sst s4  }
0xd: {  	[smem:$0x3FB1] =	sst s5  }
0xe: {  	[smem:$0x3FB2] =	sst s6  }
0xf: {  	[smem:$0x3FB3] =	sst s7  }
0x10: {  	[smem:$0x3FB4] =	sst s8  }
0x11: {  	[smem:$0x3FB5] =	sst s9;
	s0 =	simm.s32 @!p0 $0x0  }
0x12: {  	s1 =	sld [smem:$0x3F9B];
	s0 =	simm.s32 @p0 $0x1  }
0x13: {  	[smem:$0x3FB6] =	sst s0;
	s0 =	simm.s32 @!p1 $0x0  }
0x14: {  	s2 =	sld [smem:$0x3F9A];
	s0 =	simm.s32 @p1 $0x1  }
0x15: {  	[smem:$0x3FB7] =	sst s0;
	s0 =	simm.s32 @!p2 $0x0  }
0x16: {  	s3 =	sld [smem:$0x3FDB];
	s0 =	simm.s32 @p2 $0x1  }
0x17: {  	s4 =	simm.s32 $0x1BF5;
	[smem:$0x3FB9] =	sst s0  }
0x18: {  	s0 =	sld [smem:$0x3F9C];
	_ =	swait.ge [sflag:s4], $0x0  }
0x19: {  	s7 =	sld [smem:$0x3F9D]  }
0x1a: {  	s8 =	sadd.s32 $0xFFFFE003, lr  }
0x1b: {  	s9 =	sadd.s32 $0xFFFFFEF7, lr;
	s5 =	simm.s32 $0xFFFFFFFF;
	p2 =	slt.u32 s8, $0xFFFFF086  }
0x1c: {  	p1 =	slt.u32 s9, $0xF7A;
	s5 =	simm.s32 @!p2 $0x0  }
0x1d: {  	s5 =	simm.s32 @p1 $0x1;
	p0 =	seq.s32 s7, s2  }
0x1e: {  	s7 =	smul.u32 @!p0 $0xF7A, s2;
	p2 =	seq.s32 @!p0 s5, $0x0  }
0x1f: {  	s9 =	smul.u32 $0xF7A, s1;
	s8 =	simm.s32 @!p0 $0x1BF5;
	p2 =	por !p2, p0  }
0x20: {  	[sflag:s8] =	ssyncset.s32 @!p0 $0xFFFFF086;
	s6 =	sadd.s32 @!p0 s3, s7;
	s7 =	simm.s32 @!p0 $0x108  }
0x21: {  	s3 =	sadd.s32 s3, s9;
	s6 =	sadd.s32 @!p0 $0x88, s6;
	s7 =	simm.s32 @p2 $0x1082  }
0x22: {  	[simem:s7], [sflag:s8] =	dma.local @!p0 [hbm:s6], $0xF7A  }
0x23: {  	s9 =	sor.u32 $0xD0000000, s2;
	s6 =	simm.s32 $0x108;
	_ =	swait.ge @!p0 [sflag:s8], $0x0  }
0x24: {  	s3 =	sadd.s32 $0x88, s3;
	s6 =	simm.s32 @!p1 $0x1082;
	[sflag:s4] =	ssyncset.s32 $0xFFFFF086  }
0x25: {  	[simem:s6], [sflag:s4] =	dma.local [hbm:s3], $0xF7A  }
0x26: {  	[smem:$0x3F9D] =	sst s1;
	(tag) =	ssettag s2;
	_ =	strace s9  }
0x27: {  	s1 =	sld [smem:$0x3FAD]  }
0x28: {  	s2 =	sld [smem:$0x3FAE]  }
0x29: {  	s4 =	sld [smem:$0x3FB0]  }
0x2a: {  	p0 =	seq.s32 s5, $0x0;
	s5 =	sld [smem:$0x3FB1]  }
0x2b: {  	s6 =	sld [smem:$0x3FB2]  }
0x2c: {  	s7 =	sld [smem:$0x3FB3]  }
0x2d: {  	s3 =	simm.s32 $0x108;
	s8 =	sld [smem:$0x3FB4]  }
0x2e: {  	s3 =	simm.s32 @!p0 $0x1082;
	s9 =	sld [smem:$0x3FB5]  }
0x2f: {  	lr =	sadd.s32 s0, s3;
	s0 =	sld [smem:$0x3FAC]  }
0x30: {  	s3 =	sld [smem:$0x3FAF]  }
0x31: {  	[smem:$0x3FB8] =	sst s10  }
0x32: {  	s10 =	sld [smem:$0x3FB6];
	_ =	sdelay $0x3  }
0x33: {  	p0 =	seq.s32 s10, $0x1;
	s10 =	sld [smem:$0x3FB8];
	_ =	sdelay $0x3  }
0x34: {  	[smem:$0x3FB8] =	sst s10  }
0x35: {  	s10 =	sld [smem:$0x3FB7];
	_ =	sdelay $0x3  }
0x36: {  	p1 =	seq.s32 s10, $0x1;
	s10 =	sld [smem:$0x3FB8];
	_ =	sdelay $0x3  }
0x37: {  	[smem:$0x3FB8] =	sst s10  }
0x38: {  	s10 =	sld [smem:$0x3FB9]  }
0x39: {  	_ = 	snop;
	(pc) =	sbr.ind lr, $3  }
0x3a: {  	_ = 	snop  }
0x3b: {  	_ = 	snop  }
0x3c: {  	p2 =	seq.s32 s10, $0x1;
	s10 =	sld [smem:$0x3FB8]  }
0x3d: {  	_ =	shalt  }
0x3e: {  	_ =	shalt  }
0x3f: {  	_ =	shalt  }
0x40: {  	_ =	shalt  }
0x41: {  	_ =	shalt  }
0x42: {  	_ =	shalt  }
0x43: {  	_ =	shalt  }
0x44: {  	_ =	shalt  }
0x45: {  	_ =	shalt  }
0x46: {  	_ =	shalt  }
0x47: {  	_ =	shalt  }
0x48: {  	_ =	shalt  }
0x49: {  	_ =	shalt  }
0x4a: {  	_ =	shalt  }
0x4b: {  	_ =	shalt  }
0x4c: {  	_ =	shalt  }
0x4d: {  	_ =	shalt  }
0x4e: {  	_ =	shalt  }
0x4f: {  	_ =	shalt  }
0x50: {  	_ =	shalt  }
0x51: {  	_ =	shalt  }
0x52: {  	_ =	shalt  }
0x53: {  	_ =	shalt  }
0x54: {  	_ =	shalt  }
0x55: {  	_ =	shalt  }
0x56: {  	_ =	shalt  }
0x57: {  	_ =	shalt  }
0x58: {  	_ =	shalt  }
0x59: {  	_ =	shalt  }
0x5a: {  	_ =	shalt  }
0x5b: {  	_ =	shalt  }
0x5c: {  	_ =	shalt  }
0x5d: {  	_ =	shalt  }
0x5e: {  	_ =	shalt  }
0x5f: {  	_ =	shalt  }
0x60: {  	_ =	shalt  }
0x61: {  	_ =	shalt  }
0x62: {  	_ =	shalt  }
0x63: {  	_ =	shalt  }
0x64: {  	_ =	shalt  }
0x65: {  	_ =	shalt  }
0x66: {  	_ =	shalt  }
0x67: {  	_ =	shalt  }
0x68: {  	_ =	shalt  }
0x69: {  	_ =	shalt  }
0x6a: {  	_ =	shalt  }
0x6b: {  	_ =	shalt  }
0x6c: {  	_ =	shalt  }
0x6d: {  	_ =	shalt  }
0x6e: {  	_ =	shalt  }
0x6f: {  	_ =	shalt  }
0x70: {  	_ =	shalt  }
0x71: {  	_ =	shalt  }
0x72: {  	_ =	shalt  }
0x73: {  	_ =	shalt  }
0x74: {  	_ =	shalt  }
0x75: {  	_ =	shalt  }
0x76: {  	_ =	shalt  }
0x77: {  	_ =	shalt  }
0x78: {  	_ =	shalt  }
0x79: {  	_ =	shalt  }
0x7a: {  	_ =	shalt  }
0x7b: {  	_ =	shalt  }
0x7c: {  	_ =	shalt  }
0x7d: {  	_ =	shalt  }
0x7e: {  	_ =	shalt  }
0x7f: {  	_ =	shalt  }
0x80: {  	_ =	shalt  }
0x81: {  	_ =	shalt  }
0x82: {  	_ =	shalt  }
0x83: {  	_ =	shalt  }
0x84: {  	_ =	shalt  }
0x85: {  	_ =	shalt  }
0x86: {  	_ =	shalt  }
0x87: {  	_ =	shalt  }
.Lfunc_end0:
.L_simem_size_0:
called_computation_lowered:
.L_overlay_start_0:
0x88: {  	s2 =	sld [smem:$0x3FD9]  }
0x89: {  	s3 =	sld [smem:$0x3FFE];
	_ =	sdelay $0x1  }
0x8a: {  	s1 =	srdreg.scid  }
0x8b: {  	s0 =	sand.u32 $0x1, s1  }
0x8c: {  	s17 =	sshll.u32 s0, $0xA;
	s2 =	sadd.s32 s3, s2  }
0x8d: {  	s2 =	sadd.s32 s2, s17  }
0x8e: {  	[smem:$0x3FC4] =	sst s2  }
0x8f: {  	_ = 	snop  }
0x90: {  	s2 =	sld [smem:$0x3FC9]  }
0x91: {  	s18 =	sld [smem:$0x3FC8]  }
0x92: {  	s4 =	sld [smem:$0x3FD0];
	(tm) =	ssettm $0x1  }
0x93: {  	s5 =	sld [smem:$0x3FFB];
	_ =	sdelay $0x3  }
0x94: {  	_ =	strace s5  }
0x95: {  	s5 =	sld [smem:$0x3FFC];
	_ =	sdelay $0x3  }
0x96: {  	_ =	strace s5  }
0x97: {  	s5 =	sld [smem:$0x3FFD];
	_ =	sdelay $0x3  }
0x98: {  	_ =	strace s5  }
0x99: {  	_ =	strace $0x8FFFFFFF  }
0x9a: {  	s19 =	sld [smem:$0x3FDB];
	_ =	sdelay $0x1  }
0x9b: {  	s6 =	simm.s32 $_scs_section_size  }
0x9c: {  	s7 =	simm.s32 $_size__tile_overlayer_lowered;
	s8 =	simm.s32 $_tile_overlayer_lowered  }
0x9d: {  	s22 =	simm.s32 $0x1BFF;
	s21 =	sshll.u32 s8, $0x1;
	s5 =	sadd.s32 s6, s19  }
0x9e: {  	s9 =	simm.s32 $0x0;
	s20 =	sshll.u32 s7, $0x1;
	s7 =	sadd.s32 s21, s5  }
0x9f: {  	[timem:s9], [sflag:s22] =	dma.local [hbm:s7], s20  }
0xa0: {  	_ =	swait.ge [sflag:s22], s20  }
0xa1: {  	s6 =	ssub.s32 $0x0, s20;
	[sflag:s22] =	ssyncset.done $0x0  }
0xa2: {  	[sflag:s22] =	ssyncadd.s32 s6;
	_ =	sdelay $0x1  }
0xa3: {  	s23 =	simm.s32 $0x1B8B  }
0xa4: {  	_ =	swait.ge [sflag:s23], $0x1  }
0xa5: {  	[sflag:s23] =	ssyncset.done $0x0  }
0xa6: {  	s25 =	simm.s32 $0x1B8E;
	s24 =	sld [smem:$0x3FFE];
	[sflag:s23] =	ssyncadd.s32 $0xFFFFFFFF  }
0xa7: {  	s26 =	simm.s32 $execute0_lowered;
	[smem:$0x3FD2] =	sst s25  }
0xa8: {  	s7 =	sshll.u32 s26, $0x1;
	_ =	strace $0x80000046;
	[dreg:$0x1] =	wrdreg $0xFFFFFFFF  }
0xa9: {  	s28 =	simm.s32 $_size_execute0_lowered;
	s5 =	sadd.s32 s5, s7;
	[dreg:$0x0] =	wrdreg $0x0  }
0xaa: {  	s7 =	sshll.u32 s28, $0x1;
	[dreg:$0x2] =	wrdreg s5  }
0xab: {  	[dreg:$0x3] =	wrdreg s7  }
0xac: {  	[dreg:$0x4] =	wrdreg $0xC0  }
0xad: {  	_ =	task [dreg:s9], $0x5FFFF  }
0xae: {  	[dreg:$0x1] =	wrdreg $0xFFFFFFFF  }
0xaf: {  	[dreg:$0x0] =	wrdreg $0x60  }
0xb0: {  	[dreg:$0x2] =	wrdreg s24  }
0xb1: {  	[dreg:$0x3] =	wrdreg s2  }
0xb2: {  	[dreg:$0x4] =	wrdreg s18  }
0xb3: {  	[dreg:$0x5] =	wrdreg s4  }
0xb4: {  	[dreg:$0x6] =	wrdreg $0x9  }
0xb5: {  	_ =	task.clear_ibuf [dreg:s9], $0x7FFFF;
	_ =	strace $0x90000046  }
0xb6: {  	s29 =	simm.s32 $0x9;
	_ =	strace $0x80000048  }
0xb7: {  	_ =	swait.ge [sflag:s29], $0x1  }
0xb8: {  	[sflag:s29] =	ssyncadd.s32 $0xFFFFFFFF  }
0xb9: {  	_ =	strace $0x90000048  }
0xba: {  	_ =	sfence  }
0xbb: {  	s30 =	sld [smem:$0x0];
	_ =	sdelay $0x2  }
0xbc: {  	s31 =	sshll.u32 s1, $0xD;
	s1 =	sshrl.u32 s1, $0x2  }
0xbd: {  	s3 =	sand.u32 $0x4000, s31;
	s1 =	sadd.s32 s1, s30  }
0xbe: {  	s0 =	sor.u32 s3, s0;
	s1 =	sshll.u32 s1, $0x11  }
0xbf: {  	s0 =	sor.u32 s1, s0  }
0xc0: {  	s0 =	sadd.s32 $0x8F2B, s0  }
0xc1: {  	[sflag:s0] =	ssyncadd.remote.s32 $0x1  }
0xc2: {  	_ =	sfence.sel $0xFFFF  }
0xc3: {  	[dreg:$0x0] =	wrdreg $0xFFFFFFFF;
	(pc) =	sbr.abs _section_cstart, $3  }
0xc4: {  	[dreg:$0x1] =	wrdreg $0xFFFFFFFF  }
0xc5: {  	_ =	task.clear_ibuf [dreg:s9], $0x2FFFF;
	_ =	strace $0x9FFFFFFF  }
0xc6: {  	(tm) =	ssettm $0x7FFFFFFF  }
0xc7: {  	_ =	shalt  }
tec
execute0_lowered:
.L_overlay_start_1:
0x0: {  	(tag) =	ssettag $0x1  }
0x1: {  	s0 =	rddreg [dreg:$0x0]  }
0x2: {  	s1 =	rddreg [dreg:$0x1];
	s2 =	srdreg.scid  }
0x3: {  	s3 =	rddreg [dreg:$0x2];
	s6 =	stileid.u32  }
0x4: {  	s4 =	rddreg [dreg:$0x3];
	s5 =	sand.u32 $0x1, s2;
	s2 =	simm.s32 $0x0  }
0x5: {  	s6 =	sshll.u32 s6, $0x7;
	s7 =	sshll.u32 s5, $0x6;
	[smem:$0x7FF] =	sst s2  }
0x6: {  	s31 =	simm.s32 $0x200;
	s6 =	sor.u32 s7, s6;
	_ =	strace $0x80000047  }
0x7: {  	[dreg:$0x16] =	wrdreg s31;
	s7 =	smul.u32 $0x300, s6;
	s1 =	sadd.s32 s1, s6  }
0x8: {  	s11 =	sadd.s32 s3, s6;
	[dreg:$0x5] =	wrdreg s1  }
0x9: {  	[dreg:$0x6] =	wrdreg s11;
	s7 =	sadd.s32 s4, s7  }
0xa: {  	s12 =	sadd.s32 $0xC00, s7;
	[dreg:$0x17] =	wrdreg s7  }
0xb: {  	s14 =	smul.u32 $0x1800, s6;
	s13 =	sadd.s32 $0x1800, s7;
	[dreg:$0x7] =	wrdreg s12  }
0xc: {  	s15 =	sadd.s32 $0x2400, s7;
	[dreg:$0x8] =	wrdreg s13  }
0xd: {  	s3 =	sshrl.u32 s14, $0x3;
	s16 =	sadd.s32 $0x3000, s7;
	[dreg:$0x9] =	wrdreg s15  }
0xe: {  	s17 =	sadd.s32 $0x3C00, s7;
	s3 =	sadd.s32 s4, s3;
	[dreg:$0xa] =	wrdreg s16  }
0xf: {  	[dreg:$0xb] =	wrdreg s17;
	s18 =	sadd.s32 $0x4800, s3  }
0x10: {  	s5 =	ssub.s32 $0x2, s5;
	s19 =	sadd.s32 $0x5400, s3;
	[dreg:$0xc] =	wrdreg s18  }
0x11: {  	s26 =	sshrl.u32 s5, $0x1;
	s20 =	sadd.s32 $0x6000, s3;
	[dreg:$0xd] =	wrdreg s19  }
0x12: {  	s29 =	ssub.s32 s5, s26;
	s21 =	sadd.s32 $0x6C00, s3;
	[dreg:$0xe] =	wrdreg s20  }
0x13: {  	s5 =	sadd.s32 $0xB00, s0;
	s22 =	sadd.s32 $0x7800, s3;
	[dreg:$0xf] =	wrdreg s21  }
0x14: {  	s6 =	sadd.s32 $0xC00, s0;
	s23 =	sadd.s32 $0x8400, s3;
	[dreg:$0x10] =	wrdreg s22  }
0x15: {  	s1 =	smax.u32 s29, $0x1;
	s24 =	sadd.s32 $0x9000, s3;
	[dreg:$0x11] =	wrdreg s23  }
0x16: {  	s14 =	simm.s32 $0x5;
	s25 =	sadd.s32 $0x9C00, s3;
	[dreg:$0x12] =	wrdreg s24  }
0x17: {  	v2 =	vlaneseq.u32;
	s4 =	sadd.s32 $0xA00, s0;
	s28 =	sadd.s32 $0xA800, s3;
	[dreg:$0x13] =	wrdreg s25  }
0x18: {  	vm0 =	vmmov $0xffff;
	v1 =	vshrl.u32 v2, $0x3;
	s30 =	sadd.s32 $0xB400, s3;
	s12 =	simm.s32 $0x1;
	[dreg:$0x14] =	wrdreg s28  }
0x19: {  	v0 =	vand.u32 $0x7, v2;
	v2 =	vor.u32 $0x8, v2;
	v1 =	vmul.u32 $0x8, v1;
	s13 =	simm.s32 $0x2;
	[dreg:$0x15] =	wrdreg s30;
	s22 =	simm.s32 $0x12600  }
.LBB2_1:
0x1a: {  	[dreg:$0x18] =	wrdreg s1  }
0x1b: {  	s19 =	rddreg [dreg:$0x5];
	s0 =	simm.s32 $0x9  }
0x1c: {  	[tilespmem:s2], [sflag:$0x9] =	stream.linear.gather [hbm4b:s19+s2], $0x200, $0x38;
	[tilespmem:$0x18600] =	vst v63  }
0x1d: {  	_ =	swait.ge [sflag:s0], $0x200  }
0x1e: {  	s8 =	rddreg [dreg:$0x6];
	[sflag:s0] =	ssyncset.done $0x0  }
0x1f: {  	s20 =	rddreg [dreg:$0x16];
	[sflag:s0] =	ssyncadd.s32 $0xFFFFFE00  }
0x20: {  	[tilespmem:s20], [sflag:$0x9] =	stream.linear.gather [hbm4b:s8+s2], $0x200, $0x38;
	[tilespmem:$0x18600] =	vst v63  }
0x21: {  	_ =	swait.ge [sflag:s0], $0x200  }
0x22: {  	[sflag:s0] =	ssyncset.done $0x0  }
0x23: {  	[sflag:s0] =	ssyncadd.s32 $0xFFFFFE00  }
0x24: {  	v4 =	vld [tilespmem:$0x200]  }
0x25: {  	v3 =	vld [tilespmem:$0x0]  }
0x26: {  	v5 =	vld [tilespmem:$0x210]  }
0x27: {  	v6 =	vld [tilespmem:$0x10]  }
0x28: {  	v7 =	vld [tilespmem:$0x220]  }
0x29: {  	v8 =	vld [tilespmem:$0x20]  }
0x2a: {  	v9 =	vld [tilespmem:$0x230]  }
0x2b: {  	v10 =	vld [tilespmem:$0x30]  }
0x2c: {  	v11 =	vld [tilespmem:$0x240]  }
0x2d: {  	v12 =	vld [tilespmem:$0x40]  }
0x2e: {  	v13 =	vld [tilespmem:$0x250]  }
0x2f: {  	v14 =	vld [tilespmem:$0x50]  }
0x30: {  	v15 =	vld [tilespmem:$0x260]  }
0x31: {  	v16 =	vld [tilespmem:$0x60]  }
0x32: {  	v17 =	vld [tilespmem:$0x270]  }
0x33: {  	v18 =	vld [tilespmem:$0x70]  }
0x34: {  	v19 =	vld [tilespmem:$0x280]  }
0x35: {  	v20 =	vld [tilespmem:$0x80]  }
0x36: {  	v21 =	vld [tilespmem:$0x290]  }
0x37: {  	v22 =	vld [tilespmem:$0x90]  }
0x38: {  	v23 =	vld [tilespmem:$0x2A0]  }
0x39: {  	v24 =	vld [tilespmem:$0xA0]  }
0x3a: {  	v25 =	vld [tilespmem:$0x2B0]  }
0x3b: {  	v26 =	vld [tilespmem:$0xB0]  }
0x3c: {  	v27 =	vld [tilespmem:$0x2C0]  }
0x3d: {  	v28 =	vld [tilespmem:$0xC0]  }
0x3e: {  	v29 =	vld [tilespmem:$0x2D0]  }
0x3f: {  	v30 =	vld [tilespmem:$0xD0]  }
0x40: {  	v31 =	vld [tilespmem:$0x2E0]  }
0x41: {  	v32 =	vld [tilespmem:$0xE0]  }
0x42: {  	v33 =	vld [tilespmem:$0x2F0]  }
0x43: {  	v34 =	vld [tilespmem:$0xF0]  }
0x44: {  	v35 =	vld [tilespmem:$0x300]  }
0x45: {  	v36 =	vld [tilespmem:$0x100]  }
0x46: {  	v37 =	vld [tilespmem:$0x310]  }
0x47: {  	v38 =	vld [tilespmem:$0x110]  }
0x48: {  	v39 =	vld [tilespmem:$0x320];
	v5 =	vshll.u32 v5, $0x9  }
0x49: {  	v60 =	vld [tilespmem:$0x370];
	v41 =	vshll.u32 v7, $0x9;
	v5 =	vadd.s32 v6, v5  }
0x4a: {  	v63 =	vld [tilespmem:$0x170];
	v43 =	vshll.u32 v9, $0x9;
	v42 =	vadd.s32 v8, v41;
	[tilespmem:$0x410] =	vst v5  }
0x4b: {  	v7 =	vld [tilespmem:$0x120];
	v45 =	vshll.u32 v11, $0x9;
	v44 =	vadd.s32 v10, v43;
	[tilespmem:$0x420] =	vst v42  }
0x4c: {  	v9 =	vld [tilespmem:$0x130];
	v47 =	vshll.u32 v13, $0x9;
	v46 =	vadd.s32 v12, v45;
	[tilespmem:$0x430] =	vst v44  }
0x4d: {  	v49 =	vshll.u32 v15, $0x9;
	v11 =	vld [tilespmem:$0x140];
	v48 =	vadd.s32 v14, v47;
	[tilespmem:$0x440] =	vst v46  }
0x4e: {  	v51 =	vshll.u32 v17, $0x9;
	v13 =	vld [tilespmem:$0x150];
	v50 =	vadd.s32 v16, v49;
	[tilespmem:$0x450] =	vst v48  }
0x4f: {  	v53 =	vshll.u32 v19, $0x9;
	v55 =	vshll.u32 v21, $0x9;
	v15 =	vld [tilespmem:$0x160];
	v52 =	vadd.s32 v18, v51;
	[tilespmem:$0x460] =	vst v50  }
0x50: {  	v59 =	vshll.u32 v25, $0x9;
	v25 =	vshll.u32 v29, $0x9;
	v29 =	vld [tilespmem:$0x180];
	v54 =	vadd.s32 v20, v53;
	[tilespmem:$0x470] =	vst v52  }
0x51: {  	v57 =	vshll.u32 v23, $0x9;
	v21 =	vld [tilespmem:$0x3F0];
	v56 =	vadd.s32 v22, v55;
	[tilespmem:$0x480] =	vst v54  }
0x52: {  	v23 =	vld [tilespmem:$0x1F0];
	v58 =	vadd.s32 v24, v57;
	[tilespmem:$0x490] =	vst v56  }
0x53: {  	v62 =	vshll.u32 v27, $0x9;
	v8 =	vld [tilespmem:$0x330];
	v61 =	vadd.s32 v26, v59;
	[tilespmem:$0x4A0] =	vst v58  }
0x54: {  	v10 =	vld [tilespmem:$0x340];
	v24 =	vadd.s32 v28, v62;
	[tilespmem:$0x4B0] =	vst v61  }
0x55: {  	v4 =	vshll.u32 v4, $0x9;
	v12 =	vld [tilespmem:$0x350];
	v27 =	vadd.s32 v30, v25;
	[tilespmem:$0x4C0] =	vst v24  }
0x56: {  	v14 =	vld [tilespmem:$0x360];
	v28 =	vshll.u32 v31, $0x9;
	v4 =	vadd.s32 v3, v4;
	[tilespmem:$0x4D0] =	vst v27  }
0x57: {  	v26 =	vld [tilespmem:$0x380];
	v31 =	vshll.u32 v33, $0x9;
	v30 =	vadd.s32 v32, v28;
	[tilespmem:$0x400] =	vst v4  }
0x58: {  	v41 =	vshll.u32 v37, $0x9;
	v45 =	vld [tilespmem:$0x1A0];
	v33 =	vadd.s32 v34, v31;
	[tilespmem:$0x4E0] =	vst v30  }
0x59: {  	v51 =	vld [tilespmem:$0x1B0];
	v59 =	vshll.u32 v60, $0x9;
	v43 =	vadd.s32 v38, v41;
	v4 =	vshrl.u32 v4, $0x3;
	[tilespmem:$0x4F0] =	vst v33  }
0x5a: {  	v60 =	vld [tilespmem:$0x1D0];
	v34 =	vshll.u32 v35, $0x9;
	v61 =	vadd.s32 v63, v59;
	[tilespmem:$0x510] =	vst v43;
	v4 =	vmul.u32 $0x30, v4  }
0x5b: {  	v3 =	vand.u32 $0x7, v3;
	v32 =	vld [tilespmem:$0x390];
	v44 =	vshll.u32 v39, $0x9;
	v40 =	vadd.s32 v36, v34;
	[tilespmem:$0x570] =	vst v61  }
0x5c: {  	v35 =	vld [tilespmem:$0x190];
	[tilespmem:$0x500] =	vst v40;
	v46 =	vadd.s32 v7, v44;
	v3 =	vor.u32 v3, v4;
	v4 =	vshll.u32 v21, $0x9  }
0x5d: {  	v42 =	vld [tilespmem:$0x3A0];
	v47 =	vshll.u32 v8, $0x9;
	[tilespmem:$0x520] =	vst v46;
	v4 =	vadd.s32 v23, v4  }
0x5e: {  	v48 =	vld [tilespmem:$0x3B0];
	v50 =	vshll.u32 v10, $0x9;
	v49 =	vadd.s32 v9, v47;
	[tilespmem:$0x5F0] =	vst v4  }
0x5f: {  	v54 =	vld [tilespmem:$0x3C0];
	v53 =	vshll.u32 v12, $0x9;
	v52 =	vadd.s32 v11, v50;
	[tilespmem:$0x530] =	vst v49  }
0x60: {  	v56 =	vld [tilespmem:$0x1C0];
	v57 =	vshll.u32 v14, $0x9;
	v55 =	vadd.s32 v13, v53;
	[tilespmem:$0x540] =	vst v52  }
0x61: {  	v58 =	vld [tilespmem:$0x3D0];
	v62 =	vshll.u32 v26, $0x9;
	v5 =	vadd.s32 v15, v57;
	[tilespmem:$0x550] =	vst v55  }
0x62: {  	v63 =	vld [tilespmem:$0x3E0];
	v16 =	vadd.s32 v29, v62;
	v17 =	vshll.u32 v32, $0x9;
	[tilespmem:$0x560] =	vst v5  }
0x63: {  	v18 =	vld [tilespmem:$0x1E0];
	v24 =	vperm.xlane v3, v0;
	v20 =	vshll.u32 v42, $0x9;
	[tilespmem:$0x580] =	vst v16;
	v19 =	vadd.s32 v35, v17  }
0x64: {  	v7 =	vshll.u32 v48, $0x9;
	v22 =	vadd.s32 v45, v20;
	[tilespmem:$0x590] =	vst v19  }
0x65: {  	v26 =	vshll.u32 v54, $0x9;
	v25 =	vadd.s32 v51, v7;
	v29 =	vadd.s32 v1, v24;
	[tilespmem:$0x5A0] =	vst v22  }
0x66: {  	v28 =	vshll.u32 v58, $0x9;
	v27 =	vadd.s32 v56, v26;
	[tilespmem:$0x5B0] =	vst v25  }
0x67: {  	v31 =	vshll.u32 v63, $0x9;
	v30 =	vadd.s32 v60, v28;
	[tilespmem:$0x5C0] =	vst v27  }
0x68: {  	v32 =	vadd.s32 v18, v31;
	[tilespmem:$0x5D0] =	vst v30  }
0x69: {  	s9 =	simm.s32 $0x600;
	v3 =	vperm.xlane v3, v2;
	[tilespmem:$0x5E0] =	vst v32  }
0x6a: {  	[tilespmem:s9], [sflag:$0x1] =	stream.indirect_vreg.gather [hbm4b:s4+s2], $0x80, v29, vm0, $0xb8;
	[tilespmem:$0x18600] =	vst v63  }
0x6b: {  	s10 =	simm.s32 $0xE00;
	v3 =	vadd.s32 v1, v3  }
0x6c: {  	[tilespmem:s10], [sflag:$0x1] =	stream.indirect_vreg.gather [hbm4b:s5+s2], $0x80, v29, vm0, $0xb8;
	[tilespmem:$0x18600] =	vst v63  }
0x6d: {  	s11 =	simm.s32 $0x1600  }
0x6e: {  	[tilespmem:s11], [sflag:$0x1] =	stream.indirect_vreg.gather [hbm4b:s6+s2], $0x80, v29, vm0, $0xb8;
	[tilespmem:$0x18600] =	vst v63  }
0x6f: {  	s15 =	simm.s32 $0x1E00  }
0x70: {  	[tilespmem:s15], [sflag:$0x1] =	stream.indirect_vreg.gather [hbm4b:s4+s2], $0x80, v3, vm0, $0xb8;
	[tilespmem:$0x18600] =	vst v63  }
0x71: {  	s16 =	simm.s32 $0x2600  }
0x72: {  	[tilespmem:s16], [sflag:$0x1] =	stream.indirect_vreg.gather [hbm4b:s5+s2], $0x80, v3, vm0, $0xb8;
	[tilespmem:$0x18600] =	vst v63  }
0x73: {  	s17 =	simm.s32 $0x2E00  }
0x74: {  	[tilespmem:s17], [sflag:$0x1] =	stream.indirect_vreg.gather [hbm4b:s6+s2], $0x80, v3, vm0, $0xb8;
	[tilespmem:$0x18600] =	vst v63  }
0x75: {  	v3 =	vld [tilespmem:$0x410];
	_ =	sdelay $0x4  }
0x76: {  	v33 =	vshrl.u32 v3, $0x3  }
0x77: {  	v4 =	vmul.u32 $0x30, v33  }
0x78: {  	v3 =	vand.u32 $0x7, v3  }
0x79: {  	v3 =	vor.u32 v3, v4  }
0x7a: {  	v4 =	vperm.xlane v3, v0;
	_ =	sdelay $0x1  }
0x7b: {  	v4 =	vadd.s32 v1, v4;
	_ =	sdelay $0x3  }
0x7c: {  	s18 =	simm.s32 $0x3600;
	v3 =	vperm.xlane v3, v2  }
0x7d: {  	[tilespmem:s18], [sflag:$0x1] =	stream.indirect_vreg.gather [hbm4b:s4+s2], $0x80, v4, vm0, $0xb8;
	[tilespmem:$0x18600] =	vst v63  }
0x7e: {  	s19 =	simm.s32 $0x3E00;
	v3 =	vadd.s32 v1, v3  }
0x7f: {  	[tilespmem:s19], [sflag:$0x1] =	stream.indirect_vreg.gather [hbm4b:s5+s2], $0x80, v4, vm0, $0xb8;
	[tilespmem:$0x18600] =	vst v63  }
0x80: {  	s20 =	simm.s32 $0x4600  }
0x81: {  	[tilespmem:s20], [sflag:$0x1] =	stream.indirect_vreg.gather [hbm4b:s6+s2], $0x80, v4, vm0, $0xb8;
	[tilespmem:$0x18600] =	vst v63  }
0x82: {  	s21 =	simm.s32 $0x4E00  }
0x83: {  	[tilespmem:s21], [sflag:$0x1] =	stream.indirect_vreg.gather [hbm4b:s4+s2], $0x80, v3, vm0, $0xb8;
	[tilespmem:$0x18600] =	vst v63  }
0x84: {  	s23 =	simm.s32 $0x5600  }
0x85: {  	[tilespmem:s23], [sflag:$0x1] =	stream.indirect_vreg.gather [hbm4b:s5+s2], $0x80, v3, vm0, $0xb8;
	[tilespmem:$0x18600] =	vst v63  }
0x86: {  	s24 =	simm.s32 $0x5E00  }
0x87: {  	[tilespmem:s24], [sflag:$0x1] =	stream.indirect_vreg.gather [hbm4b:s6+s2], $0x80, v3, vm0, $0xb8;
	[tilespmem:$0x18600] =	vst v63  }
0x88: {  	v3 =	vld [tilespmem:$0x420];
	_ =	sdelay $0x4  }
0x89: {  	v34 =	vshrl.u32 v3, $0x3  }
0x8a: {  	v4 =	vmul.u32 $0x30, v34  }
0x8b: {  	v3 =	vand.u32 $0x7, v3  }
0x8c: {  	v3 =	vor.u32 v3, v4  }
0x8d: {  	v4 =	vperm.xlane v3, v0;
	_ =	sdelay $0x1  }
0x8e: {  	v4 =	vadd.s32 v1, v4;
	_ =	sdelay $0x3  }
0x8f: {  	s25 =	simm.s32 $0x6600;
	v3 =	vperm.xlane v3, v2  }
0x90: {  	[tilespmem:s25], [sflag:$0x2] =	stream.indirect_vreg.gather [hbm4b:s4+s2], $0x80, v4, vm0, $0xb8;
	[tilespmem:$0x18600] =	vst v63  }
0x91: {  	s26 =	simm.s32 $0x6E00;
	v3 =	vadd.s32 v1, v3  }
0x92: {  	[tilespmem:s26], [sflag:$0x2] =	stream.indirect_vreg.gather [hbm4b:s5+s2], $0x80, v4, vm0, $0xb8;
	[tilespmem:$0x18600] =	vst v63  }
0x93: {  	s28 =	simm.s32 $0x7600  }
0x94: {  	[tilespmem:s28], [sflag:$0x2] =	stream.indirect_vreg.gather [hbm4b:s6+s2], $0x80, v4, vm0, $0xb8;
	[tilespmem:$0x18600] =	vst v63  }
0x95: {  	s29 =	simm.s32 $0x7E00  }
0x96: {  	[tilespmem:s29], [sflag:$0x2] =	stream.indirect_vreg.gather [hbm4b:s4+s2], $0x80, v3, vm0, $0xb8;
	[tilespmem:$0x18600] =	vst v63  }
0x97: {  	s30 =	simm.s32 $0x8600  }
0x98: {  	[tilespmem:s30], [sflag:$0x2] =	stream.indirect_vreg.gather [hbm4b:s5+s2], $0x80, v3, vm0, $0xb8;
	[tilespmem:$0x18600] =	vst v63  }
0x99: {  	s31 =	simm.s32 $0x8E00  }
0x9a: {  	[tilespmem:s31], [sflag:$0x2] =	stream.indirect_vreg.gather [hbm4b:s6+s2], $0x80, v3, vm0, $0xb8;
	[tilespmem:$0x18600] =	vst v63  }
0x9b: {  	v3 =	vld [tilespmem:$0x430];
	_ =	sdelay $0x4  }
0x9c: {  	v35 =	vshrl.u32 v3, $0x3  }
0x9d: {  	v4 =	vmul.u32 $0x30, v35  }
0x9e: {  	v3 =	vand.u32 $0x7, v3  }
0x9f: {  	v3 =	vor.u32 v3, v4  }
0xa0: {  	v4 =	vperm.xlane v3, v0;
	_ =	sdelay $0x1  }
0xa1: {  	v4 =	vadd.s32 v1, v4;
	_ =	sdelay $0x3  }
0xa2: {  	s1 =	simm.s32 $0x9600;
	v3 =	vperm.xlane v3, v2  }
0xa3: {  	[tilespmem:s1], [sflag:$0x2] =	stream.indirect_vreg.gather [hbm4b:s4+s2], $0x80, v4, vm0, $0xb8;
	[tilespmem:$0x18600] =	vst v63  }
0xa4: {  	s19 =	simm.s32 $0x9E00;
	v3 =	vadd.s32 v1, v3  }
0xa5: {  	[tilespmem:s19], [sflag:$0x2] =	stream.indirect_vreg.gather [hbm4b:s5+s2], $0x80, v4, vm0, $0xb8;
	[tilespmem:$0x18600] =	vst v63  }
0xa6: {  	s20 =	simm.s32 $0xA600  }
0xa7: {  	[tilespmem:s20], [sflag:$0x2] =	stream.indirect_vreg.gather [hbm4b:s6+s2], $0x80, v4, vm0, $0xb8;
	[tilespmem:$0x18600] =	vst v63  }
0xa8: {  	s21 =	simm.s32 $0xAE00  }
0xa9: {  	[tilespmem:s21], [sflag:$0x2] =	stream.indirect_vreg.gather [hbm4b:s4+s2], $0x80, v3, vm0, $0xb8;
	[tilespmem:$0x18600] =	vst v63  }
0xaa: {  	s23 =	simm.s32 $0xB600  }
0xab: {  	[tilespmem:s23], [sflag:$0x2] =	stream.indirect_vreg.gather [hbm4b:s5+s2], $0x80, v3, vm0, $0xb8;
	[tilespmem:$0x18600] =	vst v63  }
0xac: {  	s24 =	simm.s32 $0xBE00  }
0xad: {  	[tilespmem:s24], [sflag:$0x2] =	stream.indirect_vreg.gather [hbm4b:s6+s2], $0x80, v3, vm0, $0xb8;
	[tilespmem:$0x18600] =	vst v63  }
0xae: {  	v3 =	vld [tilespmem:$0x440];
	_ =	sdelay $0x4  }
0xaf: {  	v36 =	vshrl.u32 v3, $0x3  }
0xb0: {  	v4 =	vmul.u32 $0x30, v36  }
0xb1: {  	v3 =	vand.u32 $0x7, v3  }
0xb2: {  	v3 =	vor.u32 v3, v4  }
0xb3: {  	v4 =	vperm.xlane v3, v0;
	_ =	sdelay $0x1  }
0xb4: {  	v4 =	vadd.s32 v1, v4;
	_ =	sdelay $0x3  }
0xb5: {  	s25 =	simm.s32 $0xC600;
	v3 =	vperm.xlane v3, v2  }
0xb6: {  	[tilespmem:s25], [sflag:$0x3] =	stream.indirect_vreg.gather [hbm4b:s4+s2], $0x80, v4, vm0, $0xb8;
	[tilespmem:$0x18600] =	vst v63  }
0xb7: {  	s0 =	simm.s32 $0xCE00;
	v3 =	vadd.s32 v1, v3  }
0xb8: {  	[tilespmem:s0], [sflag:$0x3] =	stream.indirect_vreg.gather [hbm4b:s5+s2], $0x80, v4, vm0, $0xb8;
	[tilespmem:$0x18600] =	vst v63  }
0xb9: {  	s19 =	simm.s32 $0xD600  }
0xba: {  	[tilespmem:s19], [sflag:$0x3] =	stream.indirect_vreg.gather [hbm4b:s6+s2], $0x80, v4, vm0, $0xb8;
	[tilespmem:$0x18600] =	vst v63  }
0xbb: {  	s20 =	simm.s32 $0xDE00  }
0xbc: {  	[tilespmem:s20], [sflag:$0x3] =	stream.indirect_vreg.gather [hbm4b:s4+s2], $0x80, v3, vm0, $0xb8;
	[tilespmem:$0x18600] =	vst v63  }
0xbd: {  	s21 =	simm.s32 $0xE600  }
0xbe: {  	[tilespmem:s21], [sflag:$0x3] =	stream.indirect_vreg.gather [hbm4b:s5+s2], $0x80, v3, vm0, $0xb8;
	[tilespmem:$0x18600] =	vst v63  }
0xbf: {  	s23 =	simm.s32 $0xEE00  }
0xc0: {  	[tilespmem:s23], [sflag:$0x3] =	stream.indirect_vreg.gather [hbm4b:s6+s2], $0x80, v3, vm0, $0xb8;
	[tilespmem:$0x18600] =	vst v63  }
0xc1: {  	v3 =	vld [tilespmem:$0x450];
	_ =	sdelay $0x4  }
0xc2: {  	v37 =	vshrl.u32 v3, $0x3  }
0xc3: {  	v4 =	vmul.u32 $0x30, v37  }
0xc4: {  	v3 =	vand.u32 $0x7, v3  }
0xc5: {  	v3 =	vor.u32 v3, v4  }
0xc6: {  	v4 =	vperm.xlane v3, v0;
	_ =	sdelay $0x1  }
0xc7: {  	v4 =	vadd.s32 v1, v4;
	_ =	sdelay $0x3  }
0xc8: {  	s24 =	simm.s32 $0xF600;
	v3 =	vperm.xlane v3, v2  }
0xc9: {  	[tilespmem:s24], [sflag:$0x3] =	stream.indirect_vreg.gather [hbm4b:s4+s2], $0x80, v4, vm0, $0xb8;
	[tilespmem:$0x18600] =	vst v63  }
0xca: {  	s25 =	simm.s32 $0xFE00;
	v3 =	vadd.s32 v1, v3  }
0xcb: {  	[tilespmem:s25], [sflag:$0x3] =	stream.indirect_vreg.gather [hbm4b:s5+s2], $0x80, v4, vm0, $0xb8;
	[tilespmem:$0x18600] =	vst v63  }
0xcc: {  	s0 =	simm.s32 $0x10600  }
0xcd: {  	[tilespmem:s0], [sflag:$0x3] =	stream.indirect_vreg.gather [hbm4b:s6+s2], $0x80, v4, vm0, $0xb8;
	[tilespmem:$0x18600] =	vst v63  }
0xce: {  	s19 =	simm.s32 $0x10E00  }
0xcf: {  	[tilespmem:s19], [sflag:$0x3] =	stream.indirect_vreg.gather [hbm4b:s4+s2], $0x80, v3, vm0, $0xb8;
	[tilespmem:$0x18600] =	vst v63  }
0xd0: {  	s20 =	simm.s32 $0x11600  }
0xd1: {  	[tilespmem:s20], [sflag:$0x3] =	stream.indirect_vreg.gather [hbm4b:s5+s2], $0x80, v3, vm0, $0xb8;
	[tilespmem:$0x18600] =	vst v63  }
0xd2: {  	s21 =	simm.s32 $0x11E00  }
0xd3: {  	[tilespmem:s21], [sflag:$0x3] =	stream.indirect_vreg.gather [hbm4b:s6+s2], $0x80, v3, vm0, $0xb8;
	[tilespmem:$0x18600] =	vst v63  }
0xd4: {  	_ =	swait.ge [sflag:s12], $0x6000  }
0xd5: {  	[sflag:s12] =	ssyncset.done $0x0  }
0xd6: {  	s0 =	simm.s32 $0x600;
	s25 =	rddreg [dreg:$0x17];
	[sflag:s12] =	ssyncadd.s32 $0xFFFFA000  }
0xd7: {  	[hbm4b:s25+s2] =	stream.linear.scatter [tilespmem:s0], [sflag:$0x5], $0x6000, $0x38;
	[tilespmem:$0x18600] =	vst v63  }
0xd8: {  	v3 =	vld [tilespmem:$0x460];
	_ =	sdelay $0x4  }
0xd9: {  	v38 =	vshrl.u32 v3, $0x3  }
0xda: {  	v4 =	vmul.u32 $0x30, v38  }
0xdb: {  	v3 =	vand.u32 $0x7, v3  }
0xdc: {  	v3 =	vor.u32 v3, v4  }
0xdd: {  	v4 =	vperm.xlane v3, v0;
	_ =	sdelay $0x1  }
0xde: {  	v4 =	vadd.s32 v1, v4;
	_ =	sdelay $0x3  }
0xdf: {  	v3 =	vperm.xlane v3, v2  }
0xe0: {  	[tilespmem:s22], [sflag:$0x4] =	stream.indirect_vreg.gather [hbm4b:s4+s2], $0x80, v4, vm0, $0xb8;
	[tilespmem:$0x18600] =	vst v63  }
0xe1: {  	s1 =	simm.s32 $0x12E00;
	v3 =	vadd.s32 v1, v3  }
0xe2: {  	[tilespmem:s1], [sflag:$0x4] =	stream.indirect_vreg.gather [hbm4b:s5+s2], $0x80, v4, vm0, $0xb8;
	[tilespmem:$0x18600] =	vst v63  }
0xe3: {  	s20 =	simm.s32 $0x13600  }
0xe4: {  	[tilespmem:s20], [sflag:$0x4] =	stream.indirect_vreg.gather [hbm4b:s6+s2], $0x80, v4, vm0, $0xb8;
	[tilespmem:$0x18600] =	vst v63  }
0xe5: {  	s21 =	simm.s32 $0x13E00  }
0xe6: {  	[tilespmem:s21], [sflag:$0x4] =	stream.indirect_vreg.gather [hbm4b:s4+s2], $0x80, v3, vm0, $0xb8;
	[tilespmem:$0x18600] =	vst v63  }
0xe7: {  	s25 =	simm.s32 $0x14600  }
0xe8: {  	[tilespmem:s25], [sflag:$0x4] =	stream.indirect_vreg.gather [hbm4b:s5+s2], $0x80, v3, vm0, $0xb8;
	[tilespmem:$0x18600] =	vst v63  }
0xe9: {  	s1 =	simm.s32 $0x14E00  }
0xea: {  	[tilespmem:s1], [sflag:$0x4] =	stream.indirect_vreg.gather [hbm4b:s6+s2], $0x80, v3, vm0, $0xb8;
	[tilespmem:$0x18600] =	vst v63  }
0xeb: {  	v3 =	vld [tilespmem:$0x470];
	_ =	sdelay $0x4  }
0xec: {  	v39 =	vshrl.u32 v3, $0x3  }
0xed: {  	v4 =	vmul.u32 $0x30, v39  }
0xee: {  	v3 =	vand.u32 $0x7, v3  }
0xef: {  	v3 =	vor.u32 v3, v4  }
0xf0: {  	v4 =	vperm.xlane v3, v0;
	_ =	sdelay $0x1  }
0xf1: {  	v4 =	vadd.s32 v1, v4;
	_ =	sdelay $0x3  }
0xf2: {  	s20 =	simm.s32 $0x15600;
	v3 =	vperm.xlane v3, v2  }
0xf3: {  	[tilespmem:s20], [sflag:$0x4] =	stream.indirect_vreg.gather [hbm4b:s4+s2], $0x80, v4, vm0, $0xb8;
	[tilespmem:$0x18600] =	vst v63  }
0xf4: {  	s21 =	simm.s32 $0x15E00;
	v3 =	vadd.s32 v1, v3  }
0xf5: {  	[tilespmem:s21], [sflag:$0x4] =	stream.indirect_vreg.gather [hbm4b:s5+s2], $0x80, v4, vm0, $0xb8;
	[tilespmem:$0x18600] =	vst v63  }
0xf6: {  	s25 =	simm.s32 $0x16600  }
0xf7: {  	[tilespmem:s25], [sflag:$0x4] =	stream.indirect_vreg.gather [hbm4b:s6+s2], $0x80, v4, vm0, $0xb8;
	[tilespmem:$0x18600] =	vst v63  }
0xf8: {  	s1 =	simm.s32 $0x16E00  }
0xf9: {  	[tilespmem:s1], [sflag:$0x4] =	stream.indirect_vreg.gather [hbm4b:s4+s2], $0x80, v3, vm0, $0xb8;
	[tilespmem:$0x18600] =	vst v63  }
0xfa: {  	s20 =	simm.s32 $0x17600  }
0xfb: {  	[tilespmem:s20], [sflag:$0x4] =	stream.indirect_vreg.gather [hbm4b:s5+s2], $0x80, v3, vm0, $0xb8;
	[tilespmem:$0x18600] =	vst v63  }
0xfc: {  	s21 =	simm.s32 $0x17E00  }
0xfd: {  	[tilespmem:s21], [sflag:$0x4] =	stream.indirect_vreg.gather [hbm4b:s6+s2], $0x80, v3, vm0, $0xb8;
	[tilespmem:$0x18600] =	vst v63  }
0xfe: {  	_ =	swait.ge [sflag:s13], $0x6000  }
0xff: {  	[sflag:s13] =	ssyncset.done $0x0  }
0x100: {  	s1 =	simm.s32 $0x6600;
	s25 =	rddreg [dreg:$0x7];
	[sflag:s13] =	ssyncadd.s32 $0xFFFFA000  }
0x101: {  	[hbm4b:s25+s2] =	stream.linear.scatter [tilespmem:s1], [sflag:$0x6], $0x6000, $0x38;
	[tilespmem:$0x18600] =	vst v63  }
0x102: {  	_ =	swait.ge [sflag:s14], $0x6000  }
0x103: {  	[sflag:s14] =	ssyncset.done $0x0  }
0x104: {  	[sflag:s14] =	ssyncadd.s32 $0xFFFFA000  }
0x105: {  	v3 =	vld [tilespmem:$0x480];
	_ =	sdelay $0x4  }
0x106: {  	v40 =	vshrl.u32 v3, $0x3  }
0x107: {  	v4 =	vmul.u32 $0x30, v40  }
0x108: {  	v3 =	vand.u32 $0x7, v3  }
0x109: {  	v3 =	vor.u32 v3, v4  }
0x10a: {  	v4 =	vperm.xlane v3, v0;
	_ =	sdelay $0x1  }
0x10b: {  	v4 =	vadd.s32 v1, v4;
	_ =	sdelay $0x3  }
0x10c: {  	v3 =	vperm.xlane v3, v2  }
0x10d: {  	[tilespmem:s0], [sflag:$0x1] =	stream.indirect_vreg.gather [hbm4b:s4+s2], $0x80, v4, vm0, $0xb8;
	[tilespmem:$0x18600] =	vst v63  }
0x10e: {  	s10 =	simm.s32 $0xE00;
	v3 =	vadd.s32 v1, v3  }
0x10f: {  	[tilespmem:s10], [sflag:$0x1] =	stream.indirect_vreg.gather [hbm4b:s5+s2], $0x80, v4, vm0, $0xb8;
	[tilespmem:$0x18600] =	vst v63  }
0x110: {  	s25 =	simm.s32 $0x1600  }
0x111: {  	[tilespmem:s25], [sflag:$0x1] =	stream.indirect_vreg.gather [hbm4b:s6+s2], $0x80, v4, vm0, $0xb8;
	[tilespmem:$0x18600] =	vst v63  }
0x112: {  	s7 =	simm.s32 $0x1E00  }
0x113: {  	[tilespmem:s7], [sflag:$0x1] =	stream.indirect_vreg.gather [hbm4b:s4+s2], $0x80, v3, vm0, $0xb8;
	[tilespmem:$0x18600] =	vst v63  }
0x114: {  	s15 =	simm.s32 $0x2600  }
0x115: {  	[tilespmem:s15], [sflag:$0x1] =	stream.indirect_vreg.gather [hbm4b:s5+s2], $0x80, v3, vm0, $0xb8;
	[tilespmem:$0x18600] =	vst v63  }
0x116: {  	s3 =	simm.s32 $0x2E00  }
0x117: {  	[tilespmem:s3], [sflag:$0x1] =	stream.indirect_vreg.gather [hbm4b:s6+s2], $0x80, v3, vm0, $0xb8;
	[tilespmem:$0x18600] =	vst v63  }
0x118: {  	v3 =	vld [tilespmem:$0x490];
	_ =	sdelay $0x4  }
0x119: {  	v41 =	vshrl.u32 v3, $0x3  }
0x11a: {  	v4 =	vmul.u32 $0x30, v41  }
0x11b: {  	v3 =	vand.u32 $0x7, v3  }
0x11c: {  	v3 =	vor.u32 v3, v4  }
0x11d: {  	v4 =	vperm.xlane v3, v0;
	_ =	sdelay $0x1  }
0x11e: {  	v4 =	vadd.s32 v1, v4;
	_ =	sdelay $0x3  }
0x11f: {  	s21 =	simm.s32 $0x3600;
	v3 =	vperm.xlane v3, v2  }
0x120: {  	[tilespmem:s21], [sflag:$0x1] =	stream.indirect_vreg.gather [hbm4b:s4+s2], $0x80, v4, vm0, $0xb8;
	[tilespmem:$0x18600] =	vst v63  }
0x121: {  	s16 =	simm.s32 $0x3E00;
	v3 =	vadd.s32 v1, v3  }
0x122: {  	[tilespmem:s16], [sflag:$0x1] =	stream.indirect_vreg.gather [hbm4b:s5+s2], $0x80, v4, vm0, $0xb8;
	[tilespmem:$0x18600] =	vst v63  }
0x123: {  	s17 =	simm.s32 $0x4600  }
0x124: {  	[tilespmem:s17], [sflag:$0x1] =	stream.indirect_vreg.gather [hbm4b:s6+s2], $0x80, v4, vm0, $0xb8;
	[tilespmem:$0x18600] =	vst v63  }
0x125: {  	s18 =	simm.s32 $0x4E00  }
0x126: {  	[tilespmem:s18], [sflag:$0x1] =	stream.indirect_vreg.gather [hbm4b:s4+s2], $0x80, v3, vm0, $0xb8;
	[tilespmem:$0x18600] =	vst v63  }
0x127: {  	s3 =	simm.s32 $0x5600  }
0x128: {  	[tilespmem:s3], [sflag:$0x1] =	stream.indirect_vreg.gather [hbm4b:s5+s2], $0x80, v3, vm0, $0xb8;
	[tilespmem:$0x18600] =	vst v63  }
0x129: {  	s20 =	simm.s32 $0x5E00;
	s15 =	simm.s32 $0x3  }
0x12a: {  	[tilespmem:s20], [sflag:$0x1] =	stream.indirect_vreg.gather [hbm4b:s6+s2], $0x80, v3, vm0, $0xb8;
	[tilespmem:$0x18600] =	vst v63  }
0x12b: {  	_ =	swait.ge [sflag:s15], $0x6000  }
0x12c: {  	s7 =	simm.s32 $0xC600;
	[sflag:s15] =	ssyncset.done $0x0  }
0x12d: {  	s16 =	simm.s32 $0x6;
	s0 =	rddreg [dreg:$0x8];
	[sflag:s15] =	ssyncadd.s32 $0xFFFFA000  }
0x12e: {  	[hbm4b:s0+s2] =	stream.linear.scatter [tilespmem:s7], [sflag:$0x7], $0x6000, $0x38;
	[tilespmem:$0x18600] =	vst v63  }
0x12f: {  	_ =	swait.ge [sflag:s16], $0x6000  }
0x130: {  	[sflag:s16] =	ssyncset.done $0x0  }
0x131: {  	[sflag:s16] =	ssyncadd.s32 $0xFFFFA000  }
0x132: {  	v3 =	vld [tilespmem:$0x4A0];
	_ =	sdelay $0x4  }
0x133: {  	v42 =	vshrl.u32 v3, $0x3  }
0x134: {  	v4 =	vmul.u32 $0x30, v42  }
0x135: {  	v3 =	vand.u32 $0x7, v3  }
0x136: {  	v3 =	vor.u32 v3, v4  }
0x137: {  	v4 =	vperm.xlane v3, v0;
	_ =	sdelay $0x1  }
0x138: {  	v4 =	vadd.s32 v1, v4;
	_ =	sdelay $0x3  }
0x139: {  	v3 =	vperm.xlane v3, v2  }
0x13a: {  	[tilespmem:s1], [sflag:$0x2] =	stream.indirect_vreg.gather [hbm4b:s4+s2], $0x80, v4, vm0, $0xb8;
	[tilespmem:$0x18600] =	vst v63  }
0x13b: {  	s9 =	simm.s32 $0x6E00;
	v3 =	vadd.s32 v1, v3  }
0x13c: {  	[tilespmem:s9], [sflag:$0x2] =	stream.indirect_vreg.gather [hbm4b:s5+s2], $0x80, v4, vm0, $0xb8;
	[tilespmem:$0x18600] =	vst v63  }
0x13d: {  	s11 =	simm.s32 $0x7600  }
0x13e: {  	[tilespmem:s11], [sflag:$0x2] =	stream.indirect_vreg.gather [hbm4b:s6+s2], $0x80, v4, vm0, $0xb8;
	[tilespmem:$0x18600] =	vst v63  }
0x13f: {  	s26 =	simm.s32 $0x7E00  }
0x140: {  	[tilespmem:s26], [sflag:$0x2] =	stream.indirect_vreg.gather [hbm4b:s4+s2], $0x80, v3, vm0, $0xb8;
	[tilespmem:$0x18600] =	vst v63  }
0x141: {  	s28 =	simm.s32 $0x8600  }
0x142: {  	[tilespmem:s28], [sflag:$0x2] =	stream.indirect_vreg.gather [hbm4b:s5+s2], $0x80, v3, vm0, $0xb8;
	[tilespmem:$0x18600] =	vst v63  }
0x143: {  	s8 =	simm.s32 $0x8E00  }
0x144: {  	[tilespmem:s8], [sflag:$0x2] =	stream.indirect_vreg.gather [hbm4b:s6+s2], $0x80, v3, vm0, $0xb8;
	[tilespmem:$0x18600] =	vst v63  }
0x145: {  	v3 =	vld [tilespmem:$0x4B0];
	_ =	sdelay $0x4  }
0x146: {  	v43 =	vshrl.u32 v3, $0x3  }
0x147: {  	v4 =	vmul.u32 $0x30, v43  }
0x148: {  	v3 =	vand.u32 $0x7, v3  }
0x149: {  	v3 =	vor.u32 v3, v4  }
0x14a: {  	v4 =	vperm.xlane v3, v0;
	_ =	sdelay $0x1  }
0x14b: {  	v4 =	vadd.s32 v1, v4;
	_ =	sdelay $0x3  }
0x14c: {  	s29 =	simm.s32 $0x9600;
	v3 =	vperm.xlane v3, v2  }
0x14d: {  	[tilespmem:s29], [sflag:$0x2] =	stream.indirect_vreg.gather [hbm4b:s4+s2], $0x80, v4, vm0, $0xb8;
	[tilespmem:$0x18600] =	vst v63  }
0x14e: {  	s30 =	simm.s32 $0x9E00;
	v3 =	vadd.s32 v1, v3  }
0x14f: {  	[tilespmem:s30], [sflag:$0x2] =	stream.indirect_vreg.gather [hbm4b:s5+s2], $0x80, v4, vm0, $0xb8;
	[tilespmem:$0x18600] =	vst v63  }
0x150: {  	s31 =	simm.s32 $0xA600  }
0x151: {  	[tilespmem:s31], [sflag:$0x2] =	stream.indirect_vreg.gather [hbm4b:s6+s2], $0x80, v4, vm0, $0xb8;
	[tilespmem:$0x18600] =	vst v63  }
0x152: {  	s29 =	simm.s32 $0xAE00  }
0x153: {  	[tilespmem:s29], [sflag:$0x2] =	stream.indirect_vreg.gather [hbm4b:s4+s2], $0x80, v3, vm0, $0xb8;
	[tilespmem:$0x18600] =	vst v63  }
0x154: {  	s8 =	simm.s32 $0xB600  }
0x155: {  	[tilespmem:s8], [sflag:$0x2] =	stream.indirect_vreg.gather [hbm4b:s5+s2], $0x80, v3, vm0, $0xb8;
	[tilespmem:$0x18600] =	vst v63  }
0x156: {  	s10 =	simm.s32 $0xBE00;
	s17 =	simm.s32 $0x4  }
0x157: {  	[tilespmem:s10], [sflag:$0x2] =	stream.indirect_vreg.gather [hbm4b:s6+s2], $0x80, v3, vm0, $0xb8;
	[tilespmem:$0x18600] =	vst v63  }
0x158: {  	_ =	swait.ge [sflag:s17], $0x6000  }
0x159: {  	[sflag:s17] =	ssyncset.done $0x0  }
0x15a: {  	s18 =	simm.s32 $0x7;
	s31 =	rddreg [dreg:$0x9];
	[sflag:s17] =	ssyncadd.s32 $0xFFFFA000  }
0x15b: {  	[hbm4b:s31+s2] =	stream.linear.scatter [tilespmem:s22], [sflag:$0x8], $0x6000, $0x38;
	[tilespmem:$0x18600] =	vst v63  }
0x15c: {  	_ =	swait.ge [sflag:s18], $0x6000  }
0x15d: {  	[sflag:s18] =	ssyncset.done $0x0  }
0x15e: {  	[sflag:s18] =	ssyncadd.s32 $0xFFFFA000  }
0x15f: {  	v3 =	vld [tilespmem:$0x4C0];
	_ =	sdelay $0x4  }
0x160: {  	v44 =	vshrl.u32 v3, $0x3  }
0x161: {  	v4 =	vmul.u32 $0x30, v44  }
0x162: {  	v3 =	vand.u32 $0x7, v3  }
0x163: {  	v3 =	vor.u32 v3, v4  }
0x164: {  	v4 =	vperm.xlane v3, v0;
	_ =	sdelay $0x1  }
0x165: {  	v4 =	vadd.s32 v1, v4;
	_ =	sdelay $0x3  }
0x166: {  	v3 =	vperm.xlane v3, v2  }
0x167: {  	[tilespmem:s7], [sflag:$0x3] =	stream.indirect_vreg.gather [hbm4b:s4+s2], $0x80, v4, vm0, $0xb8;
	[tilespmem:$0x18600] =	vst v63  }
0x168: {  	s9 =	simm.s32 $0xCE00;
	v3 =	vadd.s32 v1, v3  }
0x169: {  	[tilespmem:s9], [sflag:$0x3] =	stream.indirect_vreg.gather [hbm4b:s5+s2], $0x80, v4, vm0, $0xb8;
	[tilespmem:$0x18600] =	vst v63  }
0x16a: {  	s30 =	simm.s32 $0xD600  }
0x16b: {  	[tilespmem:s30], [sflag:$0x3] =	stream.indirect_vreg.gather [hbm4b:s6+s2], $0x80, v4, vm0, $0xb8;
	[tilespmem:$0x18600] =	vst v63  }
0x16c: {  	s31 =	simm.s32 $0xDE00  }
0x16d: {  	[tilespmem:s31], [sflag:$0x3] =	stream.indirect_vreg.gather [hbm4b:s4+s2], $0x80, v3, vm0, $0xb8;
	[tilespmem:$0x18600] =	vst v63  }
0x16e: {  	s11 =	simm.s32 $0xE600  }
0x16f: {  	[tilespmem:s11], [sflag:$0x3] =	stream.indirect_vreg.gather [hbm4b:s5+s2], $0x80, v3, vm0, $0xb8;
	[tilespmem:$0x18600] =	vst v63  }
0x170: {  	s23 =	simm.s32 $0xEE00  }
0x171: {  	[tilespmem:s23], [sflag:$0x3] =	stream.indirect_vreg.gather [hbm4b:s6+s2], $0x80, v3, vm0, $0xb8;
	[tilespmem:$0x18600] =	vst v63  }
0x172: {  	v3 =	vld [tilespmem:$0x4D0];
	_ =	sdelay $0x4  }
0x173: {  	v45 =	vshrl.u32 v3, $0x3  }
0x174: {  	v4 =	vmul.u32 $0x30, v45  }
0x175: {  	v3 =	vand.u32 $0x7, v3  }
0x176: {  	v3 =	vor.u32 v3, v4  }
0x177: {  	v4 =	vperm.xlane v3, v0;
	_ =	sdelay $0x1  }
0x178: {  	v4 =	vadd.s32 v1, v4;
	_ =	sdelay $0x3  }
0x179: {  	s24 =	simm.s32 $0xF600;
	v3 =	vperm.xlane v3, v2  }
0x17a: {  	[tilespmem:s24], [sflag:$0x3] =	stream.indirect_vreg.gather [hbm4b:s4+s2], $0x80, v4, vm0, $0xb8;
	[tilespmem:$0x18600] =	vst v63  }
0x17b: {  	s23 =	simm.s32 $0xFE00;
	v3 =	vadd.s32 v1, v3  }
0x17c: {  	[tilespmem:s23], [sflag:$0x3] =	stream.indirect_vreg.gather [hbm4b:s5+s2], $0x80, v4, vm0, $0xb8;
	[tilespmem:$0x18600] =	vst v63  }
0x17d: {  	s24 =	simm.s32 $0x10600  }
0x17e: {  	[tilespmem:s24], [sflag:$0x3] =	stream.indirect_vreg.gather [hbm4b:s6+s2], $0x80, v4, vm0, $0xb8;
	[tilespmem:$0x18600] =	vst v63  }
0x17f: {  	s26 =	simm.s32 $0x10E00  }
0x180: {  	[tilespmem:s26], [sflag:$0x3] =	stream.indirect_vreg.gather [hbm4b:s4+s2], $0x80, v3, vm0, $0xb8;
	[tilespmem:$0x18600] =	vst v63  }
0x181: {  	s28 =	simm.s32 $0x11600  }
0x182: {  	[tilespmem:s28], [sflag:$0x3] =	stream.indirect_vreg.gather [hbm4b:s5+s2], $0x80, v3, vm0, $0xb8;
	[tilespmem:$0x18600] =	vst v63  }
0x183: {  	s1 =	simm.s32 $0x11E00  }
0x184: {  	[tilespmem:s1], [sflag:$0x3] =	stream.indirect_vreg.gather [hbm4b:s6+s2], $0x80, v3, vm0, $0xb8;
	[tilespmem:$0x18600] =	vst v63  }
0x185: {  	_ =	swait.ge [sflag:s12], $0x6000  }
0x186: {  	[sflag:s12] =	ssyncset.done $0x0  }
0x187: {  	s0 =	simm.s32 $0x600;
	s7 =	rddreg [dreg:$0xa];
	[sflag:s12] =	ssyncadd.s32 $0xFFFFA000  }
0x188: {  	[hbm4b:s7+s2] =	stream.linear.scatter [tilespmem:s0], [sflag:$0x5], $0x6000, $0x38;
	[tilespmem:$0x18600] =	vst v63  }
0x189: {  	s7 =	simm.s32 $0x8  }
0x18a: {  	_ =	swait.ge [sflag:s7], $0x6000  }
0x18b: {  	[sflag:s7] =	ssyncset.done $0x0  }
0x18c: {  	[sflag:s7] =	ssyncadd.s32 $0xFFFFA000  }
0x18d: {  	v3 =	vld [tilespmem:$0x4E0];
	_ =	sdelay $0x4  }
0x18e: {  	v46 =	vshrl.u32 v3, $0x3  }
0x18f: {  	v4 =	vmul.u32 $0x30, v46  }
0x190: {  	v3 =	vand.u32 $0x7, v3  }
0x191: {  	v3 =	vor.u32 v3, v4  }
0x192: {  	v4 =	vperm.xlane v3, v0;
	_ =	sdelay $0x1  }
0x193: {  	v4 =	vadd.s32 v1, v4;
	_ =	sdelay $0x3  }
0x194: {  	v3 =	vperm.xlane v3, v2  }
0x195: {  	[tilespmem:s22], [sflag:$0x4] =	stream.indirect_vreg.gather [hbm4b:s4+s2], $0x80, v4, vm0, $0xb8;
	[tilespmem:$0x18600] =	vst v63  }
0x196: {  	s19 =	simm.s32 $0x12E00;
	v3 =	vadd.s32 v1, v3  }
0x197: {  	[tilespmem:s19], [sflag:$0x4] =	stream.indirect_vreg.gather [hbm4b:s5+s2], $0x80, v4, vm0, $0xb8;
	[tilespmem:$0x18600] =	vst v63  }
0x198: {  	s19 =	simm.s32 $0x13600  }
0x199: {  	[tilespmem:s19], [sflag:$0x4] =	stream.indirect_vreg.gather [hbm4b:s6+s2], $0x80, v4, vm0, $0xb8;
	[tilespmem:$0x18600] =	vst v63  }
0x19a: {  	s19 =	simm.s32 $0x13E00  }
0x19b: {  	[tilespmem:s19], [sflag:$0x4] =	stream.indirect_vreg.gather [hbm4b:s4+s2], $0x80, v3, vm0, $0xb8;
	[tilespmem:$0x18600] =	vst v63  }
0x19c: {  	s19 =	simm.s32 $0x14600  }
0x19d: {  	[tilespmem:s19], [sflag:$0x4] =	stream.indirect_vreg.gather [hbm4b:s5+s2], $0x80, v3, vm0, $0xb8;
	[tilespmem:$0x18600] =	vst v63  }
0x19e: {  	s19 =	simm.s32 $0x14E00  }
0x19f: {  	[tilespmem:s19], [sflag:$0x4] =	stream.indirect_vreg.gather [hbm4b:s6+s2], $0x80, v3, vm0, $0xb8;
	[tilespmem:$0x18600] =	vst v63  }
0x1a0: {  	v3 =	vld [tilespmem:$0x4F0];
	_ =	sdelay $0x4  }
0x1a1: {  	v47 =	vshrl.u32 v3, $0x3  }
0x1a2: {  	v4 =	vmul.u32 $0x30, v47  }
0x1a3: {  	v3 =	vand.u32 $0x7, v3  }
0x1a4: {  	v3 =	vor.u32 v3, v4  }
0x1a5: {  	v4 =	vperm.xlane v3, v0;
	_ =	sdelay $0x1  }
0x1a6: {  	v4 =	vadd.s32 v1, v4;
	_ =	sdelay $0x3  }
0x1a7: {  	s19 =	simm.s32 $0x15600;
	v3 =	vperm.xlane v3, v2  }
0x1a8: {  	[tilespmem:s19], [sflag:$0x4] =	stream.indirect_vreg.gather [hbm4b:s4+s2], $0x80, v4, vm0, $0xb8;
	[tilespmem:$0x18600] =	vst v63  }
0x1a9: {  	v3 =	vadd.s32 v1, v3;
	s19 =	simm.s32 $0x15E00  }
0x1aa: {  	[tilespmem:s19], [sflag:$0x4] =	stream.indirect_vreg.gather [hbm4b:s5+s2], $0x80, v4, vm0, $0xb8;
	[tilespmem:$0x18600] =	vst v63  }
0x1ab: {  	s19 =	simm.s32 $0x16600  }
0x1ac: {  	[tilespmem:s19], [sflag:$0x4] =	stream.indirect_vreg.gather [hbm4b:s6+s2], $0x80, v4, vm0, $0xb8;
	[tilespmem:$0x18600] =	vst v63  }
0x1ad: {  	s19 =	simm.s32 $0x16E00  }
0x1ae: {  	[tilespmem:s19], [sflag:$0x4] =	stream.indirect_vreg.gather [hbm4b:s4+s2], $0x80, v3, vm0, $0xb8;
	[tilespmem:$0x18600] =	vst v63  }
0x1af: {  	s19 =	simm.s32 $0x17600  }
0x1b0: {  	[tilespmem:s19], [sflag:$0x4] =	stream.indirect_vreg.gather [hbm4b:s5+s2], $0x80, v3, vm0, $0xb8;
	[tilespmem:$0x18600] =	vst v63  }
0x1b1: {  	s19 =	simm.s32 $0x17E00  }
0x1b2: {  	[tilespmem:s19], [sflag:$0x4] =	stream.indirect_vreg.gather [hbm4b:s6+s2], $0x80, v3, vm0, $0xb8;
	[tilespmem:$0x18600] =	vst v63  }
0x1b3: {  	_ =	swait.ge [sflag:s13], $0x6000  }
0x1b4: {  	[sflag:s13] =	ssyncset.done $0x0  }
0x1b5: {  	s1 =	simm.s32 $0x6600;
	s19 =	rddreg [dreg:$0xb];
	[sflag:s13] =	ssyncadd.s32 $0xFFFFA000  }
0x1b6: {  	[hbm4b:s19+s2] =	stream.linear.scatter [tilespmem:s1], [sflag:$0x6], $0x6000, $0x38;
	[tilespmem:$0x18600] =	vst v63  }
0x1b7: {  	_ =	swait.ge [sflag:s14], $0x6000  }
0x1b8: {  	[sflag:s14] =	ssyncset.done $0x0  }
0x1b9: {  	[sflag:s14] =	ssyncadd.s32 $0xFFFFA000  }
0x1ba: {  	v3 =	vld [tilespmem:$0x500];
	_ =	sdelay $0x4  }
0x1bb: {  	v48 =	vshrl.u32 v3, $0x3  }
0x1bc: {  	v4 =	vmul.u32 $0x30, v48  }
0x1bd: {  	v3 =	vand.u32 $0x7, v3  }
0x1be: {  	v3 =	vor.u32 v3, v4  }
0x1bf: {  	v4 =	vperm.xlane v3, v0;
	_ =	sdelay $0x1  }
0x1c0: {  	v4 =	vadd.s32 v1, v4;
	_ =	sdelay $0x3  }
0x1c1: {  	v3 =	vperm.xlane v3, v2  }
0x1c2: {  	[tilespmem:s0], [sflag:$0x1] =	stream.indirect_vreg.gather [hbm4b:s4+s2], $0x80, v4, vm0, $0xb8;
	[tilespmem:$0x18600] =	vst v63  }
0x1c3: {  	s19 =	simm.s32 $0xE00;
	v3 =	vadd.s32 v1, v3  }
0x1c4: {  	[tilespmem:s19], [sflag:$0x1] =	stream.indirect_vreg.gather [hbm4b:s5+s2], $0x80, v4, vm0, $0xb8;
	[tilespmem:$0x18600] =	vst v63  }
0x1c5: {  	_ = 	snop  }
0x1c6: {  	[tilespmem:s25], [sflag:$0x1] =	stream.indirect_vreg.gather [hbm4b:s6+s2], $0x80, v4, vm0, $0xb8;
	[tilespmem:$0x18600] =	vst v63  }
0x1c7: {  	s19 =	simm.s32 $0x1E00  }
0x1c8: {  	[tilespmem:s19], [sflag:$0x1] =	stream.indirect_vreg.gather [hbm4b:s4+s2], $0x80, v3, vm0, $0xb8;
	[tilespmem:$0x18600] =	vst v63  }
0x1c9: {  	s19 =	simm.s32 $0x2600  }
0x1ca: {  	[tilespmem:s19], [sflag:$0x1] =	stream.indirect_vreg.gather [hbm4b:s5+s2], $0x80, v3, vm0, $0xb8;
	[tilespmem:$0x18600] =	vst v63  }
0x1cb: {  	s19 =	simm.s32 $0x2E00  }
0x1cc: {  	[tilespmem:s19], [sflag:$0x1] =	stream.indirect_vreg.gather [hbm4b:s6+s2], $0x80, v3, vm0, $0xb8;
	[tilespmem:$0x18600] =	vst v63  }
0x1cd: {  	v3 =	vld [tilespmem:$0x510];
	_ =	sdelay $0x4  }
0x1ce: {  	v49 =	vshrl.u32 v3, $0x3  }
0x1cf: {  	v4 =	vmul.u32 $0x30, v49  }
0x1d0: {  	v3 =	vand.u32 $0x7, v3  }
0x1d1: {  	v3 =	vor.u32 v3, v4  }
0x1d2: {  	v4 =	vperm.xlane v3, v0;
	_ =	sdelay $0x1  }
0x1d3: {  	v4 =	vadd.s32 v1, v4;
	_ =	sdelay $0x3  }
0x1d4: {  	v3 =	vperm.xlane v3, v2  }
0x1d5: {  	[tilespmem:s21], [sflag:$0x1] =	stream.indirect_vreg.gather [hbm4b:s4+s2], $0x80, v4, vm0, $0xb8;
	[tilespmem:$0x18600] =	vst v63  }
0x1d6: {  	s19 =	simm.s32 $0x3E00;
	v3 =	vadd.s32 v1, v3  }
0x1d7: {  	[tilespmem:s19], [sflag:$0x1] =	stream.indirect_vreg.gather [hbm4b:s5+s2], $0x80, v4, vm0, $0xb8;
	[tilespmem:$0x18600] =	vst v63  }
0x1d8: {  	s19 =	simm.s32 $0x4600  }
0x1d9: {  	[tilespmem:s19], [sflag:$0x1] =	stream.indirect_vreg.gather [hbm4b:s6+s2], $0x80, v4, vm0, $0xb8;
	[tilespmem:$0x18600] =	vst v63  }
0x1da: {  	s19 =	simm.s32 $0x4E00  }
0x1db: {  	[tilespmem:s19], [sflag:$0x1] =	stream.indirect_vreg.gather [hbm4b:s4+s2], $0x80, v3, vm0, $0xb8;
	[tilespmem:$0x18600] =	vst v63  }
0x1dc: {  	_ = 	snop  }
0x1dd: {  	[tilespmem:s3], [sflag:$0x1] =	stream.indirect_vreg.gather [hbm4b:s5+s2], $0x80, v3, vm0, $0xb8;
	[tilespmem:$0x18600] =	vst v63  }
0x1de: {  	_ = 	snop  }
0x1df: {  	[tilespmem:s20], [sflag:$0x1] =	stream.indirect_vreg.gather [hbm4b:s6+s2], $0x80, v3, vm0, $0xb8;
	[tilespmem:$0x18600] =	vst v63  }
0x1e0: {  	_ =	swait.ge [sflag:s15], $0x6000  }
0x1e1: {  	[sflag:s15] =	ssyncset.done $0x0  }
0x1e2: {  	s3 =	simm.s32 $0xC600;
	s19 =	rddreg [dreg:$0xc];
	[sflag:s15] =	ssyncadd.s32 $0xFFFFA000  }
0x1e3: {  	[hbm4b:s19+s2] =	stream.linear.scatter [tilespmem:s3], [sflag:$0x7], $0x6000, $0x38;
	[tilespmem:$0x18600] =	vst v63  }
0x1e4: {  	_ =	swait.ge [sflag:s16], $0x6000  }
0x1e5: {  	[sflag:s16] =	ssyncset.done $0x0  }
0x1e6: {  	[sflag:s16] =	ssyncadd.s32 $0xFFFFA000  }
0x1e7: {  	v3 =	vld [tilespmem:$0x520];
	_ =	sdelay $0x4  }
0x1e8: {  	v50 =	vshrl.u32 v3, $0x3  }
0x1e9: {  	v4 =	vmul.u32 $0x30, v50  }
0x1ea: {  	v3 =	vand.u32 $0x7, v3  }
0x1eb: {  	v3 =	vor.u32 v3, v4  }
0x1ec: {  	v4 =	vperm.xlane v3, v0;
	_ =	sdelay $0x1  }
0x1ed: {  	v4 =	vadd.s32 v1, v4;
	_ =	sdelay $0x3  }
0x1ee: {  	v3 =	vperm.xlane v3, v2  }
0x1ef: {  	[tilespmem:s1], [sflag:$0x2] =	stream.indirect_vreg.gather [hbm4b:s4+s2], $0x80, v4, vm0, $0xb8;
	[tilespmem:$0x18600] =	vst v63  }
0x1f0: {  	s19 =	simm.s32 $0x6E00;
	v3 =	vadd.s32 v1, v3  }
0x1f1: {  	[tilespmem:s19], [sflag:$0x2] =	stream.indirect_vreg.gather [hbm4b:s5+s2], $0x80, v4, vm0, $0xb8;
	[tilespmem:$0x18600] =	vst v63  }
0x1f2: {  	s19 =	simm.s32 $0x7600  }
0x1f3: {  	[tilespmem:s19], [sflag:$0x2] =	stream.indirect_vreg.gather [hbm4b:s6+s2], $0x80, v4, vm0, $0xb8;
	[tilespmem:$0x18600] =	vst v63  }
0x1f4: {  	s19 =	simm.s32 $0x7E00  }
0x1f5: {  	[tilespmem:s19], [sflag:$0x2] =	stream.indirect_vreg.gather [hbm4b:s4+s2], $0x80, v3, vm0, $0xb8;
	[tilespmem:$0x18600] =	vst v63  }
0x1f6: {  	s19 =	simm.s32 $0x8600  }
0x1f7: {  	[tilespmem:s19], [sflag:$0x2] =	stream.indirect_vreg.gather [hbm4b:s5+s2], $0x80, v3, vm0, $0xb8;
	[tilespmem:$0x18600] =	vst v63  }
0x1f8: {  	s19 =	simm.s32 $0x8E00  }
0x1f9: {  	[tilespmem:s19], [sflag:$0x2] =	stream.indirect_vreg.gather [hbm4b:s6+s2], $0x80, v3, vm0, $0xb8;
	[tilespmem:$0x18600] =	vst v63  }
0x1fa: {  	v3 =	vld [tilespmem:$0x530];
	_ =	sdelay $0x4  }
0x1fb: {  	v51 =	vshrl.u32 v3, $0x3  }
0x1fc: {  	v4 =	vmul.u32 $0x30, v51  }
0x1fd: {  	v3 =	vand.u32 $0x7, v3  }
0x1fe: {  	v3 =	vor.u32 v3, v4  }
0x1ff: {  	v4 =	vperm.xlane v3, v0;
	_ =	sdelay $0x1  }
0x200: {  	v4 =	vadd.s32 v1, v4;
	_ =	sdelay $0x3  }
0x201: {  	s19 =	simm.s32 $0x9600;
	v3 =	vperm.xlane v3, v2  }
0x202: {  	[tilespmem:s19], [sflag:$0x2] =	stream.indirect_vreg.gather [hbm4b:s4+s2], $0x80, v4, vm0, $0xb8;
	[tilespmem:$0x18600] =	vst v63  }
0x203: {  	v3 =	vadd.s32 v1, v3;
	s19 =	simm.s32 $0x9E00  }
0x204: {  	[tilespmem:s19], [sflag:$0x2] =	stream.indirect_vreg.gather [hbm4b:s5+s2], $0x80, v4, vm0, $0xb8;
	[tilespmem:$0x18600] =	vst v63  }
0x205: {  	s19 =	simm.s32 $0xA600  }
0x206: {  	[tilespmem:s19], [sflag:$0x2] =	stream.indirect_vreg.gather [hbm4b:s6+s2], $0x80, v4, vm0, $0xb8;
	[tilespmem:$0x18600] =	vst v63  }
0x207: {  	_ = 	snop  }
0x208: {  	[tilespmem:s29], [sflag:$0x2] =	stream.indirect_vreg.gather [hbm4b:s4+s2], $0x80, v3, vm0, $0xb8;
	[tilespmem:$0x18600] =	vst v63  }
0x209: {  	_ = 	snop  }
0x20a: {  	[tilespmem:s8], [sflag:$0x2] =	stream.indirect_vreg.gather [hbm4b:s5+s2], $0x80, v3, vm0, $0xb8;
	[tilespmem:$0x18600] =	vst v63  }
0x20b: {  	_ = 	snop  }
0x20c: {  	[tilespmem:s10], [sflag:$0x2] =	stream.indirect_vreg.gather [hbm4b:s6+s2], $0x80, v3, vm0, $0xb8;
	[tilespmem:$0x18600] =	vst v63  }
0x20d: {  	_ =	swait.ge [sflag:s17], $0x6000  }
0x20e: {  	[sflag:s17] =	ssyncset.done $0x0  }
0x20f: {  	s10 =	rddreg [dreg:$0xd];
	[sflag:s17] =	ssyncadd.s32 $0xFFFFA000  }
0x210: {  	[hbm4b:s10+s2] =	stream.linear.scatter [tilespmem:s22], [sflag:$0x8], $0x6000, $0x38;
	[tilespmem:$0x18600] =	vst v63  }
0x211: {  	_ =	swait.ge [sflag:s18], $0x6000  }
0x212: {  	[sflag:s18] =	ssyncset.done $0x0  }
0x213: {  	[sflag:s18] =	ssyncadd.s32 $0xFFFFA000  }
0x214: {  	v3 =	vld [tilespmem:$0x540];
	_ =	sdelay $0x4  }
0x215: {  	v52 =	vshrl.u32 v3, $0x3  }
0x216: {  	v4 =	vmul.u32 $0x30, v52  }
0x217: {  	v3 =	vand.u32 $0x7, v3  }
0x218: {  	v3 =	vor.u32 v3, v4  }
0x219: {  	v4 =	vperm.xlane v3, v0;
	_ =	sdelay $0x1  }
0x21a: {  	v4 =	vadd.s32 v1, v4;
	_ =	sdelay $0x3  }
0x21b: {  	s3 =	simm.s32 $0xC600;
	v3 =	vperm.xlane v3, v2  }
0x21c: {  	[tilespmem:s3], [sflag:$0x3] =	stream.indirect_vreg.gather [hbm4b:s4+s2], $0x80, v4, vm0, $0xb8;
	[tilespmem:$0x18600] =	vst v63  }
0x21d: {  	v3 =	vadd.s32 v1, v3  }
0x21e: {  	[tilespmem:s9], [sflag:$0x3] =	stream.indirect_vreg.gather [hbm4b:s5+s2], $0x80, v4, vm0, $0xb8;
	[tilespmem:$0x18600] =	vst v63  }
0x21f: {  	_ = 	snop  }
0x220: {  	[tilespmem:s30], [sflag:$0x3] =	stream.indirect_vreg.gather [hbm4b:s6+s2], $0x80, v4, vm0, $0xb8;
	[tilespmem:$0x18600] =	vst v63  }
0x221: {  	_ = 	snop  }
0x222: {  	[tilespmem:s31], [sflag:$0x3] =	stream.indirect_vreg.gather [hbm4b:s4+s2], $0x80, v3, vm0, $0xb8;
	[tilespmem:$0x18600] =	vst v63  }
0x223: {  	_ = 	snop  }
0x224: {  	[tilespmem:s11], [sflag:$0x3] =	stream.indirect_vreg.gather [hbm4b:s5+s2], $0x80, v3, vm0, $0xb8;
	[tilespmem:$0x18600] =	vst v63  }
0x225: {  	s30 =	simm.s32 $0xEE00  }
0x226: {  	[tilespmem:s30], [sflag:$0x3] =	stream.indirect_vreg.gather [hbm4b:s6+s2], $0x80, v3, vm0, $0xb8;
	[tilespmem:$0x18600] =	vst v63  }
0x227: {  	v3 =	vld [tilespmem:$0x550];
	_ =	sdelay $0x4  }
0x228: {  	v53 =	vshrl.u32 v3, $0x3  }
0x229: {  	v4 =	vmul.u32 $0x30, v53  }
0x22a: {  	v3 =	vand.u32 $0x7, v3  }
0x22b: {  	v3 =	vor.u32 v3, v4  }
0x22c: {  	v4 =	vperm.xlane v3, v0;
	_ =	sdelay $0x1  }
0x22d: {  	v4 =	vadd.s32 v1, v4;
	_ =	sdelay $0x3  }
0x22e: {  	s31 =	simm.s32 $0xF600;
	v3 =	vperm.xlane v3, v2  }
0x22f: {  	[tilespmem:s31], [sflag:$0x3] =	stream.indirect_vreg.gather [hbm4b:s4+s2], $0x80, v4, vm0, $0xb8;
	[tilespmem:$0x18600] =	vst v63  }
0x230: {  	v3 =	vadd.s32 v1, v3  }
0x231: {  	[tilespmem:s23], [sflag:$0x3] =	stream.indirect_vreg.gather [hbm4b:s5+s2], $0x80, v4, vm0, $0xb8;
	[tilespmem:$0x18600] =	vst v63  }
0x232: {  	_ = 	snop  }
0x233: {  	[tilespmem:s24], [sflag:$0x3] =	stream.indirect_vreg.gather [hbm4b:s6+s2], $0x80, v4, vm0, $0xb8;
	[tilespmem:$0x18600] =	vst v63  }
0x234: {  	_ = 	snop  }
0x235: {  	[tilespmem:s26], [sflag:$0x3] =	stream.indirect_vreg.gather [hbm4b:s4+s2], $0x80, v3, vm0, $0xb8;
	[tilespmem:$0x18600] =	vst v63  }
0x236: {  	_ = 	snop  }
0x237: {  	[tilespmem:s28], [sflag:$0x3] =	stream.indirect_vreg.gather [hbm4b:s5+s2], $0x80, v3, vm0, $0xb8;
	[tilespmem:$0x18600] =	vst v63  }
0x238: {  	s30 =	simm.s32 $0x11E00  }
0x239: {  	[tilespmem:s30], [sflag:$0x3] =	stream.indirect_vreg.gather [hbm4b:s6+s2], $0x80, v3, vm0, $0xb8;
	[tilespmem:$0x18600] =	vst v63  }
0x23a: {  	_ =	swait.ge [sflag:s12], $0x6000  }
0x23b: {  	[sflag:s12] =	ssyncset.done $0x0  }
0x23c: {  	s31 =	rddreg [dreg:$0xe];
	[sflag:s12] =	ssyncadd.s32 $0xFFFFA000  }
0x23d: {  	[hbm4b:s31+s2] =	stream.linear.scatter [tilespmem:s0], [sflag:$0x5], $0x6000, $0x38;
	[tilespmem:$0x18600] =	vst v63  }
0x23e: {  	_ =	swait.ge [sflag:s7], $0x6000  }
0x23f: {  	[sflag:s7] =	ssyncset.done $0x0  }
0x240: {  	[sflag:s7] =	ssyncadd.s32 $0xFFFFA000  }
0x241: {  	v3 =	vld [tilespmem:$0x560];
	_ =	sdelay $0x4  }
0x242: {  	v54 =	vshrl.u32 v3, $0x3  }
0x243: {  	v4 =	vmul.u32 $0x30, v54  }
0x244: {  	v3 =	vand.u32 $0x7, v3  }
0x245: {  	v3 =	vor.u32 v3, v4  }
0x246: {  	v4 =	vperm.xlane v3, v0;
	_ =	sdelay $0x1  }
0x247: {  	v4 =	vadd.s32 v1, v4;
	_ =	sdelay $0x3  }
0x248: {  	v3 =	vperm.xlane v3, v2  }
0x249: {  	[tilespmem:s22], [sflag:$0x4] =	stream.indirect_vreg.gather [hbm4b:s4+s2], $0x80, v4, vm0, $0xb8;
	[tilespmem:$0x18600] =	vst v63  }
0x24a: {  	s30 =	simm.s32 $0x12E00;
	v3 =	vadd.s32 v1, v3  }
0x24b: {  	[tilespmem:s30], [sflag:$0x4] =	stream.indirect_vreg.gather [hbm4b:s5+s2], $0x80, v4, vm0, $0xb8;
	[tilespmem:$0x18600] =	vst v63  }
0x24c: {  	s31 =	simm.s32 $0x13600  }
0x24d: {  	[tilespmem:s31], [sflag:$0x4] =	stream.indirect_vreg.gather [hbm4b:s6+s2], $0x80, v4, vm0, $0xb8;
	[tilespmem:$0x18600] =	vst v63  }
0x24e: {  	s19 =	simm.s32 $0x13E00  }
0x24f: {  	[tilespmem:s19], [sflag:$0x4] =	stream.indirect_vreg.gather [hbm4b:s4+s2], $0x80, v3, vm0, $0xb8;
	[tilespmem:$0x18600] =	vst v63  }
0x250: {  	s19 =	simm.s32 $0x14600  }
0x251: {  	[tilespmem:s19], [sflag:$0x4] =	stream.indirect_vreg.gather [hbm4b:s5+s2], $0x80, v3, vm0, $0xb8;
	[tilespmem:$0x18600] =	vst v63  }
0x252: {  	s19 =	simm.s32 $0x14E00  }
0x253: {  	[tilespmem:s19], [sflag:$0x4] =	stream.indirect_vreg.gather [hbm4b:s6+s2], $0x80, v3, vm0, $0xb8;
	[tilespmem:$0x18600] =	vst v63  }
0x254: {  	v3 =	vld [tilespmem:$0x570];
	_ =	sdelay $0x4  }
0x255: {  	v55 =	vshrl.u32 v3, $0x3  }
0x256: {  	v4 =	vmul.u32 $0x30, v55  }
0x257: {  	v3 =	vand.u32 $0x7, v3  }
0x258: {  	v3 =	vor.u32 v3, v4  }
0x259: {  	v4 =	vperm.xlane v3, v0;
	_ =	sdelay $0x1  }
0x25a: {  	v4 =	vadd.s32 v1, v4;
	_ =	sdelay $0x3  }
0x25b: {  	s19 =	simm.s32 $0x15600;
	v3 =	vperm.xlane v3, v2  }
0x25c: {  	[tilespmem:s19], [sflag:$0x4] =	stream.indirect_vreg.gather [hbm4b:s4+s2], $0x80, v4, vm0, $0xb8;
	[tilespmem:$0x18600] =	vst v63  }
0x25d: {  	v3 =	vadd.s32 v1, v3;
	s19 =	simm.s32 $0x15E00  }
0x25e: {  	[tilespmem:s19], [sflag:$0x4] =	stream.indirect_vreg.gather [hbm4b:s5+s2], $0x80, v4, vm0, $0xb8;
	[tilespmem:$0x18600] =	vst v63  }
0x25f: {  	s19 =	simm.s32 $0x16600  }
0x260: {  	[tilespmem:s19], [sflag:$0x4] =	stream.indirect_vreg.gather [hbm4b:s6+s2], $0x80, v4, vm0, $0xb8;
	[tilespmem:$0x18600] =	vst v63  }
0x261: {  	s19 =	simm.s32 $0x16E00  }
0x262: {  	[tilespmem:s19], [sflag:$0x4] =	stream.indirect_vreg.gather [hbm4b:s4+s2], $0x80, v3, vm0, $0xb8;
	[tilespmem:$0x18600] =	vst v63  }
0x263: {  	s19 =	simm.s32 $0x17600  }
0x264: {  	[tilespmem:s19], [sflag:$0x4] =	stream.indirect_vreg.gather [hbm4b:s5+s2], $0x80, v3, vm0, $0xb8;
	[tilespmem:$0x18600] =	vst v63  }
0x265: {  	s19 =	simm.s32 $0x17E00  }
0x266: {  	[tilespmem:s19], [sflag:$0x4] =	stream.indirect_vreg.gather [hbm4b:s6+s2], $0x80, v3, vm0, $0xb8;
	[tilespmem:$0x18600] =	vst v63  }
0x267: {  	_ =	swait.ge [sflag:s13], $0x6000  }
0x268: {  	[sflag:s13] =	ssyncset.done $0x0  }
0x269: {  	s19 =	rddreg [dreg:$0xf];
	[sflag:s13] =	ssyncadd.s32 $0xFFFFA000  }
0x26a: {  	[hbm4b:s19+s2] =	stream.linear.scatter [tilespmem:s1], [sflag:$0x6], $0x6000, $0x38;
	[tilespmem:$0x18600] =	vst v63  }
0x26b: {  	_ =	swait.ge [sflag:s14], $0x6000  }
0x26c: {  	[sflag:s14] =	ssyncset.done $0x0  }
0x26d: {  	[sflag:s14] =	ssyncadd.s32 $0xFFFFA000  }
0x26e: {  	v3 =	vld [tilespmem:$0x580];
	_ =	sdelay $0x4  }
0x26f: {  	v56 =	vshrl.u32 v3, $0x3  }
0x270: {  	v4 =	vmul.u32 $0x30, v56  }
0x271: {  	v3 =	vand.u32 $0x7, v3  }
0x272: {  	v3 =	vor.u32 v3, v4  }
0x273: {  	v4 =	vperm.xlane v3, v0;
	_ =	sdelay $0x1  }
0x274: {  	v4 =	vadd.s32 v1, v4;
	_ =	sdelay $0x3  }
0x275: {  	s0 =	simm.s32 $0x600;
	v3 =	vperm.xlane v3, v2  }
0x276: {  	[tilespmem:s0], [sflag:$0x1] =	stream.indirect_vreg.gather [hbm4b:s4+s2], $0x80, v4, vm0, $0xb8;
	[tilespmem:$0x18600] =	vst v63  }
0x277: {  	s19 =	simm.s32 $0xE00;
	v3 =	vadd.s32 v1, v3  }
0x278: {  	[tilespmem:s19], [sflag:$0x1] =	stream.indirect_vreg.gather [hbm4b:s5+s2], $0x80, v4, vm0, $0xb8;
	[tilespmem:$0x18600] =	vst v63  }
0x279: {  	s25 =	simm.s32 $0x1600  }
0x27a: {  	[tilespmem:s25], [sflag:$0x1] =	stream.indirect_vreg.gather [hbm4b:s6+s2], $0x80, v4, vm0, $0xb8;
	[tilespmem:$0x18600] =	vst v63  }
0x27b: {  	s25 =	simm.s32 $0x1E00  }
0x27c: {  	[tilespmem:s25], [sflag:$0x1] =	stream.indirect_vreg.gather [hbm4b:s4+s2], $0x80, v3, vm0, $0xb8;
	[tilespmem:$0x18600] =	vst v63  }
0x27d: {  	s25 =	simm.s32 $0x2600  }
0x27e: {  	[tilespmem:s25], [sflag:$0x1] =	stream.indirect_vreg.gather [hbm4b:s5+s2], $0x80, v3, vm0, $0xb8;
	[tilespmem:$0x18600] =	vst v63  }
0x27f: {  	s25 =	simm.s32 $0x2E00  }
0x280: {  	[tilespmem:s25], [sflag:$0x1] =	stream.indirect_vreg.gather [hbm4b:s6+s2], $0x80, v3, vm0, $0xb8;
	[tilespmem:$0x18600] =	vst v63  }
0x281: {  	v3 =	vld [tilespmem:$0x590];
	_ =	sdelay $0x4  }
0x282: {  	v57 =	vshrl.u32 v3, $0x3  }
0x283: {  	v4 =	vmul.u32 $0x30, v57  }
0x284: {  	v3 =	vand.u32 $0x7, v3  }
0x285: {  	v3 =	vor.u32 v3, v4  }
0x286: {  	v4 =	vperm.xlane v3, v0;
	_ =	sdelay $0x1  }
0x287: {  	v4 =	vadd.s32 v1, v4;
	_ =	sdelay $0x3  }
0x288: {  	s21 =	simm.s32 $0x3600;
	v3 =	vperm.xlane v3, v2  }
0x289: {  	[tilespmem:s21], [sflag:$0x1] =	stream.indirect_vreg.gather [hbm4b:s4+s2], $0x80, v4, vm0, $0xb8;
	[tilespmem:$0x18600] =	vst v63  }
0x28a: {  	s25 =	simm.s32 $0x3E00;
	v3 =	vadd.s32 v1, v3  }
0x28b: {  	[tilespmem:s25], [sflag:$0x1] =	stream.indirect_vreg.gather [hbm4b:s5+s2], $0x80, v4, vm0, $0xb8;
	[tilespmem:$0x18600] =	vst v63  }
0x28c: {  	s21 =	simm.s32 $0x4600  }
0x28d: {  	[tilespmem:s21], [sflag:$0x1] =	stream.indirect_vreg.gather [hbm4b:s6+s2], $0x80, v4, vm0, $0xb8;
	[tilespmem:$0x18600] =	vst v63  }
0x28e: {  	s25 =	simm.s32 $0x4E00  }
0x28f: {  	[tilespmem:s25], [sflag:$0x1] =	stream.indirect_vreg.gather [hbm4b:s4+s2], $0x80, v3, vm0, $0xb8;
	[tilespmem:$0x18600] =	vst v63  }
0x290: {  	s21 =	simm.s32 $0x5600  }
0x291: {  	[tilespmem:s21], [sflag:$0x1] =	stream.indirect_vreg.gather [hbm4b:s5+s2], $0x80, v3, vm0, $0xb8;
	[tilespmem:$0x18600] =	vst v63  }
0x292: {  	s20 =	simm.s32 $0x5E00  }
0x293: {  	[tilespmem:s20], [sflag:$0x1] =	stream.indirect_vreg.gather [hbm4b:s6+s2], $0x80, v3, vm0, $0xb8;
	[tilespmem:$0x18600] =	vst v63  }
0x294: {  	_ =	swait.ge [sflag:s15], $0x6000  }
0x295: {  	[sflag:s15] =	ssyncset.done $0x0  }
0x296: {  	s25 =	rddreg [dreg:$0x10];
	[sflag:s15] =	ssyncadd.s32 $0xFFFFA000  }
0x297: {  	[hbm4b:s25+s2] =	stream.linear.scatter [tilespmem:s3], [sflag:$0x7], $0x6000, $0x38;
	[tilespmem:$0x18600] =	vst v63  }
0x298: {  	_ =	swait.ge [sflag:s16], $0x6000  }
0x299: {  	[sflag:s16] =	ssyncset.done $0x0  }
0x29a: {  	[sflag:s16] =	ssyncadd.s32 $0xFFFFA000  }
0x29b: {  	v3 =	vld [tilespmem:$0x5A0];
	_ =	sdelay $0x4  }
0x29c: {  	v58 =	vshrl.u32 v3, $0x3  }
0x29d: {  	v4 =	vmul.u32 $0x30, v58  }
0x29e: {  	v3 =	vand.u32 $0x7, v3  }
0x29f: {  	v3 =	vor.u32 v3, v4  }
0x2a0: {  	v4 =	vperm.xlane v3, v0;
	_ =	sdelay $0x1  }
0x2a1: {  	v4 =	vadd.s32 v1, v4;
	_ =	sdelay $0x3  }
0x2a2: {  	s1 =	simm.s32 $0x6600;
	v3 =	vperm.xlane v3, v2  }
0x2a3: {  	[tilespmem:s1], [sflag:$0x2] =	stream.indirect_vreg.gather [hbm4b:s4+s2], $0x80, v4, vm0, $0xb8;
	[tilespmem:$0x18600] =	vst v63  }
0x2a4: {  	s20 =	simm.s32 $0x6E00;
	v3 =	vadd.s32 v1, v3  }
0x2a5: {  	[tilespmem:s20], [sflag:$0x2] =	stream.indirect_vreg.gather [hbm4b:s5+s2], $0x80, v4, vm0, $0xb8;
	[tilespmem:$0x18600] =	vst v63  }
0x2a6: {  	s21 =	simm.s32 $0x7600  }
0x2a7: {  	[tilespmem:s21], [sflag:$0x2] =	stream.indirect_vreg.gather [hbm4b:s6+s2], $0x80, v4, vm0, $0xb8;
	[tilespmem:$0x18600] =	vst v63  }
0x2a8: {  	s25 =	simm.s32 $0x7E00  }
0x2a9: {  	[tilespmem:s25], [sflag:$0x2] =	stream.indirect_vreg.gather [hbm4b:s4+s2], $0x80, v3, vm0, $0xb8;
	[tilespmem:$0x18600] =	vst v63  }
0x2aa: {  	s20 =	simm.s32 $0x8600  }
0x2ab: {  	[tilespmem:s20], [sflag:$0x2] =	stream.indirect_vreg.gather [hbm4b:s5+s2], $0x80, v3, vm0, $0xb8;
	[tilespmem:$0x18600] =	vst v63  }
0x2ac: {  	s21 =	simm.s32 $0x8E00  }
0x2ad: {  	[tilespmem:s21], [sflag:$0x2] =	stream.indirect_vreg.gather [hbm4b:s6+s2], $0x80, v3, vm0, $0xb8;
	[tilespmem:$0x18600] =	vst v63  }
0x2ae: {  	v3 =	vld [tilespmem:$0x5B0];
	_ =	sdelay $0x4  }
0x2af: {  	v59 =	vshrl.u32 v3, $0x3  }
0x2b0: {  	v4 =	vmul.u32 $0x30, v59  }
0x2b1: {  	v3 =	vand.u32 $0x7, v3  }
0x2b2: {  	v3 =	vor.u32 v3, v4  }
0x2b3: {  	v4 =	vperm.xlane v3, v0;
	_ =	sdelay $0x1  }
0x2b4: {  	v4 =	vadd.s32 v1, v4;
	_ =	sdelay $0x3  }
0x2b5: {  	s25 =	simm.s32 $0x9600;
	v3 =	vperm.xlane v3, v2  }
0x2b6: {  	[tilespmem:s25], [sflag:$0x2] =	stream.indirect_vreg.gather [hbm4b:s4+s2], $0x80, v4, vm0, $0xb8;
	[tilespmem:$0x18600] =	vst v63  }
0x2b7: {  	s20 =	simm.s32 $0x9E00;
	v3 =	vadd.s32 v1, v3  }
0x2b8: {  	[tilespmem:s20], [sflag:$0x2] =	stream.indirect_vreg.gather [hbm4b:s5+s2], $0x80, v4, vm0, $0xb8;
	[tilespmem:$0x18600] =	vst v63  }
0x2b9: {  	s21 =	simm.s32 $0xA600  }
0x2ba: {  	[tilespmem:s21], [sflag:$0x2] =	stream.indirect_vreg.gather [hbm4b:s6+s2], $0x80, v4, vm0, $0xb8;
	[tilespmem:$0x18600] =	vst v63  }
0x2bb: {  	s29 =	simm.s32 $0xAE00  }
0x2bc: {  	[tilespmem:s29], [sflag:$0x2] =	stream.indirect_vreg.gather [hbm4b:s4+s2], $0x80, v3, vm0, $0xb8;
	[tilespmem:$0x18600] =	vst v63  }
0x2bd: {  	s25 =	simm.s32 $0xB600  }
0x2be: {  	[tilespmem:s25], [sflag:$0x2] =	stream.indirect_vreg.gather [hbm4b:s5+s2], $0x80, v3, vm0, $0xb8;
	[tilespmem:$0x18600] =	vst v63  }
0x2bf: {  	s29 =	simm.s32 $0xBE00  }
0x2c0: {  	[tilespmem:s29], [sflag:$0x2] =	stream.indirect_vreg.gather [hbm4b:s6+s2], $0x80, v3, vm0, $0xb8;
	[tilespmem:$0x18600] =	vst v63  }
0x2c1: {  	_ =	swait.ge [sflag:s17], $0x6000  }
0x2c2: {  	[sflag:s17] =	ssyncset.done $0x0  }
0x2c3: {  	s20 =	rddreg [dreg:$0x11];
	[sflag:s17] =	ssyncadd.s32 $0xFFFFA000  }
0x2c4: {  	[hbm4b:s20+s2] =	stream.linear.scatter [tilespmem:s22], [sflag:$0x8], $0x6000, $0x38;
	[tilespmem:$0x18600] =	vst v63  }
0x2c5: {  	_ =	swait.ge [sflag:s18], $0x6000  }
0x2c6: {  	[sflag:s18] =	ssyncset.done $0x0  }
0x2c7: {  	[sflag:s18] =	ssyncadd.s32 $0xFFFFA000  }
0x2c8: {  	v3 =	vld [tilespmem:$0x5C0];
	_ =	sdelay $0x4  }
0x2c9: {  	v60 =	vshrl.u32 v3, $0x3  }
0x2ca: {  	v4 =	vmul.u32 $0x30, v60  }
0x2cb: {  	v3 =	vand.u32 $0x7, v3  }
0x2cc: {  	v3 =	vor.u32 v3, v4  }
0x2cd: {  	v4 =	vperm.xlane v3, v0;
	_ =	sdelay $0x1  }
0x2ce: {  	v4 =	vadd.s32 v1, v4;
	_ =	sdelay $0x3  }
0x2cf: {  	v3 =	vperm.xlane v3, v2  }
0x2d0: {  	[tilespmem:s3], [sflag:$0x3] =	stream.indirect_vreg.gather [hbm4b:s4+s2], $0x80, v4, vm0, $0xb8;
	[tilespmem:$0x18600] =	vst v63  }
0x2d1: {  	s9 =	simm.s32 $0xCE00;
	v3 =	vadd.s32 v1, v3  }
0x2d2: {  	[tilespmem:s9], [sflag:$0x3] =	stream.indirect_vreg.gather [hbm4b:s5+s2], $0x80, v4, vm0, $0xb8;
	[tilespmem:$0x18600] =	vst v63  }
0x2d3: {  	s8 =	simm.s32 $0xD600  }
0x2d4: {  	[tilespmem:s8], [sflag:$0x3] =	stream.indirect_vreg.gather [hbm4b:s6+s2], $0x80, v4, vm0, $0xb8;
	[tilespmem:$0x18600] =	vst v63  }
0x2d5: {  	s10 =	simm.s32 $0xDE00  }
0x2d6: {  	[tilespmem:s10], [sflag:$0x3] =	stream.indirect_vreg.gather [hbm4b:s4+s2], $0x80, v3, vm0, $0xb8;
	[tilespmem:$0x18600] =	vst v63  }
0x2d7: {  	s11 =	simm.s32 $0xE600  }
0x2d8: {  	[tilespmem:s11], [sflag:$0x3] =	stream.indirect_vreg.gather [hbm4b:s5+s2], $0x80, v3, vm0, $0xb8;
	[tilespmem:$0x18600] =	vst v63  }
0x2d9: {  	s21 =	simm.s32 $0xEE00  }
0x2da: {  	[tilespmem:s21], [sflag:$0x3] =	stream.indirect_vreg.gather [hbm4b:s6+s2], $0x80, v3, vm0, $0xb8;
	[tilespmem:$0x18600] =	vst v63  }
0x2db: {  	v3 =	vld [tilespmem:$0x5D0];
	_ =	sdelay $0x4  }
0x2dc: {  	v61 =	vshrl.u32 v3, $0x3  }
0x2dd: {  	v4 =	vmul.u32 $0x30, v61  }
0x2de: {  	v3 =	vand.u32 $0x7, v3  }
0x2df: {  	v3 =	vor.u32 v3, v4  }
0x2e0: {  	v4 =	vperm.xlane v3, v0;
	_ =	sdelay $0x1  }
0x2e1: {  	v4 =	vadd.s32 v1, v4;
	_ =	sdelay $0x3  }
0x2e2: {  	s25 =	simm.s32 $0xF600;
	v3 =	vperm.xlane v3, v2  }
0x2e3: {  	[tilespmem:s25], [sflag:$0x3] =	stream.indirect_vreg.gather [hbm4b:s4+s2], $0x80, v4, vm0, $0xb8;
	[tilespmem:$0x18600] =	vst v63  }
0x2e4: {  	s23 =	simm.s32 $0xFE00;
	v3 =	vadd.s32 v1, v3  }
0x2e5: {  	[tilespmem:s23], [sflag:$0x3] =	stream.indirect_vreg.gather [hbm4b:s5+s2], $0x80, v4, vm0, $0xb8;
	[tilespmem:$0x18600] =	vst v63  }
0x2e6: {  	s24 =	simm.s32 $0x10600  }
0x2e7: {  	[tilespmem:s24], [sflag:$0x3] =	stream.indirect_vreg.gather [hbm4b:s6+s2], $0x80, v4, vm0, $0xb8;
	[tilespmem:$0x18600] =	vst v63  }
0x2e8: {  	s26 =	simm.s32 $0x10E00  }
0x2e9: {  	[tilespmem:s26], [sflag:$0x3] =	stream.indirect_vreg.gather [hbm4b:s4+s2], $0x80, v3, vm0, $0xb8;
	[tilespmem:$0x18600] =	vst v63  }
0x2ea: {  	s28 =	simm.s32 $0x11600  }
0x2eb: {  	[tilespmem:s28], [sflag:$0x3] =	stream.indirect_vreg.gather [hbm4b:s5+s2], $0x80, v3, vm0, $0xb8;
	[tilespmem:$0x18600] =	vst v63  }
0x2ec: {  	s29 =	simm.s32 $0x11E00  }
0x2ed: {  	[tilespmem:s29], [sflag:$0x3] =	stream.indirect_vreg.gather [hbm4b:s6+s2], $0x80, v3, vm0, $0xb8;
	[tilespmem:$0x18600] =	vst v63  }
0x2ee: {  	_ =	swait.ge [sflag:s12], $0x6000  }
0x2ef: {  	[sflag:s12] =	ssyncset.done $0x0  }
0x2f0: {  	s9 =	rddreg [dreg:$0x12];
	[sflag:s12] =	ssyncadd.s32 $0xFFFFA000  }
0x2f1: {  	[hbm4b:s9+s2] =	stream.linear.scatter [tilespmem:s0], [sflag:$0x5], $0x6000, $0x38;
	[tilespmem:$0x18600] =	vst v63  }
0x2f2: {  	_ =	swait.ge [sflag:s7], $0x6000  }
0x2f3: {  	[sflag:s7] =	ssyncset.done $0x0  }
0x2f4: {  	[sflag:s7] =	ssyncadd.s32 $0xFFFFA000  }
0x2f5: {  	v3 =	vld [tilespmem:$0x5E0];
	_ =	sdelay $0x4  }
0x2f6: {  	v62 =	vshrl.u32 v3, $0x3  }
0x2f7: {  	v4 =	vmul.u32 $0x30, v62  }
0x2f8: {  	v3 =	vand.u32 $0x7, v3  }
0x2f9: {  	v3 =	vor.u32 v3, v4  }
0x2fa: {  	v4 =	vperm.xlane v3, v0;
	_ =	sdelay $0x1  }
0x2fb: {  	v4 =	vadd.s32 v1, v4;
	_ =	sdelay $0x3  }
0x2fc: {  	v3 =	vperm.xlane v3, v2  }
0x2fd: {  	[tilespmem:s22], [sflag:$0x4] =	stream.indirect_vreg.gather [hbm4b:s4+s2], $0x80, v4, vm0, $0xb8;
	[tilespmem:$0x18600] =	vst v63  }
0x2fe: {  	s30 =	simm.s32 $0x12E00;
	v3 =	vadd.s32 v1, v3  }
0x2ff: {  	[tilespmem:s30], [sflag:$0x4] =	stream.indirect_vreg.gather [hbm4b:s5+s2], $0x80, v4, vm0, $0xb8;
	[tilespmem:$0x18600] =	vst v63  }
0x300: {  	s31 =	simm.s32 $0x13600  }
0x301: {  	[tilespmem:s31], [sflag:$0x4] =	stream.indirect_vreg.gather [hbm4b:s6+s2], $0x80, v4, vm0, $0xb8;
	[tilespmem:$0x18600] =	vst v63  }
0x302: {  	s10 =	simm.s32 $0x13E00  }
0x303: {  	[tilespmem:s10], [sflag:$0x4] =	stream.indirect_vreg.gather [hbm4b:s4+s2], $0x80, v3, vm0, $0xb8;
	[tilespmem:$0x18600] =	vst v63  }
0x304: {  	s11 =	simm.s32 $0x14600  }
0x305: {  	[tilespmem:s11], [sflag:$0x4] =	stream.indirect_vreg.gather [hbm4b:s5+s2], $0x80, v3, vm0, $0xb8;
	[tilespmem:$0x18600] =	vst v63  }
0x306: {  	s19 =	simm.s32 $0x14E00  }
0x307: {  	[tilespmem:s19], [sflag:$0x4] =	stream.indirect_vreg.gather [hbm4b:s6+s2], $0x80, v3, vm0, $0xb8;
	[tilespmem:$0x18600] =	vst v63  }
0x308: {  	v3 =	vld [tilespmem:$0x5F0];
	_ =	sdelay $0x4  }
0x309: {  	v63 =	vshrl.u32 v3, $0x3  }
0x30a: {  	v4 =	vmul.u32 $0x30, v63  }
0x30b: {  	v3 =	vand.u32 $0x7, v3  }
0x30c: {  	v3 =	vor.u32 v3, v4  }
0x30d: {  	v4 =	vperm.xlane v3, v0;
	_ =	sdelay $0x1  }
0x30e: {  	v4 =	vadd.s32 v1, v4;
	_ =	sdelay $0x3  }
0x30f: {  	s20 =	simm.s32 $0x15600;
	v3 =	vperm.xlane v3, v2  }
0x310: {  	[tilespmem:s20], [sflag:$0x4] =	stream.indirect_vreg.gather [hbm4b:s4+s2], $0x80, v4, vm0, $0xb8;
	[tilespmem:$0x18600] =	vst v63  }
0x311: {  	s21 =	simm.s32 $0x15E00;
	v3 =	vadd.s32 v1, v3  }
0x312: {  	[tilespmem:s21], [sflag:$0x4] =	stream.indirect_vreg.gather [hbm4b:s5+s2], $0x80, v4, vm0, $0xb8;
	[tilespmem:$0x18600] =	vst v63  }
0x313: {  	s23 =	simm.s32 $0x16600  }
0x314: {  	[tilespmem:s23], [sflag:$0x4] =	stream.indirect_vreg.gather [hbm4b:s6+s2], $0x80, v4, vm0, $0xb8;
	[tilespmem:$0x18600] =	vst v63  }
0x315: {  	s24 =	simm.s32 $0x16E00  }
0x316: {  	[tilespmem:s24], [sflag:$0x4] =	stream.indirect_vreg.gather [hbm4b:s4+s2], $0x80, v3, vm0, $0xb8;
	[tilespmem:$0x18600] =	vst v63  }
0x317: {  	s25 =	simm.s32 $0x17600  }
0x318: {  	[tilespmem:s25], [sflag:$0x4] =	stream.indirect_vreg.gather [hbm4b:s5+s2], $0x80, v3, vm0, $0xb8;
	[tilespmem:$0x18600] =	vst v63  }
0x319: {  	s26 =	simm.s32 $0x17E00  }
0x31a: {  	[tilespmem:s26], [sflag:$0x4] =	stream.indirect_vreg.gather [hbm4b:s6+s2], $0x80, v3, vm0, $0xb8;
	[tilespmem:$0x18600] =	vst v63  }
0x31b: {  	_ =	swait.ge [sflag:s13], $0x6000  }
0x31c: {  	[sflag:s13] =	ssyncset.done $0x0  }
0x31d: {  	s28 =	rddreg [dreg:$0x13];
	[sflag:s13] =	ssyncadd.s32 $0xFFFFA000  }
0x31e: {  	[hbm4b:s28+s2] =	stream.linear.scatter [tilespmem:s1], [sflag:$0x6], $0x6000, $0x38;
	[tilespmem:$0x18600] =	vst v63  }
0x31f: {  	s29 =	rddreg [dreg:$0x18];
	_ =	swait.ge [sflag:s15], $0x6000  }
0x320: {  	[sflag:s15] =	ssyncset.done $0x0  }
0x321: {  	s30 =	rddreg [dreg:$0x14];
	[sflag:s15] =	ssyncadd.s32 $0xFFFFA000  }
0x322: {  	[hbm4b:s30+s2] =	stream.linear.scatter [tilespmem:s3], [sflag:$0x7], $0x6000, $0x38;
	[tilespmem:$0x18600] =	vst v63  }
0x323: {  	_ =	swait.ge [sflag:s17], $0x6000  }
0x324: {  	[sflag:s17] =	ssyncset.done $0x0  }
0x325: {  	s31 =	rddreg [dreg:$0x15];
	[sflag:s17] =	ssyncadd.s32 $0xFFFFA000  }
0x326: {  	[hbm4b:s31+s2] =	stream.linear.scatter [tilespmem:s22], [sflag:$0x8], $0x6000, $0x38;
	[tilespmem:$0x18600] =	vst v63  }
0x327: {  	_ =	swait.ge [sflag:s14], $0x6000  }
0x328: {  	[sflag:s14] =	ssyncset.done $0x0  }
0x329: {  	[sflag:s14] =	ssyncadd.s32 $0xFFFFA000  }
0x32a: {  	_ =	swait.ge [sflag:s16], $0x6000  }
0x32b: {  	[sflag:s16] =	ssyncset.done $0x0  }
0x32c: {  	[sflag:s16] =	ssyncadd.s32 $0xFFFFA000  }
0x32d: {  	p0 =	sne.s32 s29, $0x1;
	_ =	swait.ge [sflag:s18], $0x6000  }
.Ltmp0:
0x32e: {  	[sflag:s18] =	ssyncset.done $0x0;
	(pc) =	sbr.rel @p0 .LBB2_1-.Ltmp0, $4  }
0x32f: {  	[sflag:s18] =	ssyncadd.s32 $0xFFFFA000  }
0x330: {  	_ =	swait.ge [sflag:s7], $0x6000  }
0x331: {  	[sflag:s7] =	ssyncset.done $0x0  }
0x332: {  	s1 =	sadd.s32 $0xFFFFFFFF, s29;
	[sflag:s7] =	ssyncadd.s32 $0xFFFFA000  }
0x333: {  	_ =	sfence.sel $0x180000  }
0x334: {  	[bflag:$0x0] =	sbarrier.arrive $0xFFFF  }
0x335: {  	_ =	strace $0x90000047  }
0x336: {  	s0 =	stileid.u32;
	[bflag:$0x2] =	sbarrier.arrive $0xFFFF  }
0x337: {  	p0 =	sne.s32 s0, $0x0;
	s0 =	rddreg [dreg:$0x4]  }
0x338: {  	s0 =	sadd.s32 @!p0 $0x100000, s0  }
0x339: {  	[sflag:s0] =	ssyncadd.tile.s32 @!p0 $0x1;
	_ =	shalt  }
.Lfunc_end2:
_tile_overlayer_lowered:
.L_overlay_start_2:
0x33a: {  	(tag) =	ssettag $0x2  }
0x33b: {  	s0 =	rddreg [dreg:$0x0];
	s2 =	stileid.u32  }
0x33c: {  	s1 =	rddreg [dreg:$0x1];
	p0 =	sne.s32 s2, $0x0  }
0x33d: {  	s3 =	rddreg [dreg:$0x2];
	[bflag:$0x3] =	sbarrier.arrive $0xFFFF;
	s2 =	simm.s32 @!p0 $0x1C09  }
0x33e: {  	[timem:s3], [sflag:s2] =	dma.local @!p0 [hbm:s0], s1  }
0x33f: {  	s0 =	simm.s32 @!p0 $0x9  }
0x340: {  	_ =	swait.ge @!p0 [sflag:s0], s1  }
0x341: {  	s1 =	ssub.s32 @!p0 $0x0, s1;
	[sflag:s0] =	ssyncset.done @!p0 $0x0  }
0x342: {  	[sflag:s0] =	ssyncadd.s32 @!p0 s1  }
0x343: {  	[bflag:$0x3] =	sbarrier.arrive $0xFFFF  }
0x344: {  	_ =	shalt  }

</sc_bundles>
